<compile_context>
chip_gen: v7x
topology: tpu7x:2x2x1
jax: 0.10.2.dev20260603
libtpu: 0.0.44.dev20260713+nightly
codegen_flags: <defaults>
</compile_context>

<pallas_src>
import functools
import jax
import jax.numpy as jnp
from jax import lax
from jax.experimental import pallas as pl
from jax.experimental.pallas import tpu as pltpu
from jax.experimental.pallas import tpu_sc as plsc

_NC = 2
_NS = 16
_NW = _NC * _NS


_CH = 128


def _sc_gather(table, idx):
    ecnt = idx.shape[0]
    d = table.shape[1]
    bpw = ecnt // _NW
    n_ch = bpw // _CH
    tail = bpw - n_ch * _CH
    mesh = plsc.VectorSubcoreMesh(core_axis_name="c", subcore_axis_name="s")

    @functools.partial(
        pl.kernel, mesh=mesh,
        out_type=jax.ShapeDtypeStruct((ecnt, d), jnp.float32),
        compiler_params=pltpu.CompilerParams(use_tc_tiling_on_sc=False),
        scratch_types=[
            pltpu.VMEM((_CH,), jnp.int32),
            pltpu.VMEM((_CH, d), jnp.float32),
            pltpu.VMEM((max(tail, 1),), jnp.int32),
            pltpu.VMEM((max(tail, 1), d), jnp.float32),
            pltpu.SemaphoreType.DMA,
        ],
    )
    def k(table_hbm, idx_hbm, out_hbm, idx_v, rows_v, idx_t, rows_t, sem):
        wid = lax.axis_index("s") * _NC + lax.axis_index("c")
        base = wid * bpw

        def body(j, carry):
            off = base + j * _CH
            pltpu.sync_copy(idx_hbm.at[pl.ds(off, _CH)], idx_v)
            pltpu.async_copy(table_hbm.at[idx_v], rows_v, sem).wait()
            pltpu.sync_copy(rows_v, out_hbm.at[pl.ds(off, _CH)])
            return carry

        lax.fori_loop(0, n_ch, body, 0)
        if tail:
            off = base + n_ch * _CH
            pltpu.sync_copy(idx_hbm.at[pl.ds(off, tail)], idx_t)
            pltpu.async_copy(table_hbm.at[idx_t], rows_t, sem).wait()
            pltpu.sync_copy(rows_t, out_hbm.at[pl.ds(off, tail)])

    return k(table, idx)


def _sc_scatter_add(m, dst, npad, zeros_hbm):
    ecnt, d = m.shape
    bpw = ecnt // _NW
    n_ch = bpw // _CH
    tail = bpw - n_ch * _CH
    rows_per_tile = npad // _NS
    mesh = plsc.VectorSubcoreMesh(core_axis_name="c", subcore_axis_name="s")

    @functools.partial(
        pl.kernel, mesh=mesh,
        out_type=jax.ShapeDtypeStruct((_NC * npad, d), jnp.float32),
        compiler_params=pltpu.CompilerParams(use_tc_tiling_on_sc=False),
        scratch_types=[
            pltpu.VMEM((_CH,), jnp.int32),
            pltpu.VMEM((_CH, d), jnp.float32),
            pltpu.VMEM((max(tail, 1),), jnp.int32),
            pltpu.VMEM((max(tail, 1), d), jnp.float32),
            pltpu.VMEM_SHARED((npad, d), jnp.float32),
        ],
    )
    def k(m_hbm, dst_hbm, z_hbm, out_hbm, idx_v, rows_v, idx_t, rows_t, acc):
        cid = lax.axis_index("c")
        sid = lax.axis_index("s")
        wid = sid * _NC + cid
        base = wid * bpw
        trow = sid * rows_per_tile
        pltpu.sync_copy(z_hbm.at[pl.ds(trow, rows_per_tile)],
                        acc.at[pl.ds(trow, rows_per_tile)])
        plsc.subcore_barrier()

        def body(j, carry):
            off = base + j * _CH
            pltpu.sync_copy(dst_hbm.at[pl.ds(off, _CH)], idx_v)
            pltpu.sync_copy(m_hbm.at[pl.ds(off, _CH)], rows_v)
            pltpu.sync_copy(rows_v, acc.at[idx_v], add=True)
            return carry

        lax.fori_loop(0, n_ch, body, 0)
        if tail:
            off = base + n_ch * _CH
            pltpu.sync_copy(dst_hbm.at[pl.ds(off, tail)], idx_t)
            pltpu.sync_copy(m_hbm.at[pl.ds(off, tail)], rows_t)
            pltpu.sync_copy(rows_t, acc.at[idx_t], add=True)
        plsc.subcore_barrier()
        pltpu.sync_copy(acc.at[pl.ds(trow, rows_per_tile)],
                        out_hbm.at[pl.ds(cid * npad + trow, rows_per_tile)])

    return k(m, dst, zeros_hbm).reshape(_NC, npad, d)


def _pick_block(n, target):
    if n % target == 0:
        return target
    return n


def _proj_kernel(h_ref, wT_ref, b_ref, o_ref):
    o_ref[...] = jax.nn.relu(
        jnp.dot(h_ref[...], wT_ref[...], preferred_element_type=jnp.float32)
        + b_ref[...]
    )


def _project_nodes(h, proj_WT, proj_b):
    n, d_in = h.shape
    d_out = proj_WT.shape[1]
    bn = _pick_block(n, 2000)
    return pl.pallas_call(
        _proj_kernel,
        grid=(n // bn,),
        in_specs=[
            pl.BlockSpec((bn, d_in), lambda i: (i, 0)),
            pl.BlockSpec((d_in, d_out), lambda i: (0, 0)),
            pl.BlockSpec((1, d_out), lambda i: (0, 0)),
        ],
        out_specs=pl.BlockSpec((bn, d_out), lambda i: (i, 0)),
        out_shape=jax.ShapeDtypeStruct((n, d_out), jnp.float32),
    )(h, proj_WT, proj_b.reshape(1, d_out))


def _msg_kernel(eT_ref, hs_ref, w1x_ref, t2_ref, b2mT_ref, m_ref):
    fT = jax.nn.relu(
        jnp.dot(w1x_ref[...], eT_ref[...], preferred_element_type=jnp.float32)
    )
    hsT = hs_ref[...].T
    d_out, b = hsT.shape
    d_eh = fT.shape[0]
    outerT = (hsT[:, None, :] * fT[None, :, :]).reshape(d_out * d_eh, b)
    mT = jnp.dot(t2_ref[...], outerT, preferred_element_type=jnp.float32)
    mT = mT + jnp.dot(b2mT_ref[...], hsT, preferred_element_type=jnp.float32)
    m_ref[...] = mT.T


def _messages(eT, hs, w1x, t2, b2mT):
    d_e1, ecnt = eT.shape
    d_out = hs.shape[1]
    d_eh = w1x.shape[0]
    be = _pick_block(ecnt, 640)
    return pl.pallas_call(
        _msg_kernel,
        grid=(ecnt // be,),
        in_specs=[
            pl.BlockSpec((d_e1, be), lambda i: (0, i)),
            pl.BlockSpec((be, d_out), lambda i: (i, 0)),
            pl.BlockSpec((d_eh, d_e1), lambda i: (0, 0)),
            pl.BlockSpec((d_out, d_out * d_eh), lambda i: (0, 0)),
            pl.BlockSpec((d_out, d_out), lambda i: (0, 0)),
        ],
        out_specs=pl.BlockSpec((be, d_out), lambda i: (i, 0)),
        out_shape=jax.ShapeDtypeStruct((ecnt, d_out), jnp.float32),
    )(eT, hs, w1x, t2, b2mT)


def _gru_kernel(pp_ref, ht_ref, gb_ref,
                wr_i_ref, wz_i_ref, wn_i_ref,
                wr_h_ref, wz_h_ref, wn_h_ref,
                br_i_ref, bz_i_ref, bn_i_ref,
                br_h_ref, bz_h_ref, bn_h_ref,
                o_ref):
    a = jax.nn.relu(pp_ref[0] + pp_ref[1] + gb_ref[...])
    ht = ht_ref[...]
    dot = functools.partial(jnp.dot, preferred_element_type=jnp.float32)
    r = jax.nn.sigmoid(dot(a, wr_i_ref[...]) + br_i_ref[...]
                       + dot(ht, wr_h_ref[...]) + br_h_ref[...])
    z = jax.nn.sigmoid(dot(a, wz_i_ref[...]) + bz_i_ref[...]
                       + dot(ht, wz_h_ref[...]) + bz_h_ref[...])
    nn = jnp.tanh(dot(a, wn_i_ref[...]) + bn_i_ref[...]
                  + r * (dot(ht, wn_h_ref[...]) + bn_h_ref[...]))
    o_ref[...] = (1.0 - z) * nn + z * ht


def _gru_update(partials, ht, gnn_b, gru_ws, gru_bs):
    n, d_out = ht.shape
    bn = _pick_block(n, 2000)
    mat_spec = pl.BlockSpec((d_out, d_out), lambda i: (0, 0))
    vec_spec = pl.BlockSpec((1, d_out), lambda i: (0, 0))
    return pl.pallas_call(
        _gru_kernel,
        grid=(n // bn,),
        in_specs=[
            pl.BlockSpec((partials.shape[0], bn, d_out), lambda i: (0, i, 0)),
            pl.BlockSpec((bn, d_out), lambda i: (i, 0)),
            vec_spec,
            mat_spec, mat_spec, mat_spec,
            mat_spec, mat_spec, mat_spec,
            vec_spec, vec_spec, vec_spec,
            vec_spec, vec_spec, vec_spec,
        ],
        out_specs=pl.BlockSpec((bn, d_out), lambda i: (i, 0)),
        out_shape=jax.ShapeDtypeStruct((n, d_out), jnp.float32),
    )(partials, ht, gnn_b.reshape(1, d_out), *gru_ws, *gru_bs)


def kernel(h, e, edge_index, proj_W, proj_b, edge_W1, edge_b1, edge_W2,
           edge_b2, gnn_b, W_ih, W_hh, b_ih, b_hh):
    n, d_in = h.shape
    ecnt, d_e = e.shape
    d_out = proj_W.shape[0]
    d_eh = edge_W1.shape[0]
    steps = 3

    src = edge_index[0]
    dst = edge_index[1]

    proj_WT = proj_W.T
    eT = jnp.concatenate(
        [e.T, jnp.ones((1, ecnt), jnp.float32)], axis=0)
    w1x = jnp.concatenate([edge_W1, edge_b1[:, None]], axis=1)
    t2 = (edge_W2.reshape(d_out, d_out, d_eh)
          .transpose(1, 0, 2)
          .reshape(d_out, d_out * d_eh))
    b2mT = edge_b2.reshape(d_out, d_out).T
    wih = W_ih.reshape(3, d_out, d_out)
    whh = W_hh.reshape(3, d_out, d_out)
    gru_ws = (wih[0].T, wih[1].T, wih[2].T, whh[0].T, whh[1].T, whh[2].T)
    bih = b_ih.reshape(3, 1, d_out)
    bhh = b_hh.reshape(3, 1, d_out)
    gru_bs = (bih[0], bih[1], bih[2], bhh[0], bhh[1], bhh[2])

    npad = ((n + 16 * _NS - 1) // (16 * _NS)) * (16 * _NS)
    zeros_hbm = jnp.zeros((npad, d_out), jnp.float32)

    hcur = _project_nodes(h, proj_WT, proj_b)
    ht = hcur
    for _ in range(steps):
        hs = _sc_gather(hcur, src)
        m = _messages(eT, hs, w1x, t2, b2mT)
        partials = _sc_scatter_add(m, dst, npad, zeros_hbm)
        hcur = _gru_update(partials, ht, gnn_b, gru_ws, gru_bs)
        ht = hcur
    return hcur

# --- scband reference (transcript-rebuilt; emitter-appended) ---
"""Pipeline reference for scband-mpnn-26740466385663 (READ-ONLY COPY).

The authoritative reference and input builder live on the scoring server;
editing this copy changes nothing except your own understanding.
"""

import jax, jax.numpy as jnp
import numpy as np

N = 10000
E = 160000
D_IN = 128
D_E = 16
D_OUT = 64
D_EH = 128
STEPS = 3


def setup_inputs(seed: int = 0) -> dict:
    key = jax.random.key(seed)
    ks = jax.random.split(key, 10)
    s = 0.05
    inp = {}
    inp["h"] = jax.random.normal(ks[0], (N, D_IN), dtype=jnp.float32)
    inp["e"] = jax.random.normal(ks[1], (E, D_E), dtype=jnp.float32)
    inp["edge_index"] = jax.random.randint(ks[2], (2, E), 0, N, dtype=jnp.int32)
    # learned parameters (PyTorch nn.Linear convention: W [out, in], y = x @ W.T + b)
    inp["proj_W"] = jax.random.normal(ks[3], (D_OUT, D_IN), dtype=jnp.float32) * s
    inp["proj_b"] = jnp.zeros((D_OUT,), dtype=jnp.float32)
    inp["edge_W1"] = jax.random.normal(ks[4], (D_EH, D_E), dtype=jnp.float32) * s
    inp["edge_b1"] = jnp.zeros((D_EH,), dtype=jnp.float32)
    inp["edge_W2"] = jax.random.normal(ks[5], (D_OUT * D_OUT, D_EH), dtype=jnp.float32) * s
    inp["edge_b2"] = jnp.zeros((D_OUT * D_OUT,), dtype=jnp.float32)
    inp["gnn_b"] = jnp.zeros((D_OUT,), dtype=jnp.float32)
    # GRU (single layer, seq_len=1): W_ih [3*H, H], W_hh [3*H, H]
    inp["W_ih"] = jax.random.normal(ks[6], (3 * D_OUT, D_OUT), dtype=jnp.float32) * s
    inp["W_hh"] = jax.random.normal(ks[7], (3 * D_OUT, D_OUT), dtype=jnp.float32) * s
    inp["b_ih"] = jnp.zeros((3 * D_OUT,), dtype=jnp.float32)
    inp["b_hh"] = jnp.zeros((3 * D_OUT,), dtype=jnp.float32)
    return inp


def _gru_cell(x, hp, W_ih, W_hh, b_ih, b_hh):
    # PyTorch GRU cell equations (gate order: r, z, n)
    gi = x @ W_ih.T + b_ih
    gh = hp @ W_hh.T + b_hh
    i_r, i_z, i_n = jnp.split(gi, 3, axis=1)
    h_r, h_z, h_n = jnp.split(gh, 3, axis=1)
    r = jax.nn.sigmoid(i_r + h_r)
    z = jax.nn.sigmoid(i_z + h_z)
    n = jnp.tanh(i_n + r * h_n)
    return (1.0 - z) * n + z * hp


def reference(h, e, edge_index, proj_W, proj_b, edge_W1, edge_b1, edge_W2, edge_b2, gnn_b, W_ih, W_hh, b_ih, b_hh):
    src = edge_index[0]
    dst = edge_index[1]
    # project_node_feats: Linear + ReLU
    hcur = jax.nn.relu(h @ proj_W.T + proj_b)
    ht = hcur  # GRU hidden state (layer dim squeezed)
    # NNConv edge network: e is constant across message-passing steps, so the
    # per-edge weight matrices are identical every step; compute them once.
    ew = jax.nn.relu(e @ edge_W1.T + edge_b1) @ edge_W2.T + edge_b2  # [E, D_OUT*D_OUT]
    W_e = ew.reshape(E, D_OUT, D_OUT)  # (edge, in_feats, out_feats)
    for _ in range(STEPS):
        # NNConv, aggregator 'sum': m_e = h_src[e] @ W_e; sum-scatter to dst; + bias
        m = jnp.einsum('ei,eio->eo', hcur[src], W_e)
        agg = jax.ops.segment_sum(m, dst, num_segments=N)
        a = jax.nn.relu(agg + gnn_b)
        # GRU update (seq_len=1)
        hcur = _gru_cell(a, ht, W_ih, W_hh, b_ih, b_hh)
        ht = hcur
    return hcur

if __name__ == "__main__":
    import jax
    _d = setup_inputs()
    print(jax.jit(kernel)(*tuple(_d.values())))

</pallas_src>

<mosaic_0001>
#map = affine_map<(d0, d1) -> (0, 0)>
#map1 = affine_map<(d0, d1) -> (0)>
module attributes {stable_mosaic.version = 14 : i64} {
  func.func @k(%arg0: i32, %arg1: i32, %arg2: memref<10000x64xf32, #tpu.memory_space<hbm>>, %arg3: memref<160000xi32, #tpu.memory_space<hbm>>, %arg4: memref<160000x64xf32, #tpu.memory_space<hbm>>, %arg5: memref<128xi32, #tpu.memory_space<vmem>>, %arg6: memref<128x64xf32, #tpu.memory_space<vmem>>, %arg7: memref<8xi32, #tpu.memory_space<vmem>>, %arg8: memref<8x64xf32, #tpu.memory_space<vmem>>, %arg9: memref<!tpu.dma_semaphore, #tpu.memory_space<semaphore_mem>>) attributes {dimension_semantics = [#tpu.dimension_semantics<core_parallel>, #tpu.dimension_semantics<subcore_parallel>], iteration_bounds = array<i64: 2, 16>, scalar_prefetch = 0 : i64, scratch_operands = 5 : i64, tpu.core_type = #tpu.core_type<sc_vector_subcore>, window_params = [{transform_indices = #map}, {transform_indices = #map1}, {transform_indices = #map}]} {
    %mul3A = arith.constant 2 : i32
    %mul3A_0 = arith.muli %arg1, %mul3A : i32
    %add3A = arith.addi %mul3A_0, %arg0 : i32
    %mul3A_1 = arith.constant 5000 : i32
    %mul3A_2 = arith.muli %add3A, %mul3A_1 : i32
    %scan3A = arith.constant 0 : i32
    %scan3A_3 = arith.constant 0 : i32
    %scan3A_4 = arith.constant 39 : i32
    %scan3A_5 = arith.addi %scan3A_3, %scan3A_4 : i32
    %scan3A_6 = arith.constant 1 : i32
    scf.for %scan3A_14 = %scan3A_3 to %scan3A_5 step %scan3A_6  : i32 {
      %mul3A_15 = arith.constant 128 : i32
      %mul3A_16 = arith.muli %scan3A_14, %mul3A_15 : i32
      %add3A_17 = arith.addi %mul3A_2, %mul3A_16 : i32
      "tpu.region"() ({
        %run_scoped3A = tpu.sem_alloc : memref<!tpu.dma_semaphore, #tpu.memory_space<semaphore_mem>>
        %dma_start3A_24 = tpu.memref_slice %arg3[%add3A_17] : memref<160000xi32, #tpu.memory_space<hbm>> -> memref<128xi32, #tpu.memory_space<hbm>>
        %dma_start3A_25 = tpu.memref_slice %arg3[%add3A_17] : memref<160000xi32, #tpu.memory_space<hbm>> -> memref<128xi32, #tpu.memory_space<hbm>>
        tpu.enqueue_dma source(%dma_start3A_25 : memref<128xi32, #tpu.memory_space<hbm>>) target(%arg5 : memref<128xi32, #tpu.memory_space<vmem>>) target_semaphore(%run_scoped3A : memref<!tpu.dma_semaphore, #tpu.memory_space<semaphore_mem>>)
        %dma_wait3A_26 = tpu.memref_slice %arg3[%add3A_17] : memref<160000xi32, #tpu.memory_space<hbm>> -> memref<128xi32, #tpu.memory_space<hbm>>
        %dma_wait3A_27 = tpu.memref_slice %arg3[%add3A_17] : memref<160000xi32, #tpu.memory_space<hbm>> -> memref<128xi32, #tpu.memory_space<hbm>>
        tpu.wait_dma2 semaphore(%run_scoped3A : memref<!tpu.dma_semaphore, #tpu.memory_space<semaphore_mem>>) src(%dma_wait3A_27 : memref<128xi32, #tpu.memory_space<hbm>>) dst(%arg5 : memref<128xi32, #tpu.memory_space<vmem>>)
        tpu.yield
      }) : () -> ()
      %dma_start3A_18 = arith.constant 0 : i32
      %dma_start3A_19 = arith.constant 0 : i32
      %dma_start3A_20 = tpu.memref_slice %arg2[%dma_start3A_18, %dma_start3A_19] : memref<10000x64xf32, #tpu.memory_space<hbm>> -> memref<10000x64xf32, #tpu.memory_space<hbm>>
      tpu.enqueue_indirect_dma source(%dma_start3A_20 : memref<10000x64xf32, #tpu.memory_space<hbm>>) target(%arg6 : memref<128x64xf32, #tpu.memory_space<vmem>>) offsets(%arg5 : memref<128xi32, #tpu.memory_space<vmem>>) semaphore(%arg9 : memref<!tpu.dma_semaphore, #tpu.memory_space<semaphore_mem>>)
      %dma_wait3A_21 = arith.constant 0 : i32
      %dma_wait3A_22 = arith.constant 0 : i32
      %dma_wait3A_23 = tpu.memref_slice %arg2[%dma_wait3A_21, %dma_wait3A_22] : memref<10000x64xf32, #tpu.memory_space<hbm>> -> memref<10000x64xf32, #tpu.memory_space<hbm>>
      tpu.wait_indirect_dma semaphore(%arg9 : memref<!tpu.dma_semaphore, #tpu.memory_space<semaphore_mem>>) src(%dma_wait3A_23 : memref<10000x64xf32, #tpu.memory_space<hbm>>) dst(%arg6 : memref<128x64xf32, #tpu.memory_space<vmem>>)
      "tpu.region"() ({
        %run_scoped3A = tpu.sem_alloc : memref<!tpu.dma_semaphore, #tpu.memory_space<semaphore_mem>>
        %dma_start3A_24 = arith.constant 0 : i32
        %dma_start3A_25 = tpu.memref_slice %arg4[%add3A_17, %dma_start3A_24] : memref<160000x64xf32, #tpu.memory_space<hbm>> -> memref<128x64xf32, #tpu.memory_space<hbm>>
        %dma_start3A_26 = arith.constant 0 : i32
        %dma_start3A_27 = tpu.memref_slice %arg4[%add3A_17, %dma_start3A_26] : memref<160000x64xf32, #tpu.memory_space<hbm>> -> memref<128x64xf32, #tpu.memory_space<hbm>>
        tpu.enqueue_dma source(%arg6 : memref<128x64xf32, #tpu.memory_space<vmem>>) target(%dma_start3A_27 : memref<128x64xf32, #tpu.memory_space<hbm>>) target_semaphore(%run_scoped3A : memref<!tpu.dma_semaphore, #tpu.memory_space<semaphore_mem>>)
        %dma_wait3A_28 = arith.constant 0 : i32
        %dma_wait3A_29 = tpu.memref_slice %arg4[%add3A_17, %dma_wait3A_28] : memref<160000x64xf32, #tpu.memory_space<hbm>> -> memref<128x64xf32, #tpu.memory_space<hbm>>
        %dma_wait3A_30 = arith.constant 0 : i32
        %dma_wait3A_31 = tpu.memref_slice %arg4[%add3A_17, %dma_wait3A_30] : memref<160000x64xf32, #tpu.memory_space<hbm>> -> memref<128x64xf32, #tpu.memory_space<hbm>>
        tpu.wait_dma2 semaphore(%run_scoped3A : memref<!tpu.dma_semaphore, #tpu.memory_space<semaphore_mem>>) src(%arg6 : memref<128x64xf32, #tpu.memory_space<vmem>>) dst(%dma_wait3A_31 : memref<128x64xf32, #tpu.memory_space<hbm>>)
        tpu.yield
      }) : () -> ()
    }
    %scan3A_7 = arith.constant 39 : i32
    %add3A_8 = arith.constant 4992 : i32
    %add3A_9 = arith.addi %mul3A_2, %add3A_8 : i32
    "tpu.region"() ({
      %run_scoped3A = tpu.sem_alloc : memref<!tpu.dma_semaphore, #tpu.memory_space<semaphore_mem>>
      %dma_start3A_14 = tpu.memref_slice %arg3[%add3A_9] : memref<160000xi32, #tpu.memory_space<hbm>> -> memref<8xi32, #tpu.memory_space<hbm>>
      %dma_start3A_15 = tpu.memref_slice %arg3[%add3A_9] : memref<160000xi32, #tpu.memory_space<hbm>> -> memref<8xi32, #tpu.memory_space<hbm>>
      tpu.enqueue_dma source(%dma_start3A_15 : memref<8xi32, #tpu.memory_space<hbm>>) target(%arg7 : memref<8xi32, #tpu.memory_space<vmem>>) target_semaphore(%run_scoped3A : memref<!tpu.dma_semaphore, #tpu.memory_space<semaphore_mem>>)
      %dma_wait3A_16 = tpu.memref_slice %arg3[%add3A_9] : memref<160000xi32, #tpu.memory_space<hbm>> -> memref<8xi32, #tpu.memory_space<hbm>>
      %dma_wait3A_17 = tpu.memref_slice %arg3[%add3A_9] : memref<160000xi32, #tpu.memory_space<hbm>> -> memref<8xi32, #tpu.memory_space<hbm>>
      tpu.wait_dma2 semaphore(%run_scoped3A : memref<!tpu.dma_semaphore, #tpu.memory_space<semaphore_mem>>) src(%dma_wait3A_17 : memref<8xi32, #tpu.memory_space<hbm>>) dst(%arg7 : memref<8xi32, #tpu.memory_space<vmem>>)
      tpu.yield
    }) : () -> ()
    %dma_start3A = arith.constant 0 : i32
    %dma_start3A_10 = arith.constant 0 : i32
    %dma_start3A_11 = tpu.memref_slice %arg2[%dma_start3A, %dma_start3A_10] : memref<10000x64xf32, #tpu.memory_space<hbm>> -> memref<10000x64xf32, #tpu.memory_space<hbm>>
    tpu.enqueue_indirect_dma source(%dma_start3A_11 : memref<10000x64xf32, #tpu.memory_space<hbm>>) target(%arg8 : memref<8x64xf32, #tpu.memory_space<vmem>>) offsets(%arg7 : memref<8xi32, #tpu.memory_space<vmem>>) semaphore(%arg9 : memref<!tpu.dma_semaphore, #tpu.memory_space<semaphore_mem>>)
    %dma_wait3A = arith.constant 0 : i32
    %dma_wait3A_12 = arith.constant 0 : i32
    %dma_wait3A_13 = tpu.memref_slice %arg2[%dma_wait3A, %dma_wait3A_12] : memref<10000x64xf32, #tpu.memory_space<hbm>> -> memref<10000x64xf32, #tpu.memory_space<hbm>>
    tpu.wait_indirect_dma semaphore(%arg9 : memref<!tpu.dma_semaphore, #tpu.memory_space<semaphore_mem>>) src(%dma_wait3A_13 : memref<10000x64xf32, #tpu.memory_space<hbm>>) dst(%arg8 : memref<8x64xf32, #tpu.memory_space<vmem>>)
    "tpu.region"() ({
      %run_scoped3A = tpu.sem_alloc : memref<!tpu.dma_semaphore, #tpu.memory_space<semaphore_mem>>
      %dma_start3A_14 = arith.constant 0 : i32
      %dma_start3A_15 = tpu.memref_slice %arg4[%add3A_9, %dma_start3A_14] : memref<160000x64xf32, #tpu.memory_space<hbm>> -> memref<8x64xf32, #tpu.memory_space<hbm>>
      %dma_start3A_16 = arith.constant 0 : i32
      %dma_start3A_17 = tpu.memref_slice %arg4[%add3A_9, %dma_start3A_16] : memref<160000x64xf32, #tpu.memory_space<hbm>> -> memref<8x64xf32, #tpu.memory_space<hbm>>
      tpu.enqueue_dma source(%arg8 : memref<8x64xf32, #tpu.memory_space<vmem>>) target(%dma_start3A_17 : memref<8x64xf32, #tpu.memory_space<hbm>>) target_semaphore(%run_scoped3A : memref<!tpu.dma_semaphore, #tpu.memory_space<semaphore_mem>>)
      %dma_wait3A_18 = arith.constant 0 : i32
      %dma_wait3A_19 = tpu.memref_slice %arg4[%add3A_9, %dma_wait3A_18] : memref<160000x64xf32, #tpu.memory_space<hbm>> -> memref<8x64xf32, #tpu.memory_space<hbm>>
      %dma_wait3A_20 = arith.constant 0 : i32
      %dma_wait3A_21 = tpu.memref_slice %arg4[%add3A_9, %dma_wait3A_20] : memref<160000x64xf32, #tpu.memory_space<hbm>> -> memref<8x64xf32, #tpu.memory_space<hbm>>
      tpu.wait_dma2 semaphore(%run_scoped3A : memref<!tpu.dma_semaphore, #tpu.memory_space<semaphore_mem>>) src(%arg8 : memref<8x64xf32, #tpu.memory_space<vmem>>) dst(%dma_wait3A_21 : memref<8x64xf32, #tpu.memory_space<hbm>>)
      tpu.yield
    }) : () -> ()
    return
  }
}

#map = affine_map<(d0, d1) -> (0, 0)>
#map1 = affine_map<(d0, d1) -> (0)>
module attributes {stable_mosaic.version = 14 : i64} {
  func.func @k(%arg0: i32, %arg1: i32, %arg2: memref<160000x64xf32, #tpu.memory_space<hbm>>, %arg3: memref<160000xi32, #tpu.memory_space<hbm>>, %arg4: memref<10240x64xf32, #tpu.memory_space<hbm>>, %arg5: memref<20480x64xf32, #tpu.memory_space<hbm>>, %arg6: memref<128xi32, #tpu.memory_space<vmem>>, %arg7: memref<128x64xf32, #tpu.memory_space<vmem>>, %arg8: memref<8xi32, #tpu.memory_space<vmem>>, %arg9: memref<8x64xf32, #tpu.memory_space<vmem>>, %arg10: memref<10240x64xf32, #tpu.memory_space<vmem_shared>>) attributes {dimension_semantics = [#tpu.dimension_semantics<core_parallel>, #tpu.dimension_semantics<subcore_parallel>], iteration_bounds = array<i64: 2, 16>, scalar_prefetch = 0 : i64, scratch_operands = 5 : i64, tpu.core_type = #tpu.core_type<sc_vector_subcore>, window_params = [{transform_indices = #map}, {transform_indices = #map1}, {transform_indices = #map}, {transform_indices = #map}]} {
    %mul3A = arith.constant 2 : i32
    %mul3A_0 = arith.muli %arg1, %mul3A : i32
    %add3A = arith.addi %mul3A_0, %arg0 : i32
    %mul3A_1 = arith.constant 5000 : i32
    %mul3A_2 = arith.muli %add3A, %mul3A_1 : i32
    %mul3A_3 = arith.constant 640 : i32
    %mul3A_4 = arith.muli %arg1, %mul3A_3 : i32
    "tpu.region"() ({
      %run_scoped3A = tpu.sem_alloc : memref<!tpu.dma_semaphore, #tpu.memory_space<semaphore_mem>>
      %dma_start3A = arith.constant 0 : i32
      %dma_start3A_16 = tpu.memref_slice %arg10[%mul3A_4, %dma_start3A] : memref<10240x64xf32, #tpu.memory_space<vmem_shared>> -> memref<640x64xf32, #tpu.memory_space<vmem_shared>>
      %dma_start3A_17 = arith.constant 0 : i32
      %dma_start3A_18 = tpu.memref_slice %arg4[%mul3A_4, %dma_start3A_17] : memref<10240x64xf32, #tpu.memory_space<hbm>> -> memref<640x64xf32, #tpu.memory_space<hbm>>
      tpu.enqueue_dma source(%dma_start3A_18 : memref<640x64xf32, #tpu.memory_space<hbm>>) target(%dma_start3A_16 : memref<640x64xf32, #tpu.memory_space<vmem_shared>>) target_semaphore(%run_scoped3A : memref<!tpu.dma_semaphore, #tpu.memory_space<semaphore_mem>>)
      %dma_wait3A = arith.constant 0 : i32
      %dma_wait3A_19 = tpu.memref_slice %arg10[%mul3A_4, %dma_wait3A] : memref<10240x64xf32, #tpu.memory_space<vmem_shared>> -> memref<640x64xf32, #tpu.memory_space<vmem_shared>>
      %dma_wait3A_20 = arith.constant 0 : i32
      %dma_wait3A_21 = tpu.memref_slice %arg4[%mul3A_4, %dma_wait3A_20] : memref<10240x64xf32, #tpu.memory_space<hbm>> -> memref<640x64xf32, #tpu.memory_space<hbm>>
      tpu.wait_dma2 semaphore(%run_scoped3A : memref<!tpu.dma_semaphore, #tpu.memory_space<semaphore_mem>>) src(%dma_wait3A_21 : memref<640x64xf32, #tpu.memory_space<hbm>>) dst(%dma_wait3A_19 : memref<640x64xf32, #tpu.memory_space<vmem_shared>>)
      tpu.yield
    }) : () -> ()
    %barrier3A = arith.constant 0 : index
    tpu.barrier barrier_id(%barrier3A)
    %scan3A = arith.constant 0 : i32
    %scan3A_5 = arith.constant 0 : i32
    %scan3A_6 = arith.constant 39 : i32
    %scan3A_7 = arith.addi %scan3A_5, %scan3A_6 : i32
    %scan3A_8 = arith.constant 1 : i32
    scf.for %scan3A_16 = %scan3A_5 to %scan3A_7 step %scan3A_8  : i32 {
      %mul3A_17 = arith.constant 128 : i32
      %mul3A_18 = arith.muli %scan3A_16, %mul3A_17 : i32
      %add3A_19 = arith.addi %mul3A_2, %mul3A_18 : i32
      "tpu.region"() ({
        %run_scoped3A = tpu.sem_alloc : memref<!tpu.dma_semaphore, #tpu.memory_space<semaphore_mem>>
        %dma_start3A = tpu.memref_slice %arg3[%add3A_19] : memref<160000xi32, #tpu.memory_space<hbm>> -> memref<128xi32, #tpu.memory_space<hbm>>
        %dma_start3A_20 = tpu.memref_slice %arg3[%add3A_19] : memref<160000xi32, #tpu.memory_space<hbm>> -> memref<128xi32, #tpu.memory_space<hbm>>
        tpu.enqueue_dma source(%dma_start3A_20 : memref<128xi32, #tpu.memory_space<hbm>>) target(%arg6 : memref<128xi32, #tpu.memory_space<vmem>>) target_semaphore(%run_scoped3A : memref<!tpu.dma_semaphore, #tpu.memory_space<semaphore_mem>>)
        %dma_wait3A = tpu.memref_slice %arg3[%add3A_19] : memref<160000xi32, #tpu.memory_space<hbm>> -> memref<128xi32, #tpu.memory_space<hbm>>
        %dma_wait3A_21 = tpu.memref_slice %arg3[%add3A_19] : memref<160000xi32, #tpu.memory_space<hbm>> -> memref<128xi32, #tpu.memory_space<hbm>>
        tpu.wait_dma2 semaphore(%run_scoped3A : memref<!tpu.dma_semaphore, #tpu.memory_space<semaphore_mem>>) src(%dma_wait3A_21 : memref<128xi32, #tpu.memory_space<hbm>>) dst(%arg6 : memref<128xi32, #tpu.memory_space<vmem>>)
        tpu.yield
      }) : () -> ()
      "tpu.region"() ({
        %run_scoped3A = tpu.sem_alloc : memref<!tpu.dma_semaphore, #tpu.memory_space<semaphore_mem>>
        %dma_start3A = arith.constant 0 : i32
        %dma_start3A_20 = tpu.memref_slice %arg2[%add3A_19, %dma_start3A] : memref<160000x64xf32, #tpu.memory_space<hbm>> -> memref<128x64xf32, #tpu.memory_space<hbm>>
        %dma_start3A_21 = arith.constant 0 : i32
        %dma_start3A_22 = tpu.memref_slice %arg2[%add3A_19, %dma_start3A_21] : memref<160000x64xf32, #tpu.memory_space<hbm>> -> memref<128x64xf32, #tpu.memory_space<hbm>>
        tpu.enqueue_dma source(%dma_start3A_22 : memref<128x64xf32, #tpu.memory_space<hbm>>) target(%arg7 : memref<128x64xf32, #tpu.memory_space<vmem>>) target_semaphore(%run_scoped3A : memref<!tpu.dma_semaphore, #tpu.memory_space<semaphore_mem>>)
        %dma_wait3A = arith.constant 0 : i32
        %dma_wait3A_23 = tpu.memref_slice %arg2[%add3A_19, %dma_wait3A] : memref<160000x64xf32, #tpu.memory_space<hbm>> -> memref<128x64xf32, #tpu.memory_space<hbm>>
        %dma_wait3A_24 = arith.constant 0 : i32
        %dma_wait3A_25 = tpu.memref_slice %arg2[%add3A_19, %dma_wait3A_24] : memref<160000x64xf32, #tpu.memory_space<hbm>> -> memref<128x64xf32, #tpu.memory_space<hbm>>
        tpu.wait_dma2 semaphore(%run_scoped3A : memref<!tpu.dma_semaphore, #tpu.memory_space<semaphore_mem>>) src(%dma_wait3A_25 : memref<128x64xf32, #tpu.memory_space<hbm>>) dst(%arg7 : memref<128x64xf32, #tpu.memory_space<vmem>>)
        tpu.yield
      }) : () -> ()
      "tpu.region"() ({
        %run_scoped3A = tpu.sem_alloc : memref<!tpu.dma_semaphore, #tpu.memory_space<semaphore_mem>>
        %dma_start3A = arith.constant 0 : i32
        %dma_start3A_20 = arith.constant 0 : i32
        %dma_start3A_21 = tpu.memref_slice %arg10[%dma_start3A, %dma_start3A_20] : memref<10240x64xf32, #tpu.memory_space<vmem_shared>> -> memref<10240x64xf32, #tpu.memory_space<vmem_shared>>
        tpu.enqueue_indirect_dma source(%arg7 : memref<128x64xf32, #tpu.memory_space<vmem>>) target(%dma_start3A_21 : memref<10240x64xf32, #tpu.memory_space<vmem_shared>>) offsets(%arg6 : memref<128xi32, #tpu.memory_space<vmem>>) semaphore(%run_scoped3A : memref<!tpu.dma_semaphore, #tpu.memory_space<semaphore_mem>>) {add = true}
        %dma_wait3A = arith.constant 0 : i32
        %dma_wait3A_22 = arith.constant 0 : i32
        %dma_wait3A_23 = tpu.memref_slice %arg10[%dma_wait3A, %dma_wait3A_22] : memref<10240x64xf32, #tpu.memory_space<vmem_shared>> -> memref<10240x64xf32, #tpu.memory_space<vmem_shared>>
        tpu.wait_indirect_dma semaphore(%run_scoped3A : memref<!tpu.dma_semaphore, #tpu.memory_space<semaphore_mem>>) src(%arg7 : memref<128x64xf32, #tpu.memory_space<vmem>>) dst(%dma_wait3A_23 : memref<10240x64xf32, #tpu.memory_space<vmem_shared>>)
        tpu.yield
      }) : () -> ()
    }
    %scan3A_9 = arith.constant 39 : i32
    %add3A_10 = arith.constant 4992 : i32
    %add3A_11 = arith.addi %mul3A_2, %add3A_10 : i32
    "tpu.region"() ({
      %run_scoped3A = tpu.sem_alloc : memref<!tpu.dma_semaphore, #tpu.memory_space<semaphore_mem>>
      %dma_start3A = tpu.memref_slice %arg3[%add3A_11] : memref<160000xi32, #tpu.memory_space<hbm>> -> memref<8xi32, #tpu.memory_space<hbm>>
      %dma_start3A_16 = tpu.memref_slice %arg3[%add3A_11] : memref<160000xi32, #tpu.memory_space<hbm>> -> memref<8xi32, #tpu.memory_space<hbm>>
      tpu.enqueue_dma source(%dma_start3A_16 : memref<8xi32, #tpu.memory_space<hbm>>) target(%arg8 : memref<8xi32, #tpu.memory_space<vmem>>) target_semaphore(%run_scoped3A : memref<!tpu.dma_semaphore, #tpu.memory_space<semaphore_mem>>)
      %dma_wait3A = tpu.memref_slice %arg3[%add3A_11] : memref<160000xi32, #tpu.memory_space<hbm>> -> memref<8xi32, #tpu.memory_space<hbm>>
      %dma_wait3A_17 = tpu.memref_slice %arg3[%add3A_11] : memref<160000xi32, #tpu.memory_space<hbm>> -> memref<8xi32, #tpu.memory_space<hbm>>
      tpu.wait_dma2 semaphore(%run_scoped3A : memref<!tpu.dma_semaphore, #tpu.memory_space<semaphore_mem>>) src(%dma_wait3A_17 : memref<8xi32, #tpu.memory_space<hbm>>) dst(%arg8 : memref<8xi32, #tpu.memory_space<vmem>>)
      tpu.yield
    }) : () -> ()
    "tpu.region"() ({
      %run_scoped3A = tpu.sem_alloc : memref<!tpu.dma_semaphore, #tpu.memory_space<semaphore_mem>>
      %dma_start3A = arith.constant 0 : i32
      %dma_start3A_16 = tpu.memref_slice %arg2[%add3A_11, %dma_start3A] : memref<160000x64xf32, #tpu.memory_space<hbm>> -> memref<8x64xf32, #tpu.memory_space<hbm>>
      %dma_start3A_17 = arith.constant 0 : i32
      %dma_start3A_18 = tpu.memref_slice %arg2[%add3A_11, %dma_start3A_17] : memref<160000x64xf32, #tpu.memory_space<hbm>> -> memref<8x64xf32, #tpu.memory_space<hbm>>
      tpu.enqueue_dma source(%dma_start3A_18 : memref<8x64xf32, #tpu.memory_space<hbm>>) target(%arg9 : memref<8x64xf32, #tpu.memory_space<vmem>>) target_semaphore(%run_scoped3A : memref<!tpu.dma_semaphore, #tpu.memory_space<semaphore_mem>>)
      %dma_wait3A = arith.constant 0 : i32
      %dma_wait3A_19 = tpu.memref_slice %arg2[%add3A_11, %dma_wait3A] : memref<160000x64xf32, #tpu.memory_space<hbm>> -> memref<8x64xf32, #tpu.memory_space<hbm>>
      %dma_wait3A_20 = arith.constant 0 : i32
      %dma_wait3A_21 = tpu.memref_slice %arg2[%add3A_11, %dma_wait3A_20] : memref<160000x64xf32, #tpu.memory_space<hbm>> -> memref<8x64xf32, #tpu.memory_space<hbm>>
      tpu.wait_dma2 semaphore(%run_scoped3A : memref<!tpu.dma_semaphore, #tpu.memory_space<semaphore_mem>>) src(%dma_wait3A_21 : memref<8x64xf32, #tpu.memory_space<hbm>>) dst(%arg9 : memref<8x64xf32, #tpu.memory_space<vmem>>)
      tpu.yield
    }) : () -> ()
    "tpu.region"() ({
      %run_scoped3A = tpu.sem_alloc : memref<!tpu.dma_semaphore, #tpu.memory_space<semaphore_mem>>
      %dma_start3A = arith.constant 0 : i32
      %dma_start3A_16 = arith.constant 0 : i32
      %dma_start3A_17 = tpu.memref_slice %arg10[%dma_start3A, %dma_start3A_16] : memref<10240x64xf32, #tpu.memory_space<vmem_shared>> -> memref<10240x64xf32, #tpu.memory_space<vmem_shared>>
      tpu.enqueue_indirect_dma source(%arg9 : memref<8x64xf32, #tpu.memory_space<vmem>>) target(%dma_start3A_17 : memref<10240x64xf32, #tpu.memory_space<vmem_shared>>) offsets(%arg8 : memref<8xi32, #tpu.memory_space<vmem>>) semaphore(%run_scoped3A : memref<!tpu.dma_semaphore, #tpu.memory_space<semaphore_mem>>) {add = true}
      %dma_wait3A = arith.constant 0 : i32
      %dma_wait3A_18 = arith.constant 0 : i32
      %dma_wait3A_19 = tpu.memref_slice %arg10[%dma_wait3A, %dma_wait3A_18] : memref<10240x64xf32, #tpu.memory_space<vmem_shared>> -> memref<10240x64xf32, #tpu.memory_space<vmem_shared>>
      tpu.wait_indirect_dma semaphore(%run_scoped3A : memref<!tpu.dma_semaphore, #tpu.memory_space<semaphore_mem>>) src(%arg9 : memref<8x64xf32, #tpu.memory_space<vmem>>) dst(%dma_wait3A_19 : memref<10240x64xf32, #tpu.memory_space<vmem_shared>>)
      tpu.yield
    }) : () -> ()
    %barrier3A_12 = arith.constant 0 : index
    tpu.barrier barrier_id(%barrier3A_12)
    %mul3A_13 = arith.constant 10240 : i32
    %mul3A_14 = arith.muli %arg0, %mul3A_13 : i32
    %add3A_15 = arith.addi %mul3A_14, %mul3A_4 : i32
    "tpu.region"() ({
      %run_scoped3A = tpu.sem_alloc : memref<!tpu.dma_semaphore, #tpu.memory_space<semaphore_mem>>
      %dma_start3A = arith.constant 0 : i32
      %dma_start3A_16 = tpu.memref_slice %arg5[%add3A_15, %dma_start3A] : memref<20480x64xf32, #tpu.memory_space<hbm>> -> memref<640x64xf32, #tpu.memory_space<hbm>>
      %dma_start3A_17 = arith.constant 0 : i32
      %dma_start3A_18 = tpu.memref_slice %arg10[%mul3A_4, %dma_start3A_17] : memref<10240x64xf32, #tpu.memory_space<vmem_shared>> -> memref<640x64xf32, #tpu.memory_space<vmem_shared>>
      tpu.enqueue_dma source(%dma_start3A_18 : memref<640x64xf32, #tpu.memory_space<vmem_shared>>) target(%dma_start3A_16 : memref<640x64xf32, #tpu.memory_space<hbm>>) target_semaphore(%run_scoped3A : memref<!tpu.dma_semaphore, #tpu.memory_space<semaphore_mem>>)
      %dma_wait3A = arith.constant 0 : i32
      %dma_wait3A_19 = tpu.memref_slice %arg5[%add3A_15, %dma_wait3A] : memref<20480x64xf32, #tpu.memory_space<hbm>> -> memref<640x64xf32, #tpu.memory_space<hbm>>
      %dma_wait3A_20 = arith.constant 0 : i32
      %dma_wait3A_21 = tpu.memref_slice %arg10[%mul3A_4, %dma_wait3A_20] : memref<10240x64xf32, #tpu.memory_space<vmem_shared>> -> memref<640x64xf32, #tpu.memory_space<vmem_shared>>
      tpu.wait_dma2 semaphore(%run_scoped3A : memref<!tpu.dma_semaphore, #tpu.memory_space<semaphore_mem>>) src(%dma_wait3A_21 : memref<640x64xf32, #tpu.memory_space<vmem_shared>>) dst(%dma_wait3A_19 : memref<640x64xf32, #tpu.memory_space<hbm>>)
      tpu.yield
    }) : () -> ()
    return
  }
}

#map = affine_map<(d0, d1) -> (0, 0)>
#map1 = affine_map<(d0, d1) -> (0)>
module attributes {stable_mosaic.version = 14 : i64} {
  func.func @k(%arg0: i32, %arg1: i32, %arg2: memref<10000x64xf32, #tpu.memory_space<hbm>>, %arg3: memref<160000xi32, #tpu.memory_space<hbm>>, %arg4: memref<160000x64xf32, #tpu.memory_space<hbm>>, %arg5: memref<128xi32, #tpu.memory_space<vmem>>, %arg6: memref<128x64xf32, #tpu.memory_space<vmem>>, %arg7: memref<8xi32, #tpu.memory_space<vmem>>, %arg8: memref<8x64xf32, #tpu.memory_space<vmem>>, %arg9: memref<!tpu.dma_semaphore, #tpu.memory_space<semaphore_mem>>) attributes {dimension_semantics = [#tpu.dimension_semantics<core_parallel>, #tpu.dimension_semantics<subcore_parallel>], iteration_bounds = array<i64: 2, 16>, scalar_prefetch = 0 : i64, scratch_operands = 5 : i64, tpu.core_type = #tpu.core_type<sc_vector_subcore>, window_params = [{transform_indices = #map}, {transform_indices = #map1}, {transform_indices = #map}]} {
    %mul3A = arith.constant 2 : i32
    %mul3A_0 = arith.muli %arg1, %mul3A : i32
    %add3A = arith.addi %mul3A_0, %arg0 : i32
    %mul3A_1 = arith.constant 5000 : i32
    %mul3A_2 = arith.muli %add3A, %mul3A_1 : i32
    %scan3A = arith.constant 0 : i32
    %scan3A_3 = arith.constant 0 : i32
    %scan3A_4 = arith.constant 39 : i32
    %scan3A_5 = arith.addi %scan3A_3, %scan3A_4 : i32
    %scan3A_6 = arith.constant 1 : i32
    scf.for %scan3A_14 = %scan3A_3 to %scan3A_5 step %scan3A_6  : i32 {
      %mul3A_15 = arith.constant 128 : i32
      %mul3A_16 = arith.muli %scan3A_14, %mul3A_15 : i32
      %add3A_17 = arith.addi %mul3A_2, %mul3A_16 : i32
      "tpu.region"() ({
        %run_scoped3A = tpu.sem_alloc : memref<!tpu.dma_semaphore, #tpu.memory_space<semaphore_mem>>
        %dma_start3A_24 = tpu.memref_slice %arg3[%add3A_17] : memref<160000xi32, #tpu.memory_space<hbm>> -> memref<128xi32, #tpu.memory_space<hbm>>
        %dma_start3A_25 = tpu.memref_slice %arg3[%add3A_17] : memref<160000xi32, #tpu.memory_space<hbm>> -> memref<128xi32, #tpu.memory_space<hbm>>
        tpu.enqueue_dma source(%dma_start3A_25 : memref<128xi32, #tpu.memory_space<hbm>>) target(%arg5 : memref<128xi32, #tpu.memory_space<vmem>>) target_semaphore(%run_scoped3A : memref<!tpu.dma_semaphore, #tpu.memory_space<semaphore_mem>>)
        %dma_wait3A_26 = tpu.memref_slice %arg3[%add3A_17] : memref<160000xi32, #tpu.memory_space<hbm>> -> memref<128xi32, #tpu.memory_space<hbm>>
        %dma_wait3A_27 = tpu.memref_slice %arg3[%add3A_17] : memref<160000xi32, #tpu.memory_space<hbm>> -> memref<128xi32, #tpu.memory_space<hbm>>
        tpu.wait_dma2 semaphore(%run_scoped3A : memref<!tpu.dma_semaphore, #tpu.memory_space<semaphore_mem>>) src(%dma_wait3A_27 : memref<128xi32, #tpu.memory_space<hbm>>) dst(%arg5 : memref<128xi32, #tpu.memory_space<vmem>>)
        tpu.yield
      }) : () -> ()
      %dma_start3A_18 = arith.constant 0 : i32
      %dma_start3A_19 = arith.constant 0 : i32
      %dma_start3A_20 = tpu.memref_slice %arg2[%dma_start3A_18, %dma_start3A_19] : memref<10000x64xf32, #tpu.memory_space<hbm>> -> memref<10000x64xf32, #tpu.memory_space<hbm>>
      tpu.enqueue_indirect_dma source(%dma_start3A_20 : memref<10000x64xf32, #tpu.memory_space<hbm>>) target(%arg6 : memref<128x64xf32, #tpu.memory_space<vmem>>) offsets(%arg5 : memref<128xi32, #tpu.memory_space<vmem>>) semaphore(%arg9 : memref<!tpu.dma_semaphore, #tpu.memory_space<semaphore_mem>>)
      %dma_wait3A_21 = arith.constant 0 : i32
      %dma_wait3A_22 = arith.constant 0 : i32
      %dma_wait3A_23 = tpu.memref_slice %arg2[%dma_wait3A_21, %dma_wait3A_22] : memref<10000x64xf32, #tpu.memory_space<hbm>> -> memref<10000x64xf32, #tpu.memory_space<hbm>>
      tpu.wait_indirect_dma semaphore(%arg9 : memref<!tpu.dma_semaphore, #tpu.memory_space<semaphore_mem>>) src(%dma_wait3A_23 : memref<10000x64xf32, #tpu.memory_space<hbm>>) dst(%arg6 : memref<128x64xf32, #tpu.memory_space<vmem>>)
      "tpu.region"() ({
        %run_scoped3A = tpu.sem_alloc : memref<!tpu.dma_semaphore, #tpu.memory_space<semaphore_mem>>
        %dma_start3A_24 = arith.constant 0 : i32
        %dma_start3A_25 = tpu.memref_slice %arg4[%add3A_17, %dma_start3A_24] : memref<160000x64xf32, #tpu.memory_space<hbm>> -> memref<128x64xf32, #tpu.memory_space<hbm>>
        %dma_start3A_26 = arith.constant 0 : i32
        %dma_start3A_27 = tpu.memref_slice %arg4[%add3A_17, %dma_start3A_26] : memref<160000x64xf32, #tpu.memory_space<hbm>> -> memref<128x64xf32, #tpu.memory_space<hbm>>
        tpu.enqueue_dma source(%arg6 : memref<128x64xf32, #tpu.memory_space<vmem>>) target(%dma_start3A_27 : memref<128x64xf32, #tpu.memory_space<hbm>>) target_semaphore(%run_scoped3A : memref<!tpu.dma_semaphore, #tpu.memory_space<semaphore_mem>>)
        %dma_wait3A_28 = arith.constant 0 : i32
        %dma_wait3A_29 = tpu.memref_slice %arg4[%add3A_17, %dma_wait3A_28] : memref<160000x64xf32, #tpu.memory_space<hbm>> -> memref<128x64xf32, #tpu.memory_space<hbm>>
        %dma_wait3A_30 = arith.constant 0 : i32
        %dma_wait3A_31 = tpu.memref_slice %arg4[%add3A_17, %dma_wait3A_30] : memref<160000x64xf32, #tpu.memory_space<hbm>> -> memref<128x64xf32, #tpu.memory_space<hbm>>
        tpu.wait_dma2 semaphore(%run_scoped3A : memref<!tpu.dma_semaphore, #tpu.memory_space<semaphore_mem>>) src(%arg6 : memref<128x64xf32, #tpu.memory_space<vmem>>) dst(%dma_wait3A_31 : memref<128x64xf32, #tpu.memory_space<hbm>>)
        tpu.yield
      }) : () -> ()
    }
    %scan3A_7 = arith.constant 39 : i32
    %add3A_8 = arith.constant 4992 : i32
    %add3A_9 = arith.addi %mul3A_2, %add3A_8 : i32
    "tpu.region"() ({
      %run_scoped3A = tpu.sem_alloc : memref<!tpu.dma_semaphore, #tpu.memory_space<semaphore_mem>>
      %dma_start3A_14 = tpu.memref_slice %arg3[%add3A_9] : memref<160000xi32, #tpu.memory_space<hbm>> -> memref<8xi32, #tpu.memory_space<hbm>>
      %dma_start3A_15 = tpu.memref_slice %arg3[%add3A_9] : memref<160000xi32, #tpu.memory_space<hbm>> -> memref<8xi32, #tpu.memory_space<hbm>>
      tpu.enqueue_dma source(%dma_start3A_15 : memref<8xi32, #tpu.memory_space<hbm>>) target(%arg7 : memref<8xi32, #tpu.memory_space<vmem>>) target_semaphore(%run_scoped3A : memref<!tpu.dma_semaphore, #tpu.memory_space<semaphore_mem>>)
      %dma_wait3A_16 = tpu.memref_slice %arg3[%add3A_9] : memref<160000xi32, #tpu.memory_space<hbm>> -> memref<8xi32, #tpu.memory_space<hbm>>
      %dma_wait3A_17 = tpu.memref_slice %arg3[%add3A_9] : memref<160000xi32, #tpu.memory_space<hbm>> -> memref<8xi32, #tpu.memory_space<hbm>>
      tpu.wait_dma2 semaphore(%run_scoped3A : memref<!tpu.dma_semaphore, #tpu.memory_space<semaphore_mem>>) src(%dma_wait3A_17 : memref<8xi32, #tpu.memory_space<hbm>>) dst(%arg7 : memref<8xi32, #tpu.memory_space<vmem>>)
      tpu.yield
    }) : () -> ()
    %dma_start3A = arith.constant 0 : i32
    %dma_start3A_10 = arith.constant 0 : i32
    %dma_start3A_11 = tpu.memref_slice %arg2[%dma_start3A, %dma_start3A_10] : memref<10000x64xf32, #tpu.memory_space<hbm>> -> memref<10000x64xf32, #tpu.memory_space<hbm>>
    tpu.enqueue_indirect_dma source(%dma_start3A_11 : memref<10000x64xf32, #tpu.memory_space<hbm>>) target(%arg8 : memref<8x64xf32, #tpu.memory_space<vmem>>) offsets(%arg7 : memref<8xi32, #tpu.memory_space<vmem>>) semaphore(%arg9 : memref<!tpu.dma_semaphore, #tpu.memory_space<semaphore_mem>>)
    %dma_wait3A = arith.constant 0 : i32
    %dma_wait3A_12 = arith.constant 0 : i32
    %dma_wait3A_13 = tpu.memref_slice %arg2[%dma_wait3A, %dma_wait3A_12] : memref<10000x64xf32, #tpu.memory_space<hbm>> -> memref<10000x64xf32, #tpu.memory_space<hbm>>
    tpu.wait_indirect_dma semaphore(%arg9 : memref<!tpu.dma_semaphore, #tpu.memory_space<semaphore_mem>>) src(%dma_wait3A_13 : memref<10000x64xf32, #tpu.memory_space<hbm>>) dst(%arg8 : memref<8x64xf32, #tpu.memory_space<vmem>>)
    "tpu.region"() ({
      %run_scoped3A = tpu.sem_alloc : memref<!tpu.dma_semaphore, #tpu.memory_space<semaphore_mem>>
      %dma_start3A_14 = arith.constant 0 : i32
      %dma_start3A_15 = tpu.memref_slice %arg4[%add3A_9, %dma_start3A_14] : memref<160000x64xf32, #tpu.memory_space<hbm>> -> memref<8x64xf32, #tpu.memory_space<hbm>>
      %dma_start3A_16 = arith.constant 0 : i32
      %dma_start3A_17 = tpu.memref_slice %arg4[%add3A_9, %dma_start3A_16] : memref<160000x64xf32, #tpu.memory_space<hbm>> -> memref<8x64xf32, #tpu.memory_space<hbm>>
      tpu.enqueue_dma source(%arg8 : memref<8x64xf32, #tpu.memory_space<vmem>>) target(%dma_start3A_17 : memref<8x64xf32, #tpu.memory_space<hbm>>) target_semaphore(%run_scoped3A : memref<!tpu.dma_semaphore, #tpu.memory_space<semaphore_mem>>)
      %dma_wait3A_18 = arith.constant 0 : i32
      %dma_wait3A_19 = tpu.memref_slice %arg4[%add3A_9, %dma_wait3A_18] : memref<160000x64xf32, #tpu.memory_space<hbm>> -> memref<8x64xf32, #tpu.memory_space<hbm>>
      %dma_wait3A_20 = arith.constant 0 : i32
      %dma_wait3A_21 = tpu.memref_slice %arg4[%add3A_9, %dma_wait3A_20] : memref<160000x64xf32, #tpu.memory_space<hbm>> -> memref<8x64xf32, #tpu.memory_space<hbm>>
      tpu.wait_dma2 semaphore(%run_scoped3A : memref<!tpu.dma_semaphore, #tpu.memory_space<semaphore_mem>>) src(%arg8 : memref<8x64xf32, #tpu.memory_space<vmem>>) dst(%dma_wait3A_21 : memref<8x64xf32, #tpu.memory_space<hbm>>)
      tpu.yield
    }) : () -> ()
    return
  }
}

#map = affine_map<(d0, d1) -> (0, 0)>
#map1 = affine_map<(d0, d1) -> (0)>
module attributes {stable_mosaic.version = 14 : i64} {
  func.func @k(%arg0: i32, %arg1: i32, %arg2: memref<160000x64xf32, #tpu.memory_space<hbm>>, %arg3: memref<160000xi32, #tpu.memory_space<hbm>>, %arg4: memref<10240x64xf32, #tpu.memory_space<hbm>>, %arg5: memref<20480x64xf32, #tpu.memory_space<hbm>>, %arg6: memref<128xi32, #tpu.memory_space<vmem>>, %arg7: memref<128x64xf32, #tpu.memory_space<vmem>>, %arg8: memref<8xi32, #tpu.memory_space<vmem>>, %arg9: memref<8x64xf32, #tpu.memory_space<vmem>>, %arg10: memref<10240x64xf32, #tpu.memory_space<vmem_shared>>) attributes {dimension_semantics = [#tpu.dimension_semantics<core_parallel>, #tpu.dimension_semantics<subcore_parallel>], iteration_bounds = array<i64: 2, 16>, scalar_prefetch = 0 : i64, scratch_operands = 5 : i64, tpu.core_type = #tpu.core_type<sc_vector_subcore>, window_params = [{transform_indices = #map}, {transform_indices = #map1}, {transform_indices = #map}, {transform_indices = #map}]} {
    %mul3A = arith.constant 2 : i32
    %mul3A_0 = arith.muli %arg1, %mul3A : i32
    %add3A = arith.addi %mul3A_0, %arg0 : i32
    %mul3A_1 = arith.constant 5000 : i32
    %mul3A_2 = arith.muli %add3A, %mul3A_1 : i32
    %mul3A_3 = arith.constant 640 : i32
    %mul3A_4 = arith.muli %arg1, %mul3A_3 : i32
    "tpu.region"() ({
      %run_scoped3A = tpu.sem_alloc : memref<!tpu.dma_semaphore, #tpu.memory_space<semaphore_mem>>
      %dma_start3A = arith.constant 0 : i32
      %dma_start3A_16 = tpu.memref_slice %arg10[%mul3A_4, %dma_start3A] : memref<10240x64xf32, #tpu.memory_space<vmem_shared>> -> memref<640x64xf32, #tpu.memory_space<vmem_shared>>
      %dma_start3A_17 = arith.constant 0 : i32
      %dma_start3A_18 = tpu.memref_slice %arg4[%mul3A_4, %dma_start3A_17] : memref<10240x64xf32, #tpu.memory_space<hbm>> -> memref<640x64xf32, #tpu.memory_space<hbm>>
      tpu.enqueue_dma source(%dma_start3A_18 : memref<640x64xf32, #tpu.memory_space<hbm>>) target(%dma_start3A_16 : memref<640x64xf32, #tpu.memory_space<vmem_shared>>) target_semaphore(%run_scoped3A : memref<!tpu.dma_semaphore, #tpu.memory_space<semaphore_mem>>)
      %dma_wait3A = arith.constant 0 : i32
      %dma_wait3A_19 = tpu.memref_slice %arg10[%mul3A_4, %dma_wait3A] : memref<10240x64xf32, #tpu.memory_space<vmem_shared>> -> memref<640x64xf32, #tpu.memory_space<vmem_shared>>
      %dma_wait3A_20 = arith.constant 0 : i32
      %dma_wait3A_21 = tpu.memref_slice %arg4[%mul3A_4, %dma_wait3A_20] : memref<10240x64xf32, #tpu.memory_space<hbm>> -> memref<640x64xf32, #tpu.memory_space<hbm>>
      tpu.wait_dma2 semaphore(%run_scoped3A : memref<!tpu.dma_semaphore, #tpu.memory_space<semaphore_mem>>) src(%dma_wait3A_21 : memref<640x64xf32, #tpu.memory_space<hbm>>) dst(%dma_wait3A_19 : memref<640x64xf32, #tpu.memory_space<vmem_shared>>)
      tpu.yield
    }) : () -> ()
    %barrier3A = arith.constant 0 : index
    tpu.barrier barrier_id(%barrier3A)
    %scan3A = arith.constant 0 : i32
    %scan3A_5 = arith.constant 0 : i32
    %scan3A_6 = arith.constant 39 : i32
    %scan3A_7 = arith.addi %scan3A_5, %scan3A_6 : i32
    %scan3A_8 = arith.constant 1 : i32
    scf.for %scan3A_16 = %scan3A_5 to %scan3A_7 step %scan3A_8  : i32 {
      %mul3A_17 = arith.constant 128 : i32
      %mul3A_18 = arith.muli %scan3A_16, %mul3A_17 : i32
      %add3A_19 = arith.addi %mul3A_2, %mul3A_18 : i32
      "tpu.region"() ({
        %run_scoped3A = tpu.sem_alloc : memref<!tpu.dma_semaphore, #tpu.memory_space<semaphore_mem>>
        %dma_start3A = tpu.memref_slice %arg3[%add3A_19] : memref<160000xi32, #tpu.memory_space<hbm>> -> memref<128xi32, #tpu.memory_space<hbm>>
        %dma_start3A_20 = tpu.memref_slice %arg3[%add3A_19] : memref<160000xi32, #tpu.memory_space<hbm>> -> memref<128xi32, #tpu.memory_space<hbm>>
        tpu.enqueue_dma source(%dma_start3A_20 : memref<128xi32, #tpu.memory_space<hbm>>) target(%arg6 : memref<128xi32, #tpu.memory_space<vmem>>) target_semaphore(%run_scoped3A : memref<!tpu.dma_semaphore, #tpu.memory_space<semaphore_mem>>)
        %dma_wait3A = tpu.memref_slice %arg3[%add3A_19] : memref<160000xi32, #tpu.memory_space<hbm>> -> memref<128xi32, #tpu.memory_space<hbm>>
        %dma_wait3A_21 = tpu.memref_slice %arg3[%add3A_19] : memref<160000xi32, #tpu.memory_space<hbm>> -> memref<128xi32, #tpu.memory_space<hbm>>
        tpu.wait_dma2 semaphore(%run_scoped3A : memref<!tpu.dma_semaphore, #tpu.memory_space<semaphore_mem>>) src(%dma_wait3A_21 : memref<128xi32, #tpu.memory_space<hbm>>) dst(%arg6 : memref<128xi32, #tpu.memory_space<vmem>>)
        tpu.yield
      }) : () -> ()
      "tpu.region"() ({
        %run_scoped3A = tpu.sem_alloc : memref<!tpu.dma_semaphore, #tpu.memory_space<semaphore_mem>>
        %dma_start3A = arith.constant 0 : i32
        %dma_start3A_20 = tpu.memref_slice %arg2[%add3A_19, %dma_start3A] : memref<160000x64xf32, #tpu.memory_space<hbm>> -> memref<128x64xf32, #tpu.memory_space<hbm>>
        %dma_start3A_21 = arith.constant 0 : i32
        %dma_start3A_22 = tpu.memref_slice %arg2[%add3A_19, %dma_start3A_21] : memref<160000x64xf32, #tpu.memory_space<hbm>> -> memref<128x64xf32, #tpu.memory_space<hbm>>
        tpu.enqueue_dma source(%dma_start3A_22 : memref<128x64xf32, #tpu.memory_space<hbm>>) target(%arg7 : memref<128x64xf32, #tpu.memory_space<vmem>>) target_semaphore(%run_scoped3A : memref<!tpu.dma_semaphore, #tpu.memory_space<semaphore_mem>>)
        %dma_wait3A = arith.constant 0 : i32
        %dma_wait3A_23 = tpu.memref_slice %arg2[%add3A_19, %dma_wait3A] : memref<160000x64xf32, #tpu.memory_space<hbm>> -> memref<128x64xf32, #tpu.memory_space<hbm>>
        %dma_wait3A_24 = arith.constant 0 : i32
        %dma_wait3A_25 = tpu.memref_slice %arg2[%add3A_19, %dma_wait3A_24] : memref<160000x64xf32, #tpu.memory_space<hbm>> -> memref<128x64xf32, #tpu.memory_space<hbm>>
        tpu.wait_dma2 semaphore(%run_scoped3A : memref<!tpu.dma_semaphore, #tpu.memory_space<semaphore_mem>>) src(%dma_wait3A_25 : memref<128x64xf32, #tpu.memory_space<hbm>>) dst(%arg7 : memref<128x64xf32, #tpu.memory_space<vmem>>)
        tpu.yield
      }) : () -> ()
      "tpu.region"() ({
        %run_scoped3A = tpu.sem_alloc : memref<!tpu.dma_semaphore, #tpu.memory_space<semaphore_mem>>
        %dma_start3A = arith.constant 0 : i32
        %dma_start3A_20 = arith.constant 0 : i32
        %dma_start3A_21 = tpu.memref_slice %arg10[%dma_start3A, %dma_start3A_20] : memref<10240x64xf32, #tpu.memory_space<vmem_shared>> -> memref<10240x64xf32, #tpu.memory_space<vmem_shared>>
        tpu.enqueue_indirect_dma source(%arg7 : memref<128x64xf32, #tpu.memory_space<vmem>>) target(%dma_start3A_21 : memref<10240x64xf32, #tpu.memory_space<vmem_shared>>) offsets(%arg6 : memref<128xi32, #tpu.memory_space<vmem>>) semaphore(%run_scoped3A : memref<!tpu.dma_semaphore, #tpu.memory_space<semaphore_mem>>) {add = true}
        %dma_wait3A = arith.constant 0 : i32
        %dma_wait3A_22 = arith.constant 0 : i32
        %dma_wait3A_23 = tpu.memref_slice %arg10[%dma_wait3A, %dma_wait3A_22] : memref<10240x64xf32, #tpu.memory_space<vmem_shared>> -> memref<10240x64xf32, #tpu.memory_space<vmem_shared>>
        tpu.wait_indirect_dma semaphore(%run_scoped3A : memref<!tpu.dma_semaphore, #tpu.memory_space<semaphore_mem>>) src(%arg7 : memref<128x64xf32, #tpu.memory_space<vmem>>) dst(%dma_wait3A_23 : memref<10240x64xf32, #tpu.memory_space<vmem_shared>>)
        tpu.yield
      }) : () -> ()
    }
    %scan3A_9 = arith.constant 39 : i32
    %add3A_10 = arith.constant 4992 : i32
    %add3A_11 = arith.addi %mul3A_2, %add3A_10 : i32
    "tpu.region"() ({
      %run_scoped3A = tpu.sem_alloc : memref<!tpu.dma_semaphore, #tpu.memory_space<semaphore_mem>>
      %dma_start3A = tpu.memref_slice %arg3[%add3A_11] : memref<160000xi32, #tpu.memory_space<hbm>> -> memref<8xi32, #tpu.memory_space<hbm>>
      %dma_start3A_16 = tpu.memref_slice %arg3[%add3A_11] : memref<160000xi32, #tpu.memory_space<hbm>> -> memref<8xi32, #tpu.memory_space<hbm>>
      tpu.enqueue_dma source(%dma_start3A_16 : memref<8xi32, #tpu.memory_space<hbm>>) target(%arg8 : memref<8xi32, #tpu.memory_space<vmem>>) target_semaphore(%run_scoped3A : memref<!tpu.dma_semaphore, #tpu.memory_space<semaphore_mem>>)
      %dma_wait3A = tpu.memref_slice %arg3[%add3A_11] : memref<160000xi32, #tpu.memory_space<hbm>> -> memref<8xi32, #tpu.memory_space<hbm>>
      %dma_wait3A_17 = tpu.memref_slice %arg3[%add3A_11] : memref<160000xi32, #tpu.memory_space<hbm>> -> memref<8xi32, #tpu.memory_space<hbm>>
      tpu.wait_dma2 semaphore(%run_scoped3A : memref<!tpu.dma_semaphore, #tpu.memory_space<semaphore_mem>>) src(%dma_wait3A_17 : memref<8xi32, #tpu.memory_space<hbm>>) dst(%arg8 : memref<8xi32, #tpu.memory_space<vmem>>)
      tpu.yield
    }) : () -> ()
    "tpu.region"() ({
      %run_scoped3A = tpu.sem_alloc : memref<!tpu.dma_semaphore, #tpu.memory_space<semaphore_mem>>
      %dma_start3A = arith.constant 0 : i32
      %dma_start3A_16 = tpu.memref_slice %arg2[%add3A_11, %dma_start3A] : memref<160000x64xf32, #tpu.memory_space<hbm>> -> memref<8x64xf32, #tpu.memory_space<hbm>>
      %dma_start3A_17 = arith.constant 0 : i32
      %dma_start3A_18 = tpu.memref_slice %arg2[%add3A_11, %dma_start3A_17] : memref<160000x64xf32, #tpu.memory_space<hbm>> -> memref<8x64xf32, #tpu.memory_space<hbm>>
      tpu.enqueue_dma source(%dma_start3A_18 : memref<8x64xf32, #tpu.memory_space<hbm>>) target(%arg9 : memref<8x64xf32, #tpu.memory_space<vmem>>) target_semaphore(%run_scoped3A : memref<!tpu.dma_semaphore, #tpu.memory_space<semaphore_mem>>)
      %dma_wait3A = arith.constant 0 : i32
      %dma_wait3A_19 = tpu.memref_slice %arg2[%add3A_11, %dma_wait3A] : memref<160000x64xf32, #tpu.memory_space<hbm>> -> memref<8x64xf32, #tpu.memory_space<hbm>>
      %dma_wait3A_20 = arith.constant 0 : i32
      %dma_wait3A_21 = tpu.memref_slice %arg2[%add3A_11, %dma_wait3A_20] : memref<160000x64xf32, #tpu.memory_space<hbm>> -> memref<8x64xf32, #tpu.memory_space<hbm>>
      tpu.wait_dma2 semaphore(%run_scoped3A : memref<!tpu.dma_semaphore, #tpu.memory_space<semaphore_mem>>) src(%dma_wait3A_21 : memref<8x64xf32, #tpu.memory_space<hbm>>) dst(%arg9 : memref<8x64xf32, #tpu.memory_space<vmem>>)
      tpu.yield
    }) : () -> ()
    "tpu.region"() ({
      %run_scoped3A = tpu.sem_alloc : memref<!tpu.dma_semaphore, #tpu.memory_space<semaphore_mem>>
      %dma_start3A = arith.constant 0 : i32
      %dma_start3A_16 = arith.constant 0 : i32
      %dma_start3A_17 = tpu.memref_slice %arg10[%dma_start3A, %dma_start3A_16] : memref<10240x64xf32, #tpu.memory_space<vmem_shared>> -> memref<10240x64xf32, #tpu.memory_space<vmem_shared>>
      tpu.enqueue_indirect_dma source(%arg9 : memref<8x64xf32, #tpu.memory_space<vmem>>) target(%dma_start3A_17 : memref<10240x64xf32, #tpu.memory_space<vmem_shared>>) offsets(%arg8 : memref<8xi32, #tpu.memory_space<vmem>>) semaphore(%run_scoped3A : memref<!tpu.dma_semaphore, #tpu.memory_space<semaphore_mem>>) {add = true}
      %dma_wait3A = arith.constant 0 : i32
      %dma_wait3A_18 = arith.constant 0 : i32
      %dma_wait3A_19 = tpu.memref_slice %arg10[%dma_wait3A, %dma_wait3A_18] : memref<10240x64xf32, #tpu.memory_space<vmem_shared>> -> memref<10240x64xf32, #tpu.memory_space<vmem_shared>>
      tpu.wait_indirect_dma semaphore(%run_scoped3A : memref<!tpu.dma_semaphore, #tpu.memory_space<semaphore_mem>>) src(%arg9 : memref<8x64xf32, #tpu.memory_space<vmem>>) dst(%dma_wait3A_19 : memref<10240x64xf32, #tpu.memory_space<vmem_shared>>)
      tpu.yield
    }) : () -> ()
    %barrier3A_12 = arith.constant 0 : index
    tpu.barrier barrier_id(%barrier3A_12)
    %mul3A_13 = arith.constant 10240 : i32
    %mul3A_14 = arith.muli %arg0, %mul3A_13 : i32
    %add3A_15 = arith.addi %mul3A_14, %mul3A_4 : i32
    "tpu.region"() ({
      %run_scoped3A = tpu.sem_alloc : memref<!tpu.dma_semaphore, #tpu.memory_space<semaphore_mem>>
      %dma_start3A = arith.constant 0 : i32
      %dma_start3A_16 = tpu.memref_slice %arg5[%add3A_15, %dma_start3A] : memref<20480x64xf32, #tpu.memory_space<hbm>> -> memref<640x64xf32, #tpu.memory_space<hbm>>
      %dma_start3A_17 = arith.constant 0 : i32
      %dma_start3A_18 = tpu.memref_slice %arg10[%mul3A_4, %dma_start3A_17] : memref<10240x64xf32, #tpu.memory_space<vmem_shared>> -> memref<640x64xf32, #tpu.memory_space<vmem_shared>>
      tpu.enqueue_dma source(%dma_start3A_18 : memref<640x64xf32, #tpu.memory_space<vmem_shared>>) target(%dma_start3A_16 : memref<640x64xf32, #tpu.memory_space<hbm>>) target_semaphore(%run_scoped3A : memref<!tpu.dma_semaphore, #tpu.memory_space<semaphore_mem>>)
      %dma_wait3A = arith.constant 0 : i32
      %dma_wait3A_19 = tpu.memref_slice %arg5[%add3A_15, %dma_wait3A] : memref<20480x64xf32, #tpu.memory_space<hbm>> -> memref<640x64xf32, #tpu.memory_space<hbm>>
      %dma_wait3A_20 = arith.constant 0 : i32
      %dma_wait3A_21 = tpu.memref_slice %arg10[%mul3A_4, %dma_wait3A_20] : memref<10240x64xf32, #tpu.memory_space<vmem_shared>> -> memref<640x64xf32, #tpu.memory_space<vmem_shared>>
      tpu.wait_dma2 semaphore(%run_scoped3A : memref<!tpu.dma_semaphore, #tpu.memory_space<semaphore_mem>>) src(%dma_wait3A_21 : memref<640x64xf32, #tpu.memory_space<vmem_shared>>) dst(%dma_wait3A_19 : memref<640x64xf32, #tpu.memory_space<hbm>>)
      tpu.yield
    }) : () -> ()
    return
  }
}

#map = affine_map<(d0, d1) -> (0, 0)>
#map1 = affine_map<(d0, d1) -> (0)>
module attributes {stable_mosaic.version = 14 : i64} {
  func.func @k(%arg0: i32, %arg1: i32, %arg2: memref<10000x64xf32, #tpu.memory_space<hbm>>, %arg3: memref<160000xi32, #tpu.memory_space<hbm>>, %arg4: memref<160000x64xf32, #tpu.memory_space<hbm>>, %arg5: memref<128xi32, #tpu.memory_space<vmem>>, %arg6: memref<128x64xf32, #tpu.memory_space<vmem>>, %arg7: memref<8xi32, #tpu.memory_space<vmem>>, %arg8: memref<8x64xf32, #tpu.memory_space<vmem>>, %arg9: memref<!tpu.dma_semaphore, #tpu.memory_space<semaphore_mem>>) attributes {dimension_semantics = [#tpu.dimension_semantics<core_parallel>, #tpu.dimension_semantics<subcore_parallel>], iteration_bounds = array<i64: 2, 16>, scalar_prefetch = 0 : i64, scratch_operands = 5 : i64, tpu.core_type = #tpu.core_type<sc_vector_subcore>, window_params = [{transform_indices = #map}, {transform_indices = #map1}, {transform_indices = #map}]} {
    %mul3A = arith.constant 2 : i32
    %mul3A_0 = arith.muli %arg1, %mul3A : i32
    %add3A = arith.addi %mul3A_0, %arg0 : i32
    %mul3A_1 = arith.constant 5000 : i32
    %mul3A_2 = arith.muli %add3A, %mul3A_1 : i32
    %scan3A = arith.constant 0 : i32
    %scan3A_3 = arith.constant 0 : i32
    %scan3A_4 = arith.constant 39 : i32
    %scan3A_5 = arith.addi %scan3A_3, %scan3A_4 : i32
    %scan3A_6 = arith.constant 1 : i32
    scf.for %scan3A_14 = %scan3A_3 to %scan3A_5 step %scan3A_6  : i32 {
      %mul3A_15 = arith.constant 128 : i32
      %mul3A_16 = arith.muli %scan3A_14, %mul3A_15 : i32
      %add3A_17 = arith.addi %mul3A_2, %mul3A_16 : i32
      "tpu.region"() ({
        %run_scoped3A = tpu.sem_alloc : memref<!tpu.dma_semaphore, #tpu.memory_space<semaphore_mem>>
        %dma_start3A_24 = tpu.memref_slice %arg3[%add3A_17] : memref<160000xi32, #tpu.memory_space<hbm>> -> memref<128xi32, #tpu.memory_space<hbm>>
        %dma_start3A_25 = tpu.memref_slice %arg3[%add3A_17] : memref<160000xi32, #tpu.memory_space<hbm>> -> memref<128xi32, #tpu.memory_space<hbm>>
        tpu.enqueue_dma source(%dma_start3A_25 : memref<128xi32, #tpu.memory_space<hbm>>) target(%arg5 : memref<128xi32, #tpu.memory_space<vmem>>) target_semaphore(%run_scoped3A : memref<!tpu.dma_semaphore, #tpu.memory_space<semaphore_mem>>)
        %dma_wait3A_26 = tpu.memref_slice %arg3[%add3A_17] : memref<160000xi32, #tpu.memory_space<hbm>> -> memref<128xi32, #tpu.memory_space<hbm>>
        %dma_wait3A_27 = tpu.memref_slice %arg3[%add3A_17] : memref<160000xi32, #tpu.memory_space<hbm>> -> memref<128xi32, #tpu.memory_space<hbm>>
        tpu.wait_dma2 semaphore(%run_scoped3A : memref<!tpu.dma_semaphore, #tpu.memory_space<semaphore_mem>>) src(%dma_wait3A_27 : memref<128xi32, #tpu.memory_space<hbm>>) dst(%arg5 : memref<128xi32, #tpu.memory_space<vmem>>)
        tpu.yield
      }) : () -> ()
      %dma_start3A_18 = arith.constant 0 : i32
      %dma_start3A_19 = arith.constant 0 : i32
      %dma_start3A_20 = tpu.memref_slice %arg2[%dma_start3A_18, %dma_start3A_19] : memref<10000x64xf32, #tpu.memory_space<hbm>> -> memref<10000x64xf32, #tpu.memory_space<hbm>>
      tpu.enqueue_indirect_dma source(%dma_start3A_20 : memref<10000x64xf32, #tpu.memory_space<hbm>>) target(%arg6 : memref<128x64xf32, #tpu.memory_space<vmem>>) offsets(%arg5 : memref<128xi32, #tpu.memory_space<vmem>>) semaphore(%arg9 : memref<!tpu.dma_semaphore, #tpu.memory_space<semaphore_mem>>)
      %dma_wait3A_21 = arith.constant 0 : i32
      %dma_wait3A_22 = arith.constant 0 : i32
      %dma_wait3A_23 = tpu.memref_slice %arg2[%dma_wait3A_21, %dma_wait3A_22] : memref<10000x64xf32, #tpu.memory_space<hbm>> -> memref<10000x64xf32, #tpu.memory_space<hbm>>
      tpu.wait_indirect_dma semaphore(%arg9 : memref<!tpu.dma_semaphore, #tpu.memory_space<semaphore_mem>>) src(%dma_wait3A_23 : memref<10000x64xf32, #tpu.memory_space<hbm>>) dst(%arg6 : memref<128x64xf32, #tpu.memory_space<vmem>>)
      "tpu.region"() ({
        %run_scoped3A = tpu.sem_alloc : memref<!tpu.dma_semaphore, #tpu.memory_space<semaphore_mem>>
        %dma_start3A_24 = arith.constant 0 : i32
        %dma_start3A_25 = tpu.memref_slice %arg4[%add3A_17, %dma_start3A_24] : memref<160000x64xf32, #tpu.memory_space<hbm>> -> memref<128x64xf32, #tpu.memory_space<hbm>>
        %dma_start3A_26 = arith.constant 0 : i32
        %dma_start3A_27 = tpu.memref_slice %arg4[%add3A_17, %dma_start3A_26] : memref<160000x64xf32, #tpu.memory_space<hbm>> -> memref<128x64xf32, #tpu.memory_space<hbm>>
        tpu.enqueue_dma source(%arg6 : memref<128x64xf32, #tpu.memory_space<vmem>>) target(%dma_start3A_27 : memref<128x64xf32, #tpu.memory_space<hbm>>) target_semaphore(%run_scoped3A : memref<!tpu.dma_semaphore, #tpu.memory_space<semaphore_mem>>)
        %dma_wait3A_28 = arith.constant 0 : i32
        %dma_wait3A_29 = tpu.memref_slice %arg4[%add3A_17, %dma_wait3A_28] : memref<160000x64xf32, #tpu.memory_space<hbm>> -> memref<128x64xf32, #tpu.memory_space<hbm>>
        %dma_wait3A_30 = arith.constant 0 : i32
        %dma_wait3A_31 = tpu.memref_slice %arg4[%add3A_17, %dma_wait3A_30] : memref<160000x64xf32, #tpu.memory_space<hbm>> -> memref<128x64xf32, #tpu.memory_space<hbm>>
        tpu.wait_dma2 semaphore(%run_scoped3A : memref<!tpu.dma_semaphore, #tpu.memory_space<semaphore_mem>>) src(%arg6 : memref<128x64xf32, #tpu.memory_space<vmem>>) dst(%dma_wait3A_31 : memref<128x64xf32, #tpu.memory_space<hbm>>)
        tpu.yield
      }) : () -> ()
    }
    %scan3A_7 = arith.constant 39 : i32
    %add3A_8 = arith.constant 4992 : i32
    %add3A_9 = arith.addi %mul3A_2, %add3A_8 : i32
    "tpu.region"() ({
      %run_scoped3A = tpu.sem_alloc : memref<!tpu.dma_semaphore, #tpu.memory_space<semaphore_mem>>
      %dma_start3A_14 = tpu.memref_slice %arg3[%add3A_9] : memref<160000xi32, #tpu.memory_space<hbm>> -> memref<8xi32, #tpu.memory_space<hbm>>
      %dma_start3A_15 = tpu.memref_slice %arg3[%add3A_9] : memref<160000xi32, #tpu.memory_space<hbm>> -> memref<8xi32, #tpu.memory_space<hbm>>
      tpu.enqueue_dma source(%dma_start3A_15 : memref<8xi32, #tpu.memory_space<hbm>>) target(%arg7 : memref<8xi32, #tpu.memory_space<vmem>>) target_semaphore(%run_scoped3A : memref<!tpu.dma_semaphore, #tpu.memory_space<semaphore_mem>>)
      %dma_wait3A_16 = tpu.memref_slice %arg3[%add3A_9] : memref<160000xi32, #tpu.memory_space<hbm>> -> memref<8xi32, #tpu.memory_space<hbm>>
      %dma_wait3A_17 = tpu.memref_slice %arg3[%add3A_9] : memref<160000xi32, #tpu.memory_space<hbm>> -> memref<8xi32, #tpu.memory_space<hbm>>
      tpu.wait_dma2 semaphore(%run_scoped3A : memref<!tpu.dma_semaphore, #tpu.memory_space<semaphore_mem>>) src(%dma_wait3A_17 : memref<8xi32, #tpu.memory_space<hbm>>) dst(%arg7 : memref<8xi32, #tpu.memory_space<vmem>>)
      tpu.yield
    }) : () -> ()
    %dma_start3A = arith.constant 0 : i32
    %dma_start3A_10 = arith.constant 0 : i32
    %dma_start3A_11 = tpu.memref_slice %arg2[%dma_start3A, %dma_start3A_10] : memref<10000x64xf32, #tpu.memory_space<hbm>> -> memref<10000x64xf32, #tpu.memory_space<hbm>>
    tpu.enqueue_indirect_dma source(%dma_start3A_11 : memref<10000x64xf32, #tpu.memory_space<hbm>>) target(%arg8 : memref<8x64xf32, #tpu.memory_space<vmem>>) offsets(%arg7 : memref<8xi32, #tpu.memory_space<vmem>>) semaphore(%arg9 : memref<!tpu.dma_semaphore, #tpu.memory_space<semaphore_mem>>)
    %dma_wait3A = arith.constant 0 : i32
    %dma_wait3A_12 = arith.constant 0 : i32
    %dma_wait3A_13 = tpu.memref_slice %arg2[%dma_wait3A, %dma_wait3A_12] : memref<10000x64xf32, #tpu.memory_space<hbm>> -> memref<10000x64xf32, #tpu.memory_space<hbm>>
    tpu.wait_indirect_dma semaphore(%arg9 : memref<!tpu.dma_semaphore, #tpu.memory_space<semaphore_mem>>) src(%dma_wait3A_13 : memref<10000x64xf32, #tpu.memory_space<hbm>>) dst(%arg8 : memref<8x64xf32, #tpu.memory_space<vmem>>)
    "tpu.region"() ({
      %run_scoped3A = tpu.sem_alloc : memref<!tpu.dma_semaphore, #tpu.memory_space<semaphore_mem>>
      %dma_start3A_14 = arith.constant 0 : i32
      %dma_start3A_15 = tpu.memref_slice %arg4[%add3A_9, %dma_start3A_14] : memref<160000x64xf32, #tpu.memory_space<hbm>> -> memref<8x64xf32, #tpu.memory_space<hbm>>
      %dma_start3A_16 = arith.constant 0 : i32
      %dma_start3A_17 = tpu.memref_slice %arg4[%add3A_9, %dma_start3A_16] : memref<160000x64xf32, #tpu.memory_space<hbm>> -> memref<8x64xf32, #tpu.memory_space<hbm>>
      tpu.enqueue_dma source(%arg8 : memref<8x64xf32, #tpu.memory_space<vmem>>) target(%dma_start3A_17 : memref<8x64xf32, #tpu.memory_space<hbm>>) target_semaphore(%run_scoped3A : memref<!tpu.dma_semaphore, #tpu.memory_space<semaphore_mem>>)
      %dma_wait3A_18 = arith.constant 0 : i32
      %dma_wait3A_19 = tpu.memref_slice %arg4[%add3A_9, %dma_wait3A_18] : memref<160000x64xf32, #tpu.memory_space<hbm>> -> memref<8x64xf32, #tpu.memory_space<hbm>>
      %dma_wait3A_20 = arith.constant 0 : i32
      %dma_wait3A_21 = tpu.memref_slice %arg4[%add3A_9, %dma_wait3A_20] : memref<160000x64xf32, #tpu.memory_space<hbm>> -> memref<8x64xf32, #tpu.memory_space<hbm>>
      tpu.wait_dma2 semaphore(%run_scoped3A : memref<!tpu.dma_semaphore, #tpu.memory_space<semaphore_mem>>) src(%arg8 : memref<8x64xf32, #tpu.memory_space<vmem>>) dst(%dma_wait3A_21 : memref<8x64xf32, #tpu.memory_space<hbm>>)
      tpu.yield
    }) : () -> ()
    return
  }
}

#map = affine_map<(d0, d1) -> (0, 0)>
#map1 = affine_map<(d0, d1) -> (0)>
module attributes {stable_mosaic.version = 14 : i64} {
  func.func @k(%arg0: i32, %arg1: i32, %arg2: memref<160000x64xf32, #tpu.memory_space<hbm>>, %arg3: memref<160000xi32, #tpu.memory_space<hbm>>, %arg4: memref<10240x64xf32, #tpu.memory_space<hbm>>, %arg5: memref<20480x64xf32, #tpu.memory_space<hbm>>, %arg6: memref<128xi32, #tpu.memory_space<vmem>>, %arg7: memref<128x64xf32, #tpu.memory_space<vmem>>, %arg8: memref<8xi32, #tpu.memory_space<vmem>>, %arg9: memref<8x64xf32, #tpu.memory_space<vmem>>, %arg10: memref<10240x64xf32, #tpu.memory_space<vmem_shared>>) attributes {dimension_semantics = [#tpu.dimension_semantics<core_parallel>, #tpu.dimension_semantics<subcore_parallel>], iteration_bounds = array<i64: 2, 16>, scalar_prefetch = 0 : i64, scratch_operands = 5 : i64, tpu.core_type = #tpu.core_type<sc_vector_subcore>, window_params = [{transform_indices = #map}, {transform_indices = #map1}, {transform_indices = #map}, {transform_indices = #map}]} {
    %mul3A = arith.constant 2 : i32
    %mul3A_0 = arith.muli %arg1, %mul3A : i32
    %add3A = arith.addi %mul3A_0, %arg0 : i32
    %mul3A_1 = arith.constant 5000 : i32
    %mul3A_2 = arith.muli %add3A, %mul3A_1 : i32
    %mul3A_3 = arith.constant 640 : i32
    %mul3A_4 = arith.muli %arg1, %mul3A_3 : i32
    "tpu.region"() ({
      %run_scoped3A = tpu.sem_alloc : memref<!tpu.dma_semaphore, #tpu.memory_space<semaphore_mem>>
      %dma_start3A = arith.constant 0 : i32
      %dma_start3A_16 = tpu.memref_slice %arg10[%mul3A_4, %dma_start3A] : memref<10240x64xf32, #tpu.memory_space<vmem_shared>> -> memref<640x64xf32, #tpu.memory_space<vmem_shared>>
      %dma_start3A_17 = arith.constant 0 : i32
      %dma_start3A_18 = tpu.memref_slice %arg4[%mul3A_4, %dma_start3A_17] : memref<10240x64xf32, #tpu.memory_space<hbm>> -> memref<640x64xf32, #tpu.memory_space<hbm>>
      tpu.enqueue_dma source(%dma_start3A_18 : memref<640x64xf32, #tpu.memory_space<hbm>>) target(%dma_start3A_16 : memref<640x64xf32, #tpu.memory_space<vmem_shared>>) target_semaphore(%run_scoped3A : memref<!tpu.dma_semaphore, #tpu.memory_space<semaphore_mem>>)
      %dma_wait3A = arith.constant 0 : i32
      %dma_wait3A_19 = tpu.memref_slice %arg10[%mul3A_4, %dma_wait3A] : memref<10240x64xf32, #tpu.memory_space<vmem_shared>> -> memref<640x64xf32, #tpu.memory_space<vmem_shared>>
      %dma_wait3A_20 = arith.constant 0 : i32
      %dma_wait3A_21 = tpu.memref_slice %arg4[%mul3A_4, %dma_wait3A_20] : memref<10240x64xf32, #tpu.memory_space<hbm>> -> memref<640x64xf32, #tpu.memory_space<hbm>>
      tpu.wait_dma2 semaphore(%run_scoped3A : memref<!tpu.dma_semaphore, #tpu.memory_space<semaphore_mem>>) src(%dma_wait3A_21 : memref<640x64xf32, #tpu.memory_space<hbm>>) dst(%dma_wait3A_19 : memref<640x64xf32, #tpu.memory_space<vmem_shared>>)
      tpu.yield
    }) : () -> ()
    %barrier3A = arith.constant 0 : index
    tpu.barrier barrier_id(%barrier3A)
    %scan3A = arith.constant 0 : i32
    %scan3A_5 = arith.constant 0 : i32
    %scan3A_6 = arith.constant 39 : i32
    %scan3A_7 = arith.addi %scan3A_5, %scan3A_6 : i32
    %scan3A_8 = arith.constant 1 : i32
    scf.for %scan3A_16 = %scan3A_5 to %scan3A_7 step %scan3A_8  : i32 {
      %mul3A_17 = arith.constant 128 : i32
      %mul3A_18 = arith.muli %scan3A_16, %mul3A_17 : i32
      %add3A_19 = arith.addi %mul3A_2, %mul3A_18 : i32
      "tpu.region"() ({
        %run_scoped3A = tpu.sem_alloc : memref<!tpu.dma_semaphore, #tpu.memory_space<semaphore_mem>>
        %dma_start3A = tpu.memref_slice %arg3[%add3A_19] : memref<160000xi32, #tpu.memory_space<hbm>> -> memref<128xi32, #tpu.memory_space<hbm>>
        %dma_start3A_20 = tpu.memref_slice %arg3[%add3A_19] : memref<160000xi32, #tpu.memory_space<hbm>> -> memref<128xi32, #tpu.memory_space<hbm>>
        tpu.enqueue_dma source(%dma_start3A_20 : memref<128xi32, #tpu.memory_space<hbm>>) target(%arg6 : memref<128xi32, #tpu.memory_space<vmem>>) target_semaphore(%run_scoped3A : memref<!tpu.dma_semaphore, #tpu.memory_space<semaphore_mem>>)
        %dma_wait3A = tpu.memref_slice %arg3[%add3A_19] : memref<160000xi32, #tpu.memory_space<hbm>> -> memref<128xi32, #tpu.memory_space<hbm>>
        %dma_wait3A_21 = tpu.memref_slice %arg3[%add3A_19] : memref<160000xi32, #tpu.memory_space<hbm>> -> memref<128xi32, #tpu.memory_space<hbm>>
        tpu.wait_dma2 semaphore(%run_scoped3A : memref<!tpu.dma_semaphore, #tpu.memory_space<semaphore_mem>>) src(%dma_wait3A_21 : memref<128xi32, #tpu.memory_space<hbm>>) dst(%arg6 : memref<128xi32, #tpu.memory_space<vmem>>)
        tpu.yield
      }) : () -> ()
      "tpu.region"() ({
        %run_scoped3A = tpu.sem_alloc : memref<!tpu.dma_semaphore, #tpu.memory_space<semaphore_mem>>
        %dma_start3A = arith.constant 0 : i32
        %dma_start3A_20 = tpu.memref_slice %arg2[%add3A_19, %dma_start3A] : memref<160000x64xf32, #tpu.memory_space<hbm>> -> memref<128x64xf32, #tpu.memory_space<hbm>>
        %dma_start3A_21 = arith.constant 0 : i32
        %dma_start3A_22 = tpu.memref_slice %arg2[%add3A_19, %dma_start3A_21] : memref<160000x64xf32, #tpu.memory_space<hbm>> -> memref<128x64xf32, #tpu.memory_space<hbm>>
        tpu.enqueue_dma source(%dma_start3A_22 : memref<128x64xf32, #tpu.memory_space<hbm>>) target(%arg7 : memref<128x64xf32, #tpu.memory_space<vmem>>) target_semaphore(%run_scoped3A : memref<!tpu.dma_semaphore, #tpu.memory_space<semaphore_mem>>)
        %dma_wait3A = arith.constant 0 : i32
        %dma_wait3A_23 = tpu.memref_slice %arg2[%add3A_19, %dma_wait3A] : memref<160000x64xf32, #tpu.memory_space<hbm>> -> memref<128x64xf32, #tpu.memory_space<hbm>>
        %dma_wait3A_24 = arith.constant 0 : i32
        %dma_wait3A_25 = tpu.memref_slice %arg2[%add3A_19, %dma_wait3A_24] : memref<160000x64xf32, #tpu.memory_space<hbm>> -> memref<128x64xf32, #tpu.memory_space<hbm>>
        tpu.wait_dma2 semaphore(%run_scoped3A : memref<!tpu.dma_semaphore, #tpu.memory_space<semaphore_mem>>) src(%dma_wait3A_25 : memref<128x64xf32, #tpu.memory_space<hbm>>) dst(%arg7 : memref<128x64xf32, #tpu.memory_space<vmem>>)
        tpu.yield
      }) : () -> ()
      "tpu.region"() ({
        %run_scoped3A = tpu.sem_alloc : memref<!tpu.dma_semaphore, #tpu.memory_space<semaphore_mem>>
        %dma_start3A = arith.constant 0 : i32
        %dma_start3A_20 = arith.constant 0 : i32
        %dma_start3A_21 = tpu.memref_slice %arg10[%dma_start3A, %dma_start3A_20] : memref<10240x64xf32, #tpu.memory_space<vmem_shared>> -> memref<10240x64xf32, #tpu.memory_space<vmem_shared>>
        tpu.enqueue_indirect_dma source(%arg7 : memref<128x64xf32, #tpu.memory_space<vmem>>) target(%dma_start3A_21 : memref<10240x64xf32, #tpu.memory_space<vmem_shared>>) offsets(%arg6 : memref<128xi32, #tpu.memory_space<vmem>>) semaphore(%run_scoped3A : memref<!tpu.dma_semaphore, #tpu.memory_space<semaphore_mem>>) {add = true}
        %dma_wait3A = arith.constant 0 : i32
        %dma_wait3A_22 = arith.constant 0 : i32
        %dma_wait3A_23 = tpu.memref_slice %arg10[%dma_wait3A, %dma_wait3A_22] : memref<10240x64xf32, #tpu.memory_space<vmem_shared>> -> memref<10240x64xf32, #tpu.memory_space<vmem_shared>>
        tpu.wait_indirect_dma semaphore(%run_scoped3A : memref<!tpu.dma_semaphore, #tpu.memory_space<semaphore_mem>>) src(%arg7 : memref<128x64xf32, #tpu.memory_space<vmem>>) dst(%dma_wait3A_23 : memref<10240x64xf32, #tpu.memory_space<vmem_shared>>)
        tpu.yield
      }) : () -> ()
    }
    %scan3A_9 = arith.constant 39 : i32
    %add3A_10 = arith.constant 4992 : i32
    %add3A_11 = arith.addi %mul3A_2, %add3A_10 : i32
    "tpu.region"() ({
      %run_scoped3A = tpu.sem_alloc : memref<!tpu.dma_semaphore, #tpu.memory_space<semaphore_mem>>
      %dma_start3A = tpu.memref_slice %arg3[%add3A_11] : memref<160000xi32, #tpu.memory_space<hbm>> -> memref<8xi32, #tpu.memory_space<hbm>>
      %dma_start3A_16 = tpu.memref_slice %arg3[%add3A_11] : memref<160000xi32, #tpu.memory_space<hbm>> -> memref<8xi32, #tpu.memory_space<hbm>>
      tpu.enqueue_dma source(%dma_start3A_16 : memref<8xi32, #tpu.memory_space<hbm>>) target(%arg8 : memref<8xi32, #tpu.memory_space<vmem>>) target_semaphore(%run_scoped3A : memref<!tpu.dma_semaphore, #tpu.memory_space<semaphore_mem>>)
      %dma_wait3A = tpu.memref_slice %arg3[%add3A_11] : memref<160000xi32, #tpu.memory_space<hbm>> -> memref<8xi32, #tpu.memory_space<hbm>>
      %dma_wait3A_17 = tpu.memref_slice %arg3[%add3A_11] : memref<160000xi32, #tpu.memory_space<hbm>> -> memref<8xi32, #tpu.memory_space<hbm>>
      tpu.wait_dma2 semaphore(%run_scoped3A : memref<!tpu.dma_semaphore, #tpu.memory_space<semaphore_mem>>) src(%dma_wait3A_17 : memref<8xi32, #tpu.memory_space<hbm>>) dst(%arg8 : memref<8xi32, #tpu.memory_space<vmem>>)
      tpu.yield
    }) : () -> ()
    "tpu.region"() ({
      %run_scoped3A = tpu.sem_alloc : memref<!tpu.dma_semaphore, #tpu.memory_space<semaphore_mem>>
      %dma_start3A = arith.constant 0 : i32
      %dma_start3A_16 = tpu.memref_slice %arg2[%add3A_11, %dma_start3A] : memref<160000x64xf32, #tpu.memory_space<hbm>> -> memref<8x64xf32, #tpu.memory_space<hbm>>
      %dma_start3A_17 = arith.constant 0 : i32
      %dma_start3A_18 = tpu.memref_slice %arg2[%add3A_11, %dma_start3A_17] : memref<160000x64xf32, #tpu.memory_space<hbm>> -> memref<8x64xf32, #tpu.memory_space<hbm>>
      tpu.enqueue_dma source(%dma_start3A_18 : memref<8x64xf32, #tpu.memory_space<hbm>>) target(%arg9 : memref<8x64xf32, #tpu.memory_space<vmem>>) target_semaphore(%run_scoped3A : memref<!tpu.dma_semaphore, #tpu.memory_space<semaphore_mem>>)
      %dma_wait3A = arith.constant 0 : i32
      %dma_wait3A_19 = tpu.memref_slice %arg2[%add3A_11, %dma_wait3A] : memref<160000x64xf32, #tpu.memory_space<hbm>> -> memref<8x64xf32, #tpu.memory_space<hbm>>
      %dma_wait3A_20 = arith.constant 0 : i32
      %dma_wait3A_21 = tpu.memref_slice %arg2[%add3A_11, %dma_wait3A_20] : memref<160000x64xf32, #tpu.memory_space<hbm>> -> memref<8x64xf32, #tpu.memory_space<hbm>>
      tpu.wait_dma2 semaphore(%run_scoped3A : memref<!tpu.dma_semaphore, #tpu.memory_space<semaphore_mem>>) src(%dma_wait3A_21 : memref<8x64xf32, #tpu.memory_space<hbm>>) dst(%arg9 : memref<8x64xf32, #tpu.memory_space<vmem>>)
      tpu.yield
    }) : () -> ()
    "tpu.region"() ({
      %run_scoped3A = tpu.sem_alloc : memref<!tpu.dma_semaphore, #tpu.memory_space<semaphore_mem>>
      %dma_start3A = arith.constant 0 : i32
      %dma_start3A_16 = arith.constant 0 : i32
      %dma_start3A_17 = tpu.memref_slice %arg10[%dma_start3A, %dma_start3A_16] : memref<10240x64xf32, #tpu.memory_space<vmem_shared>> -> memref<10240x64xf32, #tpu.memory_space<vmem_shared>>
      tpu.enqueue_indirect_dma source(%arg9 : memref<8x64xf32, #tpu.memory_space<vmem>>) target(%dma_start3A_17 : memref<10240x64xf32, #tpu.memory_space<vmem_shared>>) offsets(%arg8 : memref<8xi32, #tpu.memory_space<vmem>>) semaphore(%run_scoped3A : memref<!tpu.dma_semaphore, #tpu.memory_space<semaphore_mem>>) {add = true}
      %dma_wait3A = arith.constant 0 : i32
      %dma_wait3A_18 = arith.constant 0 : i32
      %dma_wait3A_19 = tpu.memref_slice %arg10[%dma_wait3A, %dma_wait3A_18] : memref<10240x64xf32, #tpu.memory_space<vmem_shared>> -> memref<10240x64xf32, #tpu.memory_space<vmem_shared>>
      tpu.wait_indirect_dma semaphore(%run_scoped3A : memref<!tpu.dma_semaphore, #tpu.memory_space<semaphore_mem>>) src(%arg9 : memref<8x64xf32, #tpu.memory_space<vmem>>) dst(%dma_wait3A_19 : memref<10240x64xf32, #tpu.memory_space<vmem_shared>>)
      tpu.yield
    }) : () -> ()
    %barrier3A_12 = arith.constant 0 : index
    tpu.barrier barrier_id(%barrier3A_12)
    %mul3A_13 = arith.constant 10240 : i32
    %mul3A_14 = arith.muli %arg0, %mul3A_13 : i32
    %add3A_15 = arith.addi %mul3A_14, %mul3A_4 : i32
    "tpu.region"() ({
      %run_scoped3A = tpu.sem_alloc : memref<!tpu.dma_semaphore, #tpu.memory_space<semaphore_mem>>
      %dma_start3A = arith.constant 0 : i32
      %dma_start3A_16 = tpu.memref_slice %arg5[%add3A_15, %dma_start3A] : memref<20480x64xf32, #tpu.memory_space<hbm>> -> memref<640x64xf32, #tpu.memory_space<hbm>>
      %dma_start3A_17 = arith.constant 0 : i32
      %dma_start3A_18 = tpu.memref_slice %arg10[%mul3A_4, %dma_start3A_17] : memref<10240x64xf32, #tpu.memory_space<vmem_shared>> -> memref<640x64xf32, #tpu.memory_space<vmem_shared>>
      tpu.enqueue_dma source(%dma_start3A_18 : memref<640x64xf32, #tpu.memory_space<vmem_shared>>) target(%dma_start3A_16 : memref<640x64xf32, #tpu.memory_space<hbm>>) target_semaphore(%run_scoped3A : memref<!tpu.dma_semaphore, #tpu.memory_space<semaphore_mem>>)
      %dma_wait3A = arith.constant 0 : i32
      %dma_wait3A_19 = tpu.memref_slice %arg5[%add3A_15, %dma_wait3A] : memref<20480x64xf32, #tpu.memory_space<hbm>> -> memref<640x64xf32, #tpu.memory_space<hbm>>
      %dma_wait3A_20 = arith.constant 0 : i32
      %dma_wait3A_21 = tpu.memref_slice %arg10[%mul3A_4, %dma_wait3A_20] : memref<10240x64xf32, #tpu.memory_space<vmem_shared>> -> memref<640x64xf32, #tpu.memory_space<vmem_shared>>
      tpu.wait_dma2 semaphore(%run_scoped3A : memref<!tpu.dma_semaphore, #tpu.memory_space<semaphore_mem>>) src(%dma_wait3A_21 : memref<640x64xf32, #tpu.memory_space<vmem_shared>>) dst(%dma_wait3A_19 : memref<640x64xf32, #tpu.memory_space<hbm>>)
      tpu.yield
    }) : () -> ()
    return
  }
}

module attributes {stable_mosaic.version = 14 : i64} {
  func.func @_proj_kernel(%arg0: i32, %arg1: memref<2000x128xf32, #tpu.memory_space<vmem>>, %arg2: memref<128x64xf32, #tpu.memory_space<vmem>>, %arg3: memref<1x64xf32, #tpu.memory_space<vmem>>, %arg4: memref<2000x64xf32, #tpu.memory_space<vmem>>) attributes {dimension_semantics = [#tpu.dimension_semantics<arbitrary>], iteration_bounds = array<i64: 5>, scalar_prefetch = 0 : i64, scratch_operands = 0 : i64, tpu.core_type = #tpu.core_type<tc>, window_params = [{transform_indices = @transform_0, window_bounds = array<i64: 2000, 128>}, {pipeline_mode = #tpu.pipeline_mode<synchronous>, transform_indices = @transform_1, window_bounds = array<i64: 128, 64>}, {pipeline_mode = #tpu.pipeline_mode<synchronous>, transform_indices = @transform_2, window_bounds = array<i64: 1, 64>}, {transform_indices = @transform_3, window_bounds = array<i64: 2000, 64>}]} {
    %get3A = arith.constant 0 : index
    %get3A_0 = arith.constant 0 : index
    %get3A_1 = vector.load %arg1[%get3A, %get3A_0] : memref<2000x128xf32, #tpu.memory_space<vmem>>, vector<2000x128xf32>
    %get3A_2 = arith.constant 0 : index
    %get3A_3 = arith.constant 0 : index
    %get3A_4 = vector.load %arg2[%get3A_2, %get3A_3] : memref<128x64xf32, #tpu.memory_space<vmem>>, vector<128x64xf32>
    %dot_general3A = arith.constant dense<0.000000e+00> : vector<2000x64xf32>
    %dot_general3A_5 = tpu.matmul %get3A_1, %get3A_4, %dot_general3A {dimension_numbers = #tpu.dot_dimension_numbers<[1], [0], [0], [1], [0, 0, 1, 1], [], []>, transpose_lhs_hint = false} : vector<2000x128xf32>, vector<128x64xf32>, vector<2000x64xf32> -> vector<2000x64xf32>
    %get3A_6 = arith.constant 0 : index
    %get3A_7 = arith.constant 0 : index
    %get3A_8 = vector.load %arg3[%get3A_6, %get3A_7] : memref<1x64xf32, #tpu.memory_space<vmem>>, vector<1x64xf32>
    %add3A = vector.broadcast %get3A_8 : vector<1x64xf32> to vector<2000x64xf32>
    %add3A_9 = arith.addf %dot_general3A_5, %add3A : vector<2000x64xf32>
    %max3A = arith.constant 0.000000e+00 : f32
    %max3A_10 = vector.broadcast %max3A : f32 to vector<2000x64xf32>
    %max3A_11 = arith.maximumf %add3A_9, %max3A_10 : vector<2000x64xf32>
    %swap3A = arith.constant 0 : index
    %swap3A_12 = arith.constant 0 : index
    %swap3A_13 = vector.load %arg4[%swap3A, %swap3A_12] : memref<2000x64xf32, #tpu.memory_space<vmem>>, vector<2000x64xf32>
    tpu.vector_store %arg4[%swap3A, %swap3A_12], %max3A_11 {strides = array<i32>} : memref<2000x64xf32, #tpu.memory_space<vmem>>, vector<2000x64xf32>,
    return
  }
  func.func @transform_0(%arg0: i32) -> (i32, i32) {
    %c0_i32 = arith.constant 0 : i32
    %c0_i32_0 = arith.constant 0 : i32
    return %arg0, %c0_i32 : i32, i32
  }
  func.func @transform_1(%arg0: i32) -> (i32, i32) {
    %c0_i32 = arith.constant 0 : i32
    %c0_i32_0 = arith.constant 0 : i32
    %c0_i32_1 = arith.constant 0 : i32
    return %c0_i32, %c0_i32_0 : i32, i32
  }
  func.func @transform_2(%arg0: i32) -> (i32, i32) {
    %c0_i32 = arith.constant 0 : i32
    %c0_i32_0 = arith.constant 0 : i32
    %c0_i32_1 = arith.constant 0 : i32
    return %c0_i32, %c0_i32_0 : i32, i32
  }
  func.func @transform_3(%arg0: i32) -> (i32, i32) {
    %c0_i32 = arith.constant 0 : i32
    %c0_i32_0 = arith.constant 0 : i32
    return %arg0, %c0_i32 : i32, i32
  }
}

module attributes {stable_mosaic.version = 14 : i64} {
  func.func @_msg_kernel(%arg0: i32, %arg1: memref<17x640xf32, #tpu.memory_space<vmem>>, %arg2: memref<640x64xf32, #tpu.memory_space<vmem>>, %arg3: memref<128x17xf32, #tpu.memory_space<vmem>>, %arg4: memref<64x8192xf32, #tpu.memory_space<vmem>>, %arg5: memref<64x64xf32, #tpu.memory_space<vmem>>, %arg6: memref<640x64xf32, #tpu.memory_space<vmem>>) attributes {dimension_semantics = [#tpu.dimension_semantics<arbitrary>], iteration_bounds = array<i64: 250>, scalar_prefetch = 0 : i64, scratch_operands = 0 : i64, tpu.core_type = #tpu.core_type<tc>, window_params = [{transform_indices = @transform_0, window_bounds = array<i64: 17, 640>}, {transform_indices = @transform_1, window_bounds = array<i64: 640, 64>}, {pipeline_mode = #tpu.pipeline_mode<synchronous>, transform_indices = @transform_2, window_bounds = array<i64: 128, 17>}, {pipeline_mode = #tpu.pipeline_mode<synchronous>, transform_indices = @transform_3, window_bounds = array<i64: 64, 8192>}, {pipeline_mode = #tpu.pipeline_mode<synchronous>, transform_indices = @transform_4, window_bounds = array<i64: 64, 64>}, {transform_indices = @transform_5, window_bounds = array<i64: 640, 64>}]} {
    %get3A = arith.constant 0 : index
    %get3A_0 = arith.constant 0 : index
    %get3A_1 = vector.load %arg3[%get3A, %get3A_0] : memref<128x17xf32, #tpu.memory_space<vmem>>, vector<128x17xf32>
    %get3A_2 = arith.constant 0 : index
    %get3A_3 = arith.constant 0 : index
    %get3A_4 = vector.load %arg1[%get3A_2, %get3A_3] : memref<17x640xf32, #tpu.memory_space<vmem>>, vector<17x640xf32>
    %dot_general3A = arith.constant dense<0.000000e+00> : vector<128x640xf32>
    %dot_general3A_5 = tpu.matmul %get3A_1, %get3A_4, %dot_general3A {dimension_numbers = #tpu.dot_dimension_numbers<[1], [0], [0], [1], [0, 0, 1, 1], [], []>, transpose_lhs_hint = false} : vector<128x17xf32>, vector<17x640xf32>, vector<128x640xf32> -> vector<128x640xf32>
    %max3A = arith.constant 0.000000e+00 : f32
    %max3A_6 = vector.broadcast %max3A : f32 to vector<128x640xf32>
    %max3A_7 = arith.maximumf %dot_general3A_5, %max3A_6 : vector<128x640xf32>
    %get3A_8 = arith.constant 0 : index
    %get3A_9 = arith.constant 0 : index
    %get3A_10 = vector.load %arg2[%get3A_8, %get3A_9] : memref<640x64xf32, #tpu.memory_space<vmem>>, vector<640x64xf32>
    %transpose3A = tpu.transpose %get3A_10, [1, 0] : vector<640x64xf32> -> vector<64x640xf32>
    %broadcast_in_dim3A = vector.shape_cast %transpose3A : vector<64x640xf32> to vector<64x1x640xf32>
    %broadcast_in_dim3A_11 = vector.shape_cast %max3A_7 : vector<128x640xf32> to vector<1x128x640xf32>
    %mul3A = vector.broadcast %broadcast_in_dim3A : vector<64x1x640xf32> to vector<64x128x640xf32>
    %mul3A_12 = vector.broadcast %broadcast_in_dim3A_11 : vector<1x128x640xf32> to vector<64x128x640xf32>
    %mul3A_13 = arith.mulf %mul3A, %mul3A_12 : vector<64x128x640xf32>
    %reshape3A = vector.shape_cast %mul3A_13 : vector<64x128x640xf32> to vector<8192x640xf32>
    %get3A_14 = arith.constant 0 : index
    %get3A_15 = arith.constant 0 : index
    %get3A_16 = vector.load %arg4[%get3A_14, %get3A_15] : memref<64x8192xf32, #tpu.memory_space<vmem>>, vector<64x8192xf32>
    %dot_general3A_17 = arith.constant dense<0.000000e+00> : vector<64x640xf32>
    %dot_general3A_18 = tpu.matmul %get3A_16, %reshape3A, %dot_general3A_17 {dimension_numbers = #tpu.dot_dimension_numbers<[1], [0], [0], [1], [0, 0, 1, 1], [], []>, transpose_lhs_hint = false} : vector<64x8192xf32>, vector<8192x640xf32>, vector<64x640xf32> -> vector<64x640xf32>
    %get3A_19 = arith.constant 0 : index
    %get3A_20 = arith.constant 0 : index
    %get3A_21 = vector.load %arg5[%get3A_19, %get3A_20] : memref<64x64xf32, #tpu.memory_space<vmem>>, vector<64x64xf32>
    %dot_general3A_22 = arith.constant dense<0.000000e+00> : vector<64x640xf32>
    %dot_general3A_23 = tpu.matmul %get3A_21, %transpose3A, %dot_general3A_22 {dimension_numbers = #tpu.dot_dimension_numbers<[1], [0], [0], [1], [0, 0, 1, 1], [], []>, transpose_lhs_hint = false} : vector<64x64xf32>, vector<64x640xf32>, vector<64x640xf32> -> vector<64x640xf32>
    %add3A = arith.addf %dot_general3A_18, %dot_general3A_23 : vector<64x640xf32>
    %transpose3A_24 = tpu.transpose %add3A, [1, 0] : vector<64x640xf32> -> vector<640x64xf32>
    %swap3A = arith.constant 0 : index
    %swap3A_25 = arith.constant 0 : index
    %swap3A_26 = vector.load %arg6[%swap3A, %swap3A_25] : memref<640x64xf32, #tpu.memory_space<vmem>>, vector<640x64xf32>
    tpu.vector_store %arg6[%swap3A, %swap3A_25], %transpose3A_24 {strides = array<i32>} : memref<640x64xf32, #tpu.memory_space<vmem>>, vector<640x64xf32>,
    return
  }
  func.func @transform_0(%arg0: i32) -> (i32, i32) {
    %c0_i32 = arith.constant 0 : i32
    %c0_i32_0 = arith.constant 0 : i32
    return %c0_i32, %arg0 : i32, i32
  }
  func.func @transform_1(%arg0: i32) -> (i32, i32) {
    %c0_i32 = arith.constant 0 : i32
    %c0_i32_0 = arith.constant 0 : i32
    return %arg0, %c0_i32 : i32, i32
  }
  func.func @transform_2(%arg0: i32) -> (i32, i32) {
    %c0_i32 = arith.constant 0 : i32
    %c0_i32_0 = arith.constant 0 : i32
    %c0_i32_1 = arith.constant 0 : i32
    return %c0_i32, %c0_i32_0 : i32, i32
  }
  func.func @transform_3(%arg0: i32) -> (i32, i32) {
    %c0_i32 = arith.constant 0 : i32
    %c0_i32_0 = arith.constant 0 : i32
    %c0_i32_1 = arith.constant 0 : i32
    return %c0_i32, %c0_i32_0 : i32, i32
  }
  func.func @transform_4(%arg0: i32) -> (i32, i32) {
    %c0_i32 = arith.constant 0 : i32
    %c0_i32_0 = arith.constant 0 : i32
    %c0_i32_1 = arith.constant 0 : i32
    return %c0_i32, %c0_i32_0 : i32, i32
  }
  func.func @transform_5(%arg0: i32) -> (i32, i32) {
    %c0_i32 = arith.constant 0 : i32
    %c0_i32_0 = arith.constant 0 : i32
    return %arg0, %c0_i32 : i32, i32
  }
}

module attributes {stable_mosaic.version = 14 : i64} {
  func.func @_gru_kernel(%arg0: i32, %arg1: memref<2x2000x64xf32, #tpu.memory_space<vmem>>, %arg2: memref<2000x64xf32, #tpu.memory_space<vmem>>, %arg3: memref<1x64xf32, #tpu.memory_space<vmem>>, %arg4: memref<64x64xf32, #tpu.memory_space<vmem>>, %arg5: memref<64x64xf32, #tpu.memory_space<vmem>>, %arg6: memref<64x64xf32, #tpu.memory_space<vmem>>, %arg7: memref<64x64xf32, #tpu.memory_space<vmem>>, %arg8: memref<64x64xf32, #tpu.memory_space<vmem>>, %arg9: memref<64x64xf32, #tpu.memory_space<vmem>>, %arg10: memref<1x64xf32, #tpu.memory_space<vmem>>, %arg11: memref<1x64xf32, #tpu.memory_space<vmem>>, %arg12: memref<1x64xf32, #tpu.memory_space<vmem>>, %arg13: memref<1x64xf32, #tpu.memory_space<vmem>>, %arg14: memref<1x64xf32, #tpu.memory_space<vmem>>, %arg15: memref<1x64xf32, #tpu.memory_space<vmem>>, %arg16: memref<2000x64xf32, #tpu.memory_space<vmem>>) attributes {dimension_semantics = [#tpu.dimension_semantics<arbitrary>], iteration_bounds = array<i64: 5>, scalar_prefetch = 0 : i64, scratch_operands = 0 : i64, tpu.core_type = #tpu.core_type<tc>, window_params = [{transform_indices = @transform_0, window_bounds = array<i64: 2, 2000, 64>}, {transform_indices = @transform_1, window_bounds = array<i64: 2000, 64>}, {pipeline_mode = #tpu.pipeline_mode<synchronous>, transform_indices = @transform_2, window_bounds = array<i64: 1, 64>}, {pipeline_mode = #tpu.pipeline_mode<synchronous>, transform_indices = @transform_3, window_bounds = array<i64: 64, 64>}, {pipeline_mode = #tpu.pipeline_mode<synchronous>, transform_indices = @transform_4, window_bounds = array<i64: 64, 64>}, {pipeline_mode = #tpu.pipeline_mode<synchronous>, transform_indices = @transform_5, window_bounds = array<i64: 64, 64>}, {pipeline_mode = #tpu.pipeline_mode<synchronous>, transform_indices = @transform_6, window_bounds = array<i64: 64, 64>}, {pipeline_mode = #tpu.pipeline_mode<synchronous>, transform_indices = @transform_7, window_bounds = array<i64: 64, 64>}, {pipeline_mode = #tpu.pipeline_mode<synchronous>, transform_indices = @transform_8, window_bounds = array<i64: 64, 64>}, {pipeline_mode = #tpu.pipeline_mode<synchronous>, transform_indices = @transform_9, window_bounds = array<i64: 1, 64>}, {pipeline_mode = #tpu.pipeline_mode<synchronous>, transform_indices = @transform_10, window_bounds = array<i64: 1, 64>}, {pipeline_mode = #tpu.pipeline_mode<synchronous>, transform_indices = @transform_11, window_bounds = array<i64: 1, 64>}, {pipeline_mode = #tpu.pipeline_mode<synchronous>, transform_indices = @transform_12, window_bounds = array<i64: 1, 64>}, {pipeline_mode = #tpu.pipeline_mode<synchronous>, transform_indices = @transform_13, window_bounds = array<i64: 1, 64>}, {pipeline_mode = #tpu.pipeline_mode<synchronous>, transform_indices = @transform_14, window_bounds = array<i64: 1, 64>}, {transform_indices = @transform_15, window_bounds = array<i64: 2000, 64>}]} {
    %get3A = arith.constant 0 : index
    %get3A_0 = arith.constant 0 : index
    %get3A_1 = arith.constant 0 : index
    %get3A_2 = vector.load %arg1[%get3A, %get3A_0, %get3A_1] : memref<2x2000x64xf32, #tpu.memory_space<vmem>>, vector<1x2000x64xf32>
    %get3A_3 = vector.shape_cast %get3A_2 : vector<1x2000x64xf32> to vector<2000x64xf32>
    %get3A_4 = arith.constant 1 : index
    %get3A_5 = arith.constant 0 : index
    %get3A_6 = arith.constant 0 : index
    %get3A_7 = vector.load %arg1[%get3A_4, %get3A_5, %get3A_6] : memref<2x2000x64xf32, #tpu.memory_space<vmem>>, vector<1x2000x64xf32>
    %get3A_8 = vector.shape_cast %get3A_7 : vector<1x2000x64xf32> to vector<2000x64xf32>
    %add3A = arith.addf %get3A_3, %get3A_8 : vector<2000x64xf32>
    %get3A_9 = arith.constant 0 : index
    %get3A_10 = arith.constant 0 : index
    %get3A_11 = vector.load %arg3[%get3A_9, %get3A_10] : memref<1x64xf32, #tpu.memory_space<vmem>>, vector<1x64xf32>
    %add3A_12 = vector.broadcast %get3A_11 : vector<1x64xf32> to vector<2000x64xf32>
    %add3A_13 = arith.addf %add3A, %add3A_12 : vector<2000x64xf32>
    %max3A = arith.constant 0.000000e+00 : f32
    %max3A_14 = vector.broadcast %max3A : f32 to vector<2000x64xf32>
    %max3A_15 = arith.maximumf %add3A_13, %max3A_14 : vector<2000x64xf32>
    %get3A_16 = arith.constant 0 : index
    %get3A_17 = arith.constant 0 : index
    %get3A_18 = vector.load %arg2[%get3A_16, %get3A_17] : memref<2000x64xf32, #tpu.memory_space<vmem>>, vector<2000x64xf32>
    %get3A_19 = arith.constant 0 : index
    %get3A_20 = arith.constant 0 : index
    %get3A_21 = vector.load %arg4[%get3A_19, %get3A_20] : memref<64x64xf32, #tpu.memory_space<vmem>>, vector<64x64xf32>
    %dot_general3A = arith.constant dense<0.000000e+00> : vector<2000x64xf32>
    %dot_general3A_22 = tpu.matmul %max3A_15, %get3A_21, %dot_general3A {dimension_numbers = #tpu.dot_dimension_numbers<[1], [0], [0], [1], [0, 0, 1, 1], [], []>, transpose_lhs_hint = false} : vector<2000x64xf32>, vector<64x64xf32>, vector<2000x64xf32> -> vector<2000x64xf32>
    %get3A_23 = arith.constant 0 : index
    %get3A_24 = arith.constant 0 : index
    %get3A_25 = vector.load %arg10[%get3A_23, %get3A_24] : memref<1x64xf32, #tpu.memory_space<vmem>>, vector<1x64xf32>
    %add3A_26 = vector.broadcast %get3A_25 : vector<1x64xf32> to vector<2000x64xf32>
    %add3A_27 = arith.addf %dot_general3A_22, %add3A_26 : vector<2000x64xf32>
    %get3A_28 = arith.constant 0 : index
    %get3A_29 = arith.constant 0 : index
    %get3A_30 = vector.load %arg7[%get3A_28, %get3A_29] : memref<64x64xf32, #tpu.memory_space<vmem>>, vector<64x64xf32>
    %dot_general3A_31 = arith.constant dense<0.000000e+00> : vector<2000x64xf32>
    %dot_general3A_32 = tpu.matmul %get3A_18, %get3A_30, %dot_general3A_31 {dimension_numbers = #tpu.dot_dimension_numbers<[1], [0], [0], [1], [0, 0, 1, 1], [], []>, transpose_lhs_hint = false} : vector<2000x64xf32>, vector<64x64xf32>, vector<2000x64xf32> -> vector<2000x64xf32>
    %add3A_33 = arith.addf %add3A_27, %dot_general3A_32 : vector<2000x64xf32>
    %get3A_34 = arith.constant 0 : index
    %get3A_35 = arith.constant 0 : index
    %get3A_36 = vector.load %arg13[%get3A_34, %get3A_35] : memref<1x64xf32, #tpu.memory_space<vmem>>, vector<1x64xf32>
    %add3A_37 = vector.broadcast %get3A_36 : vector<1x64xf32> to vector<2000x64xf32>
    %add3A_38 = arith.addf %add3A_33, %add3A_37 : vector<2000x64xf32>
    %logistic3A = arith.negf %add3A_38 : vector<2000x64xf32>
    %logistic3A_39 = math.exp %logistic3A : vector<2000x64xf32>
    %logistic3A_40 = arith.constant 1.000000e+00 : f32
    %logistic3A_41 = vector.broadcast %logistic3A_40 : f32 to vector<2000x64xf32>
    %logistic3A_42 = arith.addf %logistic3A_41, %logistic3A_39 : vector<2000x64xf32>
    %logistic3A_43 = arith.divf %logistic3A_41, %logistic3A_42 : vector<2000x64xf32>
    %get3A_44 = arith.constant 0 : index
    %get3A_45 = arith.constant 0 : index
    %get3A_46 = vector.load %arg5[%get3A_44, %get3A_45] : memref<64x64xf32, #tpu.memory_space<vmem>>, vector<64x64xf32>
    %dot_general3A_47 = arith.constant dense<0.000000e+00> : vector<2000x64xf32>
    %dot_general3A_48 = tpu.matmul %max3A_15, %get3A_46, %dot_general3A_47 {dimension_numbers = #tpu.dot_dimension_numbers<[1], [0], [0], [1], [0, 0, 1, 1], [], []>, transpose_lhs_hint = false} : vector<2000x64xf32>, vector<64x64xf32>, vector<2000x64xf32> -> vector<2000x64xf32>
    %get3A_49 = arith.constant 0 : index
    %get3A_50 = arith.constant 0 : index
    %get3A_51 = vector.load %arg11[%get3A_49, %get3A_50] : memref<1x64xf32, #tpu.memory_space<vmem>>, vector<1x64xf32>
    %add3A_52 = vector.broadcast %get3A_51 : vector<1x64xf32> to vector<2000x64xf32>
    %add3A_53 = arith.addf %dot_general3A_48, %add3A_52 : vector<2000x64xf32>
    %get3A_54 = arith.constant 0 : index
    %get3A_55 = arith.constant 0 : index
    %get3A_56 = vector.load %arg8[%get3A_54, %get3A_55] : memref<64x64xf32, #tpu.memory_space<vmem>>, vector<64x64xf32>
    %dot_general3A_57 = arith.constant dense<0.000000e+00> : vector<2000x64xf32>
    %dot_general3A_58 = tpu.matmul %get3A_18, %get3A_56, %dot_general3A_57 {dimension_numbers = #tpu.dot_dimension_numbers<[1], [0], [0], [1], [0, 0, 1, 1], [], []>, transpose_lhs_hint = false} : vector<2000x64xf32>, vector<64x64xf32>, vector<2000x64xf32> -> vector<2000x64xf32>
    %add3A_59 = arith.addf %add3A_53, %dot_general3A_58 : vector<2000x64xf32>
    %get3A_60 = arith.constant 0 : index
    %get3A_61 = arith.constant 0 : index
    %get3A_62 = vector.load %arg14[%get3A_60, %get3A_61] : memref<1x64xf32, #tpu.memory_space<vmem>>, vector<1x64xf32>
    %add3A_63 = vector.broadcast %get3A_62 : vector<1x64xf32> to vector<2000x64xf32>
    %add3A_64 = arith.addf %add3A_59, %add3A_63 : vector<2000x64xf32>
    %logistic3A_65 = arith.negf %add3A_64 : vector<2000x64xf32>
    %logistic3A_66 = math.exp %logistic3A_65 : vector<2000x64xf32>
    %logistic3A_67 = arith.constant 1.000000e+00 : f32
    %logistic3A_68 = vector.broadcast %logistic3A_67 : f32 to vector<2000x64xf32>
    %logistic3A_69 = arith.addf %logistic3A_68, %logistic3A_66 : vector<2000x64xf32>
    %logistic3A_70 = arith.divf %logistic3A_68, %logistic3A_69 : vector<2000x64xf32>
    %get3A_71 = arith.constant 0 : index
    %get3A_72 = arith.constant 0 : index
    %get3A_73 = vector.load %arg6[%get3A_71, %get3A_72] : memref<64x64xf32, #tpu.memory_space<vmem>>, vector<64x64xf32>
    %dot_general3A_74 = arith.constant dense<0.000000e+00> : vector<2000x64xf32>
    %dot_general3A_75 = tpu.matmul %max3A_15, %get3A_73, %dot_general3A_74 {dimension_numbers = #tpu.dot_dimension_numbers<[1], [0], [0], [1], [0, 0, 1, 1], [], []>, transpose_lhs_hint = false} : vector<2000x64xf32>, vector<64x64xf32>, vector<2000x64xf32> -> vector<2000x64xf32>
    %get3A_76 = arith.constant 0 : index
    %get3A_77 = arith.constant 0 : index
    %get3A_78 = vector.load %arg12[%get3A_76, %get3A_77] : memref<1x64xf32, #tpu.memory_space<vmem>>, vector<1x64xf32>
    %add3A_79 = vector.broadcast %get3A_78 : vector<1x64xf32> to vector<2000x64xf32>
    %add3A_80 = arith.addf %dot_general3A_75, %add3A_79 : vector<2000x64xf32>
    %get3A_81 = arith.constant 0 : index
    %get3A_82 = arith.constant 0 : index
    %get3A_83 = vector.load %arg9[%get3A_81, %get3A_82] : memref<64x64xf32, #tpu.memory_space<vmem>>, vector<64x64xf32>
    %dot_general3A_84 = arith.constant dense<0.000000e+00> : vector<2000x64xf32>
    %dot_general3A_85 = tpu.matmul %get3A_18, %get3A_83, %dot_general3A_84 {dimension_numbers = #tpu.dot_dimension_numbers<[1], [0], [0], [1], [0, 0, 1, 1], [], []>, transpose_lhs_hint = false} : vector<2000x64xf32>, vector<64x64xf32>, vector<2000x64xf32> -> vector<2000x64xf32>
    %get3A_86 = arith.constant 0 : index
    %get3A_87 = arith.constant 0 : index
    %get3A_88 = vector.load %arg15[%get3A_86, %get3A_87] : memref<1x64xf32, #tpu.memory_space<vmem>>, vector<1x64xf32>
    %add3A_89 = vector.broadcast %get3A_88 : vector<1x64xf32> to vector<2000x64xf32>
    %add3A_90 = arith.addf %dot_general3A_85, %add3A_89 : vector<2000x64xf32>
    %mul3A = arith.mulf %logistic3A_43, %add3A_90 : vector<2000x64xf32>
    %add3A_91 = arith.addf %add3A_80, %mul3A : vector<2000x64xf32>
    %tanh3A = math.tanh %add3A_91 : vector<2000x64xf32>
    %sub3A = arith.constant 1.000000e+00 : f32
    %sub3A_92 = vector.broadcast %sub3A : f32 to vector<2000x64xf32>
    %sub3A_93 = arith.subf %sub3A_92, %logistic3A_70 : vector<2000x64xf32>
    %mul3A_94 = arith.mulf %sub3A_93, %tanh3A : vector<2000x64xf32>
    %mul3A_95 = arith.mulf %logistic3A_70, %get3A_18 : vector<2000x64xf32>
    %add3A_96 = arith.addf %mul3A_94, %mul3A_95 : vector<2000x64xf32>
    %swap3A = arith.constant 0 : index
    %swap3A_97 = arith.constant 0 : index
    %swap3A_98 = vector.load %arg16[%swap3A, %swap3A_97] : memref<2000x64xf32, #tpu.memory_space<vmem>>, vector<2000x64xf32>
    tpu.vector_store %arg16[%swap3A, %swap3A_97], %add3A_96 {strides = array<i32>} : memref<2000x64xf32, #tpu.memory_space<vmem>>, vector<2000x64xf32>,
    return
  }
  func.func @transform_0(%arg0: i32) -> (i32, i32, i32) {
    %c0_i32 = arith.constant 0 : i32
    %c0_i32_0 = arith.constant 0 : i32
    %c0_i32_1 = arith.constant 0 : i32
    return %c0_i32, %arg0, %c0_i32_0 : i32, i32, i32
  }
  func.func @transform_1(%arg0: i32) -> (i32, i32) {
    %c0_i32 = arith.constant 0 : i32
    %c0_i32_0 = arith.constant 0 : i32
    return %arg0, %c0_i32 : i32, i32
  }
  func.func @transform_2(%arg0: i32) -> (i32, i32) {
    %c0_i32 = arith.constant 0 : i32
    %c0_i32_0 = arith.constant 0 : i32
    %c0_i32_1 = arith.constant 0 : i32
    return %c0_i32, %c0_i32_0 : i32, i32
  }
  func.func @transform_3(%arg0: i32) -> (i32, i32) {
    %c0_i32 = arith.constant 0 : i32
    %c0_i32_0 = arith.constant 0 : i32
    %c0_i32_1 = arith.constant 0 : i32
    return %c0_i32, %c0_i32_0 : i32, i32
  }
  func.func @transform_4(%arg0: i32) -> (i32, i32) {
    %c0_i32 = arith.constant 0 : i32
    %c0_i32_0 = arith.constant 0 : i32
    %c0_i32_1 = arith.constant 0 : i32
    return %c0_i32, %c0_i32_0 : i32, i32
  }
  func.func @transform_5(%arg0: i32) -> (i32, i32) {
    %c0_i32 = arith.constant 0 : i32
    %c0_i32_0 = arith.constant 0 : i32
    %c0_i32_1 = arith.constant 0 : i32
    return %c0_i32, %c0_i32_0 : i32, i32
  }
  func.func @transform_6(%arg0: i32) -> (i32, i32) {
    %c0_i32 = arith.constant 0 : i32
    %c0_i32_0 = arith.constant 0 : i32
    %c0_i32_1 = arith.constant 0 : i32
    return %c0_i32, %c0_i32_0 : i32, i32
  }
  func.func @transform_7(%arg0: i32) -> (i32, i32) {
    %c0_i32 = arith.constant 0 : i32
    %c0_i32_0 = arith.constant 0 : i32
    %c0_i32_1 = arith.constant 0 : i32
    return %c0_i32, %c0_i32_0 : i32, i32
  }
  func.func @transform_8(%arg0: i32) -> (i32, i32) {
    %c0_i32 = arith.constant 0 : i32
    %c0_i32_0 = arith.constant 0 : i32
    %c0_i32_1 = arith.constant 0 : i32
    return %c0_i32, %c0_i32_0 : i32, i32
  }
  func.func @transform_9(%arg0: i32) -> (i32, i32) {
    %c0_i32 = arith.constant 0 : i32
    %c0_i32_0 = arith.constant 0 : i32
    %c0_i32_1 = arith.constant 0 : i32
    return %c0_i32, %c0_i32_0 : i32, i32
  }
  func.func @transform_10(%arg0: i32) -> (i32, i32) {
    %c0_i32 = arith.constant 0 : i32
    %c0_i32_0 = arith.constant 0 : i32
    %c0_i32_1 = arith.constant 0 : i32
    return %c0_i32, %c0_i32_0 : i32, i32
  }
  func.func @transform_11(%arg0: i32) -> (i32, i32) {
    %c0_i32 = arith.constant 0 : i32
    %c0_i32_0 = arith.constant 0 : i32
    %c0_i32_1 = arith.constant 0 : i32
    return %c0_i32, %c0_i32_0 : i32, i32
  }
  func.func @transform_12(%arg0: i32) -> (i32, i32) {
    %c0_i32 = arith.constant 0 : i32
    %c0_i32_0 = arith.constant 0 : i32
    %c0_i32_1 = arith.constant 0 : i32
    return %c0_i32, %c0_i32_0 : i32, i32
  }
  func.func @transform_13(%arg0: i32) -> (i32, i32) {
    %c0_i32 = arith.constant 0 : i32
    %c0_i32_0 = arith.constant 0 : i32
    %c0_i32_1 = arith.constant 0 : i32
    return %c0_i32, %c0_i32_0 : i32, i32
  }
  func.func @transform_14(%arg0: i32) -> (i32, i32) {
    %c0_i32 = arith.constant 0 : i32
    %c0_i32_0 = arith.constant 0 : i32
    %c0_i32_1 = arith.constant 0 : i32
    return %c0_i32, %c0_i32_0 : i32, i32
  }
  func.func @transform_15(%arg0: i32) -> (i32, i32) {
    %c0_i32 = arith.constant 0 : i32
    %c0_i32_0 = arith.constant 0 : i32
    return %arg0, %c0_i32 : i32, i32
  }
}

</mosaic_0001>

<sc_bundles>
// kernel: kernel.15.cloned.1.call-start
scs
__scs_entry_jumppad:
0x0: {  	(pc) =	sbr.rel $0x88, $3  }
0x1: {  	(tag) =	ssettag $0x0;
	lr =	simm.s32 $0x1  }
0x2: {  	[smem:$0x3F93] =	sst lr;
	_ =	strace $0xD0000000  }
0x3: {  	_ = 	snop  }
0x4: {  	_ = 	snop  }
0x5: {  	_ = 	snop  }
0x6: {  	_ = 	snop  }
0x7: {  	_ = 	snop  }
__scs_overlays_trampoline_lowered:
0x8: {  	[smem:$0x3FA2] =	sst s0  }
0x9: {  	[smem:$0x3FA3] =	sst s1  }
0xa: {  	[smem:$0x3FA4] =	sst s2  }
0xb: {  	[smem:$0x3FA5] =	sst s3  }
0xc: {  	[smem:$0x3FA6] =	sst s4  }
0xd: {  	[smem:$0x3FA7] =	sst s5  }
0xe: {  	[smem:$0x3FA8] =	sst s6  }
0xf: {  	[smem:$0x3FA9] =	sst s7  }
0x10: {  	[smem:$0x3FAA] =	sst s8  }
0x11: {  	[smem:$0x3FAB] =	sst s9;
	s0 =	simm.s32 @!p0 $0x0  }
0x12: {  	s1 =	sld [smem:$0x3F91];
	s0 =	simm.s32 @p0 $0x1  }
0x13: {  	[smem:$0x3FAC] =	sst s0;
	s0 =	simm.s32 @!p1 $0x0  }
0x14: {  	s2 =	sld [smem:$0x3F90];
	s0 =	simm.s32 @p1 $0x1  }
0x15: {  	[smem:$0x3FAD] =	sst s0;
	s0 =	simm.s32 @!p2 $0x0  }
0x16: {  	s3 =	sld [smem:$0x3FDB];
	s0 =	simm.s32 @p2 $0x1  }
0x17: {  	s4 =	simm.s32 $0x1BF5;
	[smem:$0x3FAF] =	sst s0  }
0x18: {  	s0 =	sld [smem:$0x3F92];
	_ =	swait.ge [sflag:s4], $0x0  }
0x19: {  	s7 =	sld [smem:$0x3F93]  }
0x1a: {  	s8 =	sadd.s32 $0xFFFFE003, lr  }
0x1b: {  	s9 =	sadd.s32 $0xFFFFFEF7, lr;
	s5 =	simm.s32 $0xFFFFFFFF;
	p2 =	slt.u32 s8, $0xFFFFF086  }
0x1c: {  	p1 =	slt.u32 s9, $0xF7A;
	s5 =	simm.s32 @!p2 $0x0  }
0x1d: {  	s5 =	simm.s32 @p1 $0x1;
	p0 =	seq.s32 s7, s2  }
0x1e: {  	s7 =	smul.u32 @!p0 $0xF7A, s2;
	p2 =	seq.s32 @!p0 s5, $0x0  }
0x1f: {  	s9 =	smul.u32 $0xF7A, s1;
	s8 =	simm.s32 @!p0 $0x1BF5;
	p2 =	por !p2, p0  }
0x20: {  	[sflag:s8] =	ssyncset.s32 @!p0 $0xFFFFF086;
	s6 =	sadd.s32 @!p0 s3, s7;
	s7 =	simm.s32 @!p0 $0x108  }
0x21: {  	s3 =	sadd.s32 s3, s9;
	s6 =	sadd.s32 @!p0 $0x88, s6;
	s7 =	simm.s32 @p2 $0x1082  }
0x22: {  	[simem:s7], [sflag:s8] =	dma.local @!p0 [hbm:s6], $0xF7A  }
0x23: {  	s9 =	sor.u32 $0xD0000000, s2;
	s6 =	simm.s32 $0x108;
	_ =	swait.ge @!p0 [sflag:s8], $0x0  }
0x24: {  	s3 =	sadd.s32 $0x88, s3;
	s6 =	simm.s32 @!p1 $0x1082;
	[sflag:s4] =	ssyncset.s32 $0xFFFFF086  }
0x25: {  	[simem:s6], [sflag:s4] =	dma.local [hbm:s3], $0xF7A  }
0x26: {  	[smem:$0x3F93] =	sst s1;
	(tag) =	ssettag s2;
	_ =	strace s9  }
0x27: {  	s1 =	sld [smem:$0x3FA3]  }
0x28: {  	s2 =	sld [smem:$0x3FA4]  }
0x29: {  	s4 =	sld [smem:$0x3FA6]  }
0x2a: {  	p0 =	seq.s32 s5, $0x0;
	s5 =	sld [smem:$0x3FA7]  }
0x2b: {  	s6 =	sld [smem:$0x3FA8]  }
0x2c: {  	s7 =	sld [smem:$0x3FA9]  }
0x2d: {  	s3 =	simm.s32 $0x108;
	s8 =	sld [smem:$0x3FAA]  }
0x2e: {  	s3 =	simm.s32 @!p0 $0x1082;
	s9 =	sld [smem:$0x3FAB]  }
0x2f: {  	lr =	sadd.s32 s0, s3;
	s0 =	sld [smem:$0x3FA2]  }
0x30: {  	s3 =	sld [smem:$0x3FA5]  }
0x31: {  	[smem:$0x3FAE] =	sst s10  }
0x32: {  	s10 =	sld [smem:$0x3FAC];
	_ =	sdelay $0x3  }
0x33: {  	p0 =	seq.s32 s10, $0x1;
	s10 =	sld [smem:$0x3FAE];
	_ =	sdelay $0x3  }
0x34: {  	[smem:$0x3FAE] =	sst s10  }
0x35: {  	s10 =	sld [smem:$0x3FAD];
	_ =	sdelay $0x3  }
0x36: {  	p1 =	seq.s32 s10, $0x1;
	s10 =	sld [smem:$0x3FAE];
	_ =	sdelay $0x3  }
0x37: {  	[smem:$0x3FAE] =	sst s10  }
0x38: {  	s10 =	sld [smem:$0x3FAF]  }
0x39: {  	_ = 	snop;
	(pc) =	sbr.ind lr, $3  }
0x3a: {  	_ = 	snop  }
0x3b: {  	_ = 	snop  }
0x3c: {  	p2 =	seq.s32 s10, $0x1;
	s10 =	sld [smem:$0x3FAE]  }
0x3d: {  	_ =	shalt  }
0x3e: {  	_ =	shalt  }
0x3f: {  	_ =	shalt  }
0x40: {  	_ =	shalt  }
0x41: {  	_ =	shalt  }
0x42: {  	_ =	shalt  }
0x43: {  	_ =	shalt  }
0x44: {  	_ =	shalt  }
0x45: {  	_ =	shalt  }
0x46: {  	_ =	shalt  }
0x47: {  	_ =	shalt  }
0x48: {  	_ =	shalt  }
0x49: {  	_ =	shalt  }
0x4a: {  	_ =	shalt  }
0x4b: {  	_ =	shalt  }
0x4c: {  	_ =	shalt  }
0x4d: {  	_ =	shalt  }
0x4e: {  	_ =	shalt  }
0x4f: {  	_ =	shalt  }
0x50: {  	_ =	shalt  }
0x51: {  	_ =	shalt  }
0x52: {  	_ =	shalt  }
0x53: {  	_ =	shalt  }
0x54: {  	_ =	shalt  }
0x55: {  	_ =	shalt  }
0x56: {  	_ =	shalt  }
0x57: {  	_ =	shalt  }
0x58: {  	_ =	shalt  }
0x59: {  	_ =	shalt  }
0x5a: {  	_ =	shalt  }
0x5b: {  	_ =	shalt  }
0x5c: {  	_ =	shalt  }
0x5d: {  	_ =	shalt  }
0x5e: {  	_ =	shalt  }
0x5f: {  	_ =	shalt  }
0x60: {  	_ =	shalt  }
0x61: {  	_ =	shalt  }
0x62: {  	_ =	shalt  }
0x63: {  	_ =	shalt  }
0x64: {  	_ =	shalt  }
0x65: {  	_ =	shalt  }
0x66: {  	_ =	shalt  }
0x67: {  	_ =	shalt  }
0x68: {  	_ =	shalt  }
0x69: {  	_ =	shalt  }
0x6a: {  	_ =	shalt  }
0x6b: {  	_ =	shalt  }
0x6c: {  	_ =	shalt  }
0x6d: {  	_ =	shalt  }
0x6e: {  	_ =	shalt  }
0x6f: {  	_ =	shalt  }
0x70: {  	_ =	shalt  }
0x71: {  	_ =	shalt  }
0x72: {  	_ =	shalt  }
0x73: {  	_ =	shalt  }
0x74: {  	_ =	shalt  }
0x75: {  	_ =	shalt  }
0x76: {  	_ =	shalt  }
0x77: {  	_ =	shalt  }
0x78: {  	_ =	shalt  }
0x79: {  	_ =	shalt  }
0x7a: {  	_ =	shalt  }
0x7b: {  	_ =	shalt  }
0x7c: {  	_ =	shalt  }
0x7d: {  	_ =	shalt  }
0x7e: {  	_ =	shalt  }
0x7f: {  	_ =	shalt  }
0x80: {  	_ =	shalt  }
0x81: {  	_ =	shalt  }
0x82: {  	_ =	shalt  }
0x83: {  	_ =	shalt  }
0x84: {  	_ =	shalt  }
0x85: {  	_ =	shalt  }
0x86: {  	_ =	shalt  }
0x87: {  	_ =	shalt  }
.Lfunc_end0:
.L_simem_size_0:
called_computation_lowered:
.L_overlay_start_0:
0x88: {  	s2 =	sld [smem:$0x3FD9]  }
0x89: {  	s3 =	sld [smem:$0x3FFE];
	_ =	sdelay $0x1  }
0x8a: {  	s1 =	srdreg.scid  }
0x8b: {  	s0 =	sand.u32 $0x1, s1  }
0x8c: {  	s17 =	sshll.u32 s0, $0xA;
	s2 =	sadd.s32 s3, s2  }
0x8d: {  	s2 =	sadd.s32 s2, s17  }
0x8e: {  	[smem:$0x3FBA] =	sst s2  }
0x8f: {  	_ = 	snop  }
0x90: {  	s2 =	sld [smem:$0x3FD0];
	(tm) =	ssettm $0x1  }
0x91: {  	s18 =	sld [smem:$0x3FFB];
	_ =	sdelay $0x3  }
0x92: {  	_ =	strace s18  }
0x93: {  	s3 =	sld [smem:$0x3FFC];
	_ =	sdelay $0x3  }
0x94: {  	_ =	strace s3  }
0x95: {  	s3 =	sld [smem:$0x3FFD];
	_ =	sdelay $0x3  }
0x96: {  	_ =	strace s3  }
0x97: {  	_ =	strace $0x8FFFFFFF  }
0x98: {  	s19 =	sld [smem:$0x3FDB];
	_ =	sdelay $0x1  }
0x99: {  	s4 =	simm.s32 $_scs_section_size  }
0x9a: {  	s5 =	simm.s32 $_size__tile_overlayer_lowered;
	s6 =	simm.s32 $_tile_overlayer_lowered  }
0x9b: {  	s22 =	simm.s32 $0x1BFF;
	s21 =	sshll.u32 s6, $0x1;
	s3 =	sadd.s32 s4, s19  }
0x9c: {  	s7 =	simm.s32 $0x0;
	s20 =	sshll.u32 s5, $0x1;
	s5 =	sadd.s32 s21, s3  }
0x9d: {  	[timem:s7], [sflag:s22] =	dma.local [hbm:s5], s20  }
0x9e: {  	_ =	swait.ge [sflag:s22], s20  }
0x9f: {  	s4 =	ssub.s32 $0x0, s20;
	[sflag:s22] =	ssyncset.done $0x0  }
0xa0: {  	[sflag:s22] =	ssyncadd.s32 s4;
	_ =	sdelay $0x1  }
0xa1: {  	s23 =	simm.s32 $0x1B8B  }
0xa2: {  	_ =	swait.ge [sflag:s23], $0x1  }
0xa3: {  	[sflag:s23] =	ssyncset.done $0x0  }
0xa4: {  	s25 =	simm.s32 $0x1B8E;
	s24 =	sld [smem:$0x3FFE];
	[sflag:s23] =	ssyncadd.s32 $0xFFFFFFFF  }
0xa5: {  	s26 =	simm.s32 $execute0_lowered;
	[smem:$0x3FD2] =	sst s25  }
0xa6: {  	s5 =	sshll.u32 s26, $0x1;
	_ =	strace $0x80000046;
	[dreg:$0x1] =	wrdreg $0xFFFFFFFF  }
0xa7: {  	s28 =	simm.s32 $_size_execute0_lowered;
	s3 =	sadd.s32 s3, s5;
	[dreg:$0x0] =	wrdreg $0x0  }
0xa8: {  	s5 =	sshll.u32 s28, $0x1;
	[dreg:$0x2] =	wrdreg s3  }
0xa9: {  	[dreg:$0x3] =	wrdreg s5  }
0xaa: {  	[dreg:$0x4] =	wrdreg $0xC0  }
0xab: {  	_ =	task [dreg:s7], $0x5FFFF  }
0xac: {  	[dreg:$0x1] =	wrdreg $0xFFFFFFFF  }
0xad: {  	[dreg:$0x0] =	wrdreg $0x60  }
0xae: {  	[dreg:$0x2] =	wrdreg s2  }
0xaf: {  	[dreg:$0x3] =	wrdreg s24  }
0xb0: {  	[dreg:$0x4] =	wrdreg $0x9  }
0xb1: {  	_ =	task.clear_ibuf [dreg:s7], $0x5FFFF;
	_ =	strace $0x90000046  }
0xb2: {  	s29 =	simm.s32 $0x9;
	_ =	strace $0x80000048  }
0xb3: {  	_ =	swait.ge [sflag:s29], $0x1  }
0xb4: {  	[sflag:s29] =	ssyncadd.s32 $0xFFFFFFFF  }
0xb5: {  	_ =	strace $0x90000048  }
0xb6: {  	_ =	sfence  }
0xb7: {  	s30 =	sld [smem:$0x0];
	_ =	sdelay $0x2  }
0xb8: {  	s31 =	sshll.u32 s1, $0xD;
	s1 =	sshrl.u32 s1, $0x2  }
0xb9: {  	s3 =	sand.u32 $0x4000, s31;
	s1 =	sadd.s32 s1, s30  }
0xba: {  	s0 =	sor.u32 s3, s0;
	s1 =	sshll.u32 s1, $0x11  }
0xbb: {  	s0 =	sor.u32 s1, s0  }
0xbc: {  	s0 =	sadd.s32 $0x8F2B, s0  }
0xbd: {  	[sflag:s0] =	ssyncadd.remote.s32 $0x1  }
0xbe: {  	_ =	sfence.sel $0xFFFF  }
0xbf: {  	[dreg:$0x0] =	wrdreg $0xFFFFFFFF;
	(pc) =	sbr.abs _section_cstart, $3  }
0xc0: {  	[dreg:$0x1] =	wrdreg $0xFFFFFFFF  }
0xc1: {  	_ =	task.clear_ibuf [dreg:s7], $0x2FFFF;
	_ =	strace $0x9FFFFFFF  }
0xc2: {  	(tm) =	ssettm $0x7FFFFFFF  }
0xc3: {  	_ =	shalt  }
tec
execute0_lowered:
.L_overlay_start_1:
0x0: {  	(tag) =	ssettag $0x1  }
0x1: {  	s2 =	rddreg [dreg:$0x0]  }
0x2: {  	s4 =	rddreg [dreg:$0x1]  }
0x3: {  	s0 =	rddreg [dreg:$0x2]  }
0x4: {  	s5 =	srdreg.scid;
	s1 =	stileid.u32;
	s3 =	simm.s32 $0x0  }
0x5: {  	s14 =	simm.s32 $0x2088;
	s15 =	simm.s32 $0x0;
	s6 =	sand.u32 $0x1, s5  }
0x6: {  	s28 =	sshll.u32 s1, $0x1;
	[smem:$0x7FF] =	sst s3;
	s10 =	smul.u32 $0x2710, s1  }
0x7: {  	s8 =	sadd.s32 $0xDA00, s4;
	s7 =	sadd.s32 $0x3EC00, s4;
	s12 =	smul.u32 $0x13880, s1  }
0x8: {  	s5 =	sor.u32 s6, s28;
	s29 =	ssub.s32 $0x2, s6;
	s11 =	smul.u32 $0x1388, s6  }
0x9: {  	_ =	strace $0x80000047;
	s5 =	smul.u32 $0x1388, s5;
	s9 =	sshrl.u32 s29, $0x1  }
0xa: {  	s13 =	smul.u32 $0x9C40, s6;
	s9 =	ssub.s32 s29, s9;
	s10 =	sadd.s32 s11, s10  }
0xb: {  	s11 =	simm.s32 $0x1;
	s5 =	sadd.s32 $0x1380, s5;
	s6 =	smax.u32 s9, $0x1  }
0xc: {  	s31 =	sshrl.u32 s10, $0x3;
	s9 =	simm.s32 $0x2;
	s30 =	sshrl.u32 s5, $0x3  }
0xd: {  	s10 =	simm.s32 $0x80;
	s5 =	sshll.u32 s5, $0x3;
	s4 =	sadd.s32 s8, s30  }
0xe: {  	s5 =	sadd.s32 s7, s5;
	s7 =	sadd.s32 s12, s7;
	s8 =	sadd.s32 s31, s8  }
0xf: {  	s12 =	simm.s32 $0x2080;
	s7 =	sadd.s32 s13, s7;
	s13 =	simm.s32 $0x8  }
.LBB2_1:
0x10: {  	s16 =	sadd.s32 $0x0, s8  }
0x11: {  	[tilespmem:s3], [sflag:$0x2] =	stream.linear.gather [hbm4b:s16+s3], $0x80, $0x38;
	[tilespmem:$0x2288] =	vst v63  }
0x12: {  	_ =	swait.ge [sflag:s9], $0x80  }
0x13: {  	[sflag:s9] =	ssyncset.done $0x0  }
0x14: {  	[sflag:s9] =	ssyncadd.s32 $0xFFFFFF80  }
0x15: {  	[tilespmem:s10], [sflag:$0x1] =	stream.indirect.gather [hbm4b:s2+s10], $0x40, s3, s10, $0xb8;
	[tilespmem:$0x2288] =	vst v63  }
0x16: {  	_ =	swait.ge [sflag:s11], $0x2000  }
0x17: {  	[sflag:s11] =	ssyncset.done $0x0  }
0x18: {  	[sflag:s11] =	ssyncadd.s32 $0xFFFFE000  }
0x19: {  	[hbm4b:s7+s3] =	stream.linear.scatter [tilespmem:s10], [sflag:$0x2], $0x2000, $0x38;
	[tilespmem:$0x2288] =	vst v63  }
0x1a: {  	s17 =	simm.s32 $0x10;
	_ =	swait.ge [sflag:s9], $0x2000  }
0x1b: {  	s18 =	simm.s32 $0x20;
	s16 =	sadd.s32 $0x400, s7;
	[sflag:s9] =	ssyncset.done $0x0  }
.LBB2_2:
0x1c: {  	s19 =	sadd.s32 s17, s8  }
0x1d: {  	[sflag:s9] =	ssyncadd.s32 $0xFFFFE000;
	s17 =	smov.u32 s18;
	s20 =	sadd.s32 $0x10, s18  }
0x1e: {  	[tilespmem:s3], [sflag:$0x2] =	stream.linear.gather [hbm4b:s19+s3], $0x80, $0x38;
	[tilespmem:$0x2288] =	vst v63  }
0x1f: {  	p0 =	sne.s32 s18, $0x260;
	_ =	swait.ge [sflag:s9], $0x80  }
0x20: {  	[sflag:s9] =	ssyncset.done $0x0  }
0x21: {  	[sflag:s9] =	ssyncadd.s32 $0xFFFFFF80  }
0x22: {  	[tilespmem:s10], [sflag:$0x1] =	stream.indirect.gather [hbm4b:s2+s10], $0x40, s3, s10, $0xb8;
	[tilespmem:$0x2288] =	vst v63  }
0x23: {  	_ =	swait.ge [sflag:s11], $0x2000  }
.Ltmp0:
0x24: {  	[sflag:s11] =	ssyncset.done $0x0;
	(pc) =	sbr.rel @p0 .LBB2_2-.Ltmp0, $4  }
0x25: {  	[sflag:s11] =	ssyncadd.s32 $0xFFFFE000  }
0x26: {  	[hbm4b:s16+s3] =	stream.linear.scatter [tilespmem:s10], [sflag:$0x2], $0x2000, $0x38;
	[tilespmem:$0x2288] =	vst v63  }
0x27: {  	_ =	swait.ge [sflag:s9], $0x2000  }
0x28: {  	s18 =	smov.u32 s20;
	s16 =	sadd.s32 $0x400, s16;
	[sflag:s9] =	ssyncset.done $0x0  }
0x29: {  	s17 =	sadd.s32 s17, s8;
	[sflag:s9] =	ssyncadd.s32 $0xFFFFE000  }
0x2a: {  	[tilespmem:s3], [sflag:$0x2] =	stream.linear.gather [hbm4b:s17+s3], $0x80, $0x38;
	[tilespmem:$0x2288] =	vst v63  }
0x2b: {  	_ =	swait.ge [sflag:s9], $0x80  }
0x2c: {  	[sflag:s9] =	ssyncset.done $0x0  }
0x2d: {  	[sflag:s9] =	ssyncadd.s32 $0xFFFFFF80  }
0x2e: {  	[tilespmem:s10], [sflag:$0x1] =	stream.indirect.gather [hbm4b:s2+s10], $0x40, s3, s10, $0xb8;
	[tilespmem:$0x2288] =	vst v63  }
0x2f: {  	_ =	swait.ge [sflag:s11], $0x2000  }
0x30: {  	[sflag:s11] =	ssyncset.done $0x0  }
0x31: {  	[sflag:s11] =	ssyncadd.s32 $0xFFFFE000  }
0x32: {  	[hbm4b:s16+s3] =	stream.linear.scatter [tilespmem:s10], [sflag:$0x2], $0x2000, $0x38;
	[tilespmem:$0x2288] =	vst v63  }
0x33: {  	_ =	swait.ge [sflag:s9], $0x2000  }
0x34: {  	[sflag:s9] =	ssyncset.done $0x0  }
0x35: {  	[sflag:s9] =	ssyncadd.s32 $0xFFFFE000  }
0x36: {  	[tilespmem:s12], [sflag:$0x2] =	stream.linear.gather [hbm4b:s4+s3], $0x8, $0x38;
	[tilespmem:$0x2288] =	vst v63  }
0x37: {  	_ =	swait.ge [sflag:s9], $0x8  }
0x38: {  	[sflag:s9] =	ssyncset.done $0x0  }
0x39: {  	[sflag:s9] =	ssyncadd.s32 $0xFFFFFFF8  }
0x3a: {  	[tilespmem:s14], [sflag:$0x1] =	stream.indirect.gather [hbm4b:s2+s13], $0x40, s12, s13, $0xb8;
	[tilespmem:$0x2288] =	vst v63  }
0x3b: {  	s15 =	sadd.s32 $0x1, s15;
	_ =	swait.ge [sflag:s11], $0x200  }
0x3c: {  	p0 =	sne.s32 s15, s6;
	[sflag:s11] =	ssyncset.done $0x0  }
.Ltmp1:
0x3d: {  	[sflag:s11] =	ssyncadd.s32 $0xFFFFFE00;
	(pc) =	sbr.rel @p0 .LBB2_1-.Ltmp1, $4  }
0x3e: {  	[hbm4b:s5+s3] =	stream.linear.scatter [tilespmem:s14], [sflag:$0x2], $0x200, $0x38;
	[tilespmem:$0x2288] =	vst v63  }
0x3f: {  	_ =	swait.ge [sflag:s9], $0x200  }
0x40: {  	[sflag:s9] =	ssyncset.done $0x0  }
0x41: {  	[sflag:s9] =	ssyncadd.s32 $0xFFFFFE00  }
0x42: {  	_ =	sfence.sel $0x180000  }
0x43: {  	[bflag:$0x0] =	sbarrier.arrive $0xFFFF  }
0x44: {  	p0 =	sne.s32 s1, $0x0;
	_ =	strace $0x90000047  }
0x45: {  	s0 =	sadd.s32 @!p0 $0x100000, s0;
	[bflag:$0x2] =	sbarrier.arrive $0xFFFF  }
0x46: {  	[sflag:s0] =	ssyncadd.tile.s32 @!p0 $0x1;
	_ =	shalt  }
.Lfunc_end2:
_tile_overlayer_lowered:
.L_overlay_start_2:
0x47: {  	(tag) =	ssettag $0x2  }
0x48: {  	s0 =	rddreg [dreg:$0x0];
	s2 =	stileid.u32  }
0x49: {  	s1 =	rddreg [dreg:$0x1];
	p0 =	sne.s32 s2, $0x0  }
0x4a: {  	s3 =	rddreg [dreg:$0x2];
	[bflag:$0x3] =	sbarrier.arrive $0xFFFF;
	s2 =	simm.s32 @!p0 $0x1C02  }
0x4b: {  	[timem:s3], [sflag:s2] =	dma.local @!p0 [hbm:s0], s1  }
0x4c: {  	s0 =	simm.s32 @!p0 $0x2  }
0x4d: {  	_ =	swait.ge @!p0 [sflag:s0], s1  }
0x4e: {  	s1 =	ssub.s32 @!p0 $0x0, s1;
	[sflag:s0] =	ssyncset.done @!p0 $0x0  }
0x4f: {  	[sflag:s0] =	ssyncadd.s32 @!p0 s1  }
0x50: {  	[bflag:$0x3] =	sbarrier.arrive $0xFFFF  }
0x51: {  	_ =	shalt  }

// kernel: kernel.18.cloned.1.call-start
scs
__scs_entry_jumppad:
0x0: {  	(pc) =	sbr.rel $0x88, $3  }
0x1: {  	(tag) =	ssettag $0x0;
	lr =	simm.s32 $0x1  }
0x2: {  	[smem:$0x3F93] =	sst lr;
	_ =	strace $0xD0000000  }
0x3: {  	_ = 	snop  }
0x4: {  	_ = 	snop  }
0x5: {  	_ = 	snop  }
0x6: {  	_ = 	snop  }
0x7: {  	_ = 	snop  }
__scs_overlays_trampoline_lowered:
0x8: {  	[smem:$0x3FA2] =	sst s0  }
0x9: {  	[smem:$0x3FA3] =	sst s1  }
0xa: {  	[smem:$0x3FA4] =	sst s2  }
0xb: {  	[smem:$0x3FA5] =	sst s3  }
0xc: {  	[smem:$0x3FA6] =	sst s4  }
0xd: {  	[smem:$0x3FA7] =	sst s5  }
0xe: {  	[smem:$0x3FA8] =	sst s6  }
0xf: {  	[smem:$0x3FA9] =	sst s7  }
0x10: {  	[smem:$0x3FAA] =	sst s8  }
0x11: {  	[smem:$0x3FAB] =	sst s9;
	s0 =	simm.s32 @!p0 $0x0  }
0x12: {  	s1 =	sld [smem:$0x3F91];
	s0 =	simm.s32 @p0 $0x1  }
0x13: {  	[smem:$0x3FAC] =	sst s0;
	s0 =	simm.s32 @!p1 $0x0  }
0x14: {  	s2 =	sld [smem:$0x3F90];
	s0 =	simm.s32 @p1 $0x1  }
0x15: {  	[smem:$0x3FAD] =	sst s0;
	s0 =	simm.s32 @!p2 $0x0  }
0x16: {  	s3 =	sld [smem:$0x3FDB];
	s0 =	simm.s32 @p2 $0x1  }
0x17: {  	s4 =	simm.s32 $0x1BF5;
	[smem:$0x3FAF] =	sst s0  }
0x18: {  	s0 =	sld [smem:$0x3F92];
	_ =	swait.ge [sflag:s4], $0x0  }
0x19: {  	s7 =	sld [smem:$0x3F93]  }
0x1a: {  	s8 =	sadd.s32 $0xFFFFE003, lr  }
0x1b: {  	s9 =	sadd.s32 $0xFFFFFEF7, lr;
	s5 =	simm.s32 $0xFFFFFFFF;
	p2 =	slt.u32 s8, $0xFFFFF086  }
0x1c: {  	p1 =	slt.u32 s9, $0xF7A;
	s5 =	simm.s32 @!p2 $0x0  }
0x1d: {  	s5 =	simm.s32 @p1 $0x1;
	p0 =	seq.s32 s7, s2  }
0x1e: {  	s7 =	smul.u32 @!p0 $0xF7A, s2;
	p2 =	seq.s32 @!p0 s5, $0x0  }
0x1f: {  	s9 =	smul.u32 $0xF7A, s1;
	s8 =	simm.s32 @!p0 $0x1BF5;
	p2 =	por !p2, p0  }
0x20: {  	[sflag:s8] =	ssyncset.s32 @!p0 $0xFFFFF086;
	s6 =	sadd.s32 @!p0 s3, s7;
	s7 =	simm.s32 @!p0 $0x108  }
0x21: {  	s3 =	sadd.s32 s3, s9;
	s6 =	sadd.s32 @!p0 $0x88, s6;
	s7 =	simm.s32 @p2 $0x1082  }
0x22: {  	[simem:s7], [sflag:s8] =	dma.local @!p0 [hbm:s6], $0xF7A  }
0x23: {  	s9 =	sor.u32 $0xD0000000, s2;
	s6 =	simm.s32 $0x108;
	_ =	swait.ge @!p0 [sflag:s8], $0x0  }
0x24: {  	s3 =	sadd.s32 $0x88, s3;
	s6 =	simm.s32 @!p1 $0x1082;
	[sflag:s4] =	ssyncset.s32 $0xFFFFF086  }
0x25: {  	[simem:s6], [sflag:s4] =	dma.local [hbm:s3], $0xF7A  }
0x26: {  	[smem:$0x3F93] =	sst s1;
	(tag) =	ssettag s2;
	_ =	strace s9  }
0x27: {  	s1 =	sld [smem:$0x3FA3]  }
0x28: {  	s2 =	sld [smem:$0x3FA4]  }
0x29: {  	s4 =	sld [smem:$0x3FA6]  }
0x2a: {  	p0 =	seq.s32 s5, $0x0;
	s5 =	sld [smem:$0x3FA7]  }
0x2b: {  	s6 =	sld [smem:$0x3FA8]  }
0x2c: {  	s7 =	sld [smem:$0x3FA9]  }
0x2d: {  	s3 =	simm.s32 $0x108;
	s8 =	sld [smem:$0x3FAA]  }
0x2e: {  	s3 =	simm.s32 @!p0 $0x1082;
	s9 =	sld [smem:$0x3FAB]  }
0x2f: {  	lr =	sadd.s32 s0, s3;
	s0 =	sld [smem:$0x3FA2]  }
0x30: {  	s3 =	sld [smem:$0x3FA5]  }
0x31: {  	[smem:$0x3FAE] =	sst s10  }
0x32: {  	s10 =	sld [smem:$0x3FAC];
	_ =	sdelay $0x3  }
0x33: {  	p0 =	seq.s32 s10, $0x1;
	s10 =	sld [smem:$0x3FAE];
	_ =	sdelay $0x3  }
0x34: {  	[smem:$0x3FAE] =	sst s10  }
0x35: {  	s10 =	sld [smem:$0x3FAD];
	_ =	sdelay $0x3  }
0x36: {  	p1 =	seq.s32 s10, $0x1;
	s10 =	sld [smem:$0x3FAE];
	_ =	sdelay $0x3  }
0x37: {  	[smem:$0x3FAE] =	sst s10  }
0x38: {  	s10 =	sld [smem:$0x3FAF]  }
0x39: {  	_ = 	snop;
	(pc) =	sbr.ind lr, $3  }
0x3a: {  	_ = 	snop  }
0x3b: {  	_ = 	snop  }
0x3c: {  	p2 =	seq.s32 s10, $0x1;
	s10 =	sld [smem:$0x3FAE]  }
0x3d: {  	_ =	shalt  }
0x3e: {  	_ =	shalt  }
0x3f: {  	_ =	shalt  }
0x40: {  	_ =	shalt  }
0x41: {  	_ =	shalt  }
0x42: {  	_ =	shalt  }
0x43: {  	_ =	shalt  }
0x44: {  	_ =	shalt  }
0x45: {  	_ =	shalt  }
0x46: {  	_ =	shalt  }
0x47: {  	_ =	shalt  }
0x48: {  	_ =	shalt  }
0x49: {  	_ =	shalt  }
0x4a: {  	_ =	shalt  }
0x4b: {  	_ =	shalt  }
0x4c: {  	_ =	shalt  }
0x4d: {  	_ =	shalt  }
0x4e: {  	_ =	shalt  }
0x4f: {  	_ =	shalt  }
0x50: {  	_ =	shalt  }
0x51: {  	_ =	shalt  }
0x52: {  	_ =	shalt  }
0x53: {  	_ =	shalt  }
0x54: {  	_ =	shalt  }
0x55: {  	_ =	shalt  }
0x56: {  	_ =	shalt  }
0x57: {  	_ =	shalt  }
0x58: {  	_ =	shalt  }
0x59: {  	_ =	shalt  }
0x5a: {  	_ =	shalt  }
0x5b: {  	_ =	shalt  }
0x5c: {  	_ =	shalt  }
0x5d: {  	_ =	shalt  }
0x5e: {  	_ =	shalt  }
0x5f: {  	_ =	shalt  }
0x60: {  	_ =	shalt  }
0x61: {  	_ =	shalt  }
0x62: {  	_ =	shalt  }
0x63: {  	_ =	shalt  }
0x64: {  	_ =	shalt  }
0x65: {  	_ =	shalt  }
0x66: {  	_ =	shalt  }
0x67: {  	_ =	shalt  }
0x68: {  	_ =	shalt  }
0x69: {  	_ =	shalt  }
0x6a: {  	_ =	shalt  }
0x6b: {  	_ =	shalt  }
0x6c: {  	_ =	shalt  }
0x6d: {  	_ =	shalt  }
0x6e: {  	_ =	shalt  }
0x6f: {  	_ =	shalt  }
0x70: {  	_ =	shalt  }
0x71: {  	_ =	shalt  }
0x72: {  	_ =	shalt  }
0x73: {  	_ =	shalt  }
0x74: {  	_ =	shalt  }
0x75: {  	_ =	shalt  }
0x76: {  	_ =	shalt  }
0x77: {  	_ =	shalt  }
0x78: {  	_ =	shalt  }
0x79: {  	_ =	shalt  }
0x7a: {  	_ =	shalt  }
0x7b: {  	_ =	shalt  }
0x7c: {  	_ =	shalt  }
0x7d: {  	_ =	shalt  }
0x7e: {  	_ =	shalt  }
0x7f: {  	_ =	shalt  }
0x80: {  	_ =	shalt  }
0x81: {  	_ =	shalt  }
0x82: {  	_ =	shalt  }
0x83: {  	_ =	shalt  }
0x84: {  	_ =	shalt  }
0x85: {  	_ =	shalt  }
0x86: {  	_ =	shalt  }
0x87: {  	_ =	shalt  }
.Lfunc_end0:
.L_simem_size_0:
called_computation.1_lowered:
.L_overlay_start_0:
0x88: {  	s2 =	sld [smem:$0x3FD9]  }
0x89: {  	s3 =	sld [smem:$0x3FFE];
	_ =	sdelay $0x1  }
0x8a: {  	s1 =	srdreg.scid  }
0x8b: {  	s0 =	sand.u32 $0x1, s1  }
0x8c: {  	s16 =	sshll.u32 s0, $0xA;
	s2 =	sadd.s32 s3, s2  }
0x8d: {  	s2 =	sadd.s32 s2, s16  }
0x8e: {  	[smem:$0x3FBA] =	sst s2  }
0x8f: {  	_ = 	snop  }
0x90: {  	(tm) =	ssettm $0x1  }
0x91: {  	s17 =	sld [smem:$0x3FFB];
	_ =	sdelay $0x3  }
0x92: {  	_ =	strace s17  }
0x93: {  	s2 =	sld [smem:$0x3FFC];
	_ =	sdelay $0x3  }
0x94: {  	_ =	strace s2  }
0x95: {  	s2 =	sld [smem:$0x3FFD];
	_ =	sdelay $0x3  }
0x96: {  	_ =	strace s2  }
0x97: {  	_ =	strace $0x8FFFFFFF  }
0x98: {  	s18 =	sld [smem:$0x3FDB];
	_ =	sdelay $0x1  }
0x99: {  	s19 =	simm.s32 $_scs_section_size  }
0x9a: {  	s4 =	simm.s32 $_size__tile_overlayer_lowered;
	s5 =	simm.s32 $_tile_overlayer_lowered  }
0x9b: {  	s22 =	simm.s32 $0x1BFF;
	s21 =	sshll.u32 s5, $0x1;
	s2 =	sadd.s32 s19, s18  }
0x9c: {  	s6 =	simm.s32 $0x0;
	s20 =	sshll.u32 s4, $0x1;
	s4 =	sadd.s32 s21, s2  }
0x9d: {  	[timem:s6], [sflag:s22] =	dma.local [hbm:s4], s20  }
0x9e: {  	_ =	swait.ge [sflag:s22], s20  }
0x9f: {  	s3 =	ssub.s32 $0x0, s20;
	[sflag:s22] =	ssyncset.done $0x0  }
0xa0: {  	[sflag:s22] =	ssyncadd.s32 s3;
	_ =	sdelay $0x1  }
0xa1: {  	s23 =	simm.s32 $0x1B8B  }
0xa2: {  	_ =	swait.ge [sflag:s23], $0x1  }
0xa3: {  	[sflag:s23] =	ssyncset.done $0x0  }
0xa4: {  	s25 =	simm.s32 $0x1B8E;
	s24 =	sld [smem:$0x3FFE];
	[sflag:s23] =	ssyncadd.s32 $0xFFFFFFFF  }
0xa5: {  	s26 =	simm.s32 $execute0_lowered;
	[smem:$0x3FD2] =	sst s25  }
0xa6: {  	s4 =	sshll.u32 s26, $0x1;
	_ =	strace $0x80000049;
	[dreg:$0x1] =	wrdreg $0xFFFFFFFF  }
0xa7: {  	s28 =	simm.s32 $_size_execute0_lowered;
	s2 =	sadd.s32 s2, s4;
	[dreg:$0x0] =	wrdreg $0x0  }
0xa8: {  	s4 =	sshll.u32 s28, $0x1;
	[dreg:$0x2] =	wrdreg s2  }
0xa9: {  	[dreg:$0x3] =	wrdreg s4  }
0xaa: {  	[dreg:$0x4] =	wrdreg $0xC0  }
0xab: {  	_ =	task [dreg:s6], $0x5FFFF  }
0xac: {  	[dreg:$0x1] =	wrdreg $0xFFFFFFFF  }
0xad: {  	[dreg:$0x0] =	wrdreg $0x60  }
0xae: {  	[dreg:$0x2] =	wrdreg s24  }
0xaf: {  	[dreg:$0x3] =	wrdreg $0x22880  }
0xb0: {  	[dreg:$0x4] =	wrdreg $0x9  }
0xb1: {  	_ =	task.clear_ibuf [dreg:s6], $0x5FFFF;
	_ =	strace $0x90000049  }
0xb2: {  	s29 =	simm.s32 $0x9;
	_ =	strace $0x8000004B  }
0xb3: {  	_ =	swait.ge [sflag:s29], $0x1  }
0xb4: {  	[sflag:s29] =	ssyncadd.s32 $0xFFFFFFFF  }
0xb5: {  	_ =	strace $0x9000004B  }
0xb6: {  	_ =	sfence  }
0xb7: {  	s30 =	sld [smem:$0x0];
	_ =	sdelay $0x2  }
0xb8: {  	s31 =	sshll.u32 s1, $0xD;
	s1 =	sshrl.u32 s1, $0x2  }
0xb9: {  	s3 =	sand.u32 $0x4000, s31;
	s1 =	sadd.s32 s1, s30  }
0xba: {  	s0 =	sor.u32 s3, s0;
	s1 =	sshll.u32 s1, $0x11  }
0xbb: {  	s0 =	sor.u32 s1, s0  }
0xbc: {  	s0 =	sadd.s32 $0x8F2B, s0  }
0xbd: {  	[sflag:s0] =	ssyncadd.remote.s32 $0x1  }
0xbe: {  	_ =	sfence.sel $0xFFFF  }
0xbf: {  	[dreg:$0x0] =	wrdreg $0xFFFFFFFF;
	(pc) =	sbr.abs _section_cstart, $3  }
0xc0: {  	[dreg:$0x1] =	wrdreg $0xFFFFFFFF  }
0xc1: {  	_ =	task.clear_ibuf [dreg:s6], $0x2FFFF;
	_ =	strace $0x9FFFFFFF  }
0xc2: {  	(tm) =	ssettm $0x7FFFFFFF  }
0xc3: {  	_ =	shalt  }
tec
execute0_lowered:
.L_overlay_start_1:
0x0: {  	(tag) =	ssettag $0x1  }
0x1: {  	s4 =	rddreg [dreg:$0x0]  }
0x2: {  	s2 =	rddreg [dreg:$0x1];
	s1 =	stileid.u32  }
0x3: {  	s0 =	rddreg [dreg:$0x2];
	s3 =	simm.s32 $0x0;
	s5 =	smul.u32 $0xA000, s1  }
0x4: {  	s6 =	srdreg.scid;
	s18 =	simm.s32 $0x0;
	s22 =	smul.u32 $0x1400, s1  }
0x5: {  	[smem:$0x7FF] =	sst s3;
	s10 =	sadd.s32 $0x3EC00, s4;
	s15 =	smul.u32 $0x2710, s1  }
0x6: {  	s9 =	sand.u32 $0x1, s6;
	s11 =	sadd.s32 $0x12A00, s4;
	s17 =	smul.u32 $0x13880, s1  }
0x7: {  	s13 =	sshll.u32 s1, $0x1;
	s26 =	sshll.u32 s1, $0x6;
	s8 =	smul.u32 $0x14000, s9  }
0x8: {  	_ =	strace $0x8000004A;
	s12 =	ssub.s32 $0x2, s9;
	s16 =	smul.u32 $0x1388, s9  }
0x9: {  	s13 =	sor.u32 s9, s13;
	s30 =	smul.u32 $0x9C40, s9;
	s7 =	sshrl.u32 s5, $0x3  }
0xa: {  	s23 =	sshrl.u32 s12, $0x1;
	s24 =	smul.u32 $0x1388, s13;
	s25 =	sadd.s32 s5, s2  }
0xb: {  	s5 =	sor.u32 $0x1C01, s26;
	s13 =	simm.s32 $0x1;
	s7 =	sadd.s32 s7, s4  }
0xc: {  	s6 =	sadd.s32 s22, s8;
	s12 =	ssub.s32 s12, s23;
	s15 =	sadd.s32 s16, s15  }
0xd: {  	s16 =	simm.s32 $0x2088;
	s14 =	sadd.s32 s6, s4;
	s4 =	sadd.s32 $0x1FD400, s7  }
0xe: {  	s6 =	sadd.s32 $0x1380, s24;
	s9 =	smax.u32 s12, $0x1;
	s31 =	sshrl.u32 s15, $0x3  }
0xf: {  	s12 =	sshrl.u32 s25, $0x3;
	s15 =	simm.s32 $0x2080;
	s28 =	sshrl.u32 s6, $0x3  }
0x10: {  	s29 =	sshll.u32 s6, $0x3;
	s8 =	sadd.s32 $0x211400, s14;
	s14 =	simm.s32 $0x80  }
0x11: {  	s6 =	sadd.s32 s11, s28;
	s7 =	sadd.s32 s10, s29;
	s10 =	sadd.s32 s17, s10  }
0x12: {  	s11 =	sadd.s32 s31, s11;
	s17 =	simm.s32 $0x8;
	s10 =	sadd.s32 s30, s10  }
.LBB2_1:
0x13: {  	[spmem:s12], [sflag:s5] =	dma.local [hbm:s4], $0x1400  }
0x14: {  	_ =	swait.ge [sflag:s13], $0x1400  }
0x15: {  	[sflag:s13] =	ssyncset.done $0x0  }
0x16: {  	[sflag:s13] =	ssyncadd.s32 $0xFFFFEC00  }
0x17: {  	s19 =	sadd.s32 $0x0, s11;
	[bflag:$0x0] =	sbarrier.arrive $0xFFFF  }
0x18: {  	[tilespmem:s3], [sflag:$0x1] =	stream.linear.gather [hbm4b:s19+s3], $0x80, $0x38;
	[tilespmem:$0xC288] =	vst v63  }
0x19: {  	_ =	swait.ge [sflag:s13], $0x80  }
0x1a: {  	[sflag:s13] =	ssyncset.done $0x0  }
0x1b: {  	[sflag:s13] =	ssyncadd.s32 $0xFFFFFF80  }
0x1c: {  	[tilespmem:s14], [sflag:$0x1] =	stream.linear.gather [hbm4b:s10+s3], $0x2000, $0x38;
	[tilespmem:$0xC288] =	vst v63  }
0x1d: {  	_ =	swait.ge [sflag:s13], $0x2000  }
0x1e: {  	[sflag:s13] =	ssyncset.done $0x0  }
0x1f: {  	[sflag:s13] =	ssyncadd.s32 $0xFFFFE000  }
0x20: {  	[spmem:s2] =	stream.indirect.scatter.add.f32 [tilespmem:s14], [sflag:$0x1], $0x40, s3, s14, $0xb8;
	[tilespmem:$0xC288] =	vst v63  }
0x21: {  	s20 =	simm.s32 $0x10;
	_ =	swait.ge [sflag:s13], $0x2000  }
0x22: {  	s21 =	simm.s32 $0x20;
	s19 =	sadd.s32 $0x400, s10;
	[sflag:s13] =	ssyncset.done $0x0  }
.LBB2_2:
0x23: {  	s22 =	sadd.s32 s20, s11  }
0x24: {  	[sflag:s13] =	ssyncadd.s32 $0xFFFFE000;
	s20 =	smov.u32 s21;
	s23 =	sadd.s32 $0x10, s21  }
0x25: {  	[tilespmem:s3], [sflag:$0x1] =	stream.linear.gather [hbm4b:s22+s3], $0x80, $0x38;
	[tilespmem:$0xC288] =	vst v63  }
0x26: {  	p0 =	sne.s32 s21, $0x260;
	_ =	swait.ge [sflag:s13], $0x80  }
0x27: {  	[sflag:s13] =	ssyncset.done $0x0  }
0x28: {  	[sflag:s13] =	ssyncadd.s32 $0xFFFFFF80  }
0x29: {  	[tilespmem:s14], [sflag:$0x1] =	stream.linear.gather [hbm4b:s19+s3], $0x2000, $0x38;
	[tilespmem:$0xC288] =	vst v63  }
0x2a: {  	_ =	swait.ge [sflag:s13], $0x2000  }
.Ltmp0:
0x2b: {  	[sflag:s13] =	ssyncset.done $0x0;
	(pc) =	sbr.rel @p0 .LBB2_2-.Ltmp0, $4  }
0x2c: {  	[sflag:s13] =	ssyncadd.s32 $0xFFFFE000  }
0x2d: {  	[spmem:s2] =	stream.indirect.scatter.add.f32 [tilespmem:s14], [sflag:$0x1], $0x40, s3, s14, $0xb8;
	[tilespmem:$0xC288] =	vst v63  }
0x2e: {  	_ =	swait.ge [sflag:s13], $0x2000  }
0x2f: {  	s21 =	smov.u32 s23;
	s19 =	sadd.s32 $0x400, s19;
	[sflag:s13] =	ssyncset.done $0x0  }
0x30: {  	s20 =	sadd.s32 s20, s11;
	[sflag:s13] =	ssyncadd.s32 $0xFFFFE000  }
0x31: {  	[tilespmem:s3], [sflag:$0x1] =	stream.linear.gather [hbm4b:s20+s3], $0x80, $0x38;
	[tilespmem:$0xC288] =	vst v63  }
0x32: {  	_ =	swait.ge [sflag:s13], $0x80  }
0x33: {  	[sflag:s13] =	ssyncset.done $0x0  }
0x34: {  	[sflag:s13] =	ssyncadd.s32 $0xFFFFFF80  }
0x35: {  	[tilespmem:s14], [sflag:$0x1] =	stream.linear.gather [hbm4b:s19+s3], $0x2000, $0x38;
	[tilespmem:$0xC288] =	vst v63  }
0x36: {  	_ =	swait.ge [sflag:s13], $0x2000  }
0x37: {  	[sflag:s13] =	ssyncset.done $0x0  }
0x38: {  	[sflag:s13] =	ssyncadd.s32 $0xFFFFE000  }
0x39: {  	[spmem:s2] =	stream.indirect.scatter.add.f32 [tilespmem:s14], [sflag:$0x1], $0x40, s3, s14, $0xb8;
	[tilespmem:$0xC288] =	vst v63  }
0x3a: {  	_ =	swait.ge [sflag:s13], $0x2000  }
0x3b: {  	[sflag:s13] =	ssyncset.done $0x0  }
0x3c: {  	[sflag:s13] =	ssyncadd.s32 $0xFFFFE000  }
0x3d: {  	[tilespmem:s15], [sflag:$0x1] =	stream.linear.gather [hbm4b:s6+s3], $0x8, $0x38;
	[tilespmem:$0xC288] =	vst v63  }
0x3e: {  	_ =	swait.ge [sflag:s13], $0x8  }
0x3f: {  	[sflag:s13] =	ssyncset.done $0x0  }
0x40: {  	[sflag:s13] =	ssyncadd.s32 $0xFFFFFFF8  }
0x41: {  	[tilespmem:s16], [sflag:$0x1] =	stream.linear.gather [hbm4b:s7+s3], $0x200, $0x38;
	[tilespmem:$0xC288] =	vst v63  }
0x42: {  	_ =	swait.ge [sflag:s13], $0x200  }
0x43: {  	[sflag:s13] =	ssyncset.done $0x0  }
0x44: {  	[sflag:s13] =	ssyncadd.s32 $0xFFFFFE00  }
0x45: {  	[spmem:s2] =	stream.indirect.scatter.add.f32 [tilespmem:s16], [sflag:$0x1], $0x40, s15, s17, $0xb8;
	[tilespmem:$0xC288] =	vst v63  }
0x46: {  	_ =	swait.ge [sflag:s13], $0x200  }
0x47: {  	s18 =	sadd.s32 $0x1, s18;
	[sflag:s13] =	ssyncset.done $0x0  }
0x48: {  	p0 =	sne.s32 s18, s9;
	[sflag:s13] =	ssyncadd.s32 $0xFFFFFE00  }
.Ltmp1:
0x49: {  	[bflag:$0x0] =	sbarrier.arrive $0xFFFF;
	(pc) =	sbr.rel @p0 .LBB2_1-.Ltmp1, $4  }
0x4a: {  	[hbm:s8], [sflag:s5] =	dma.local [spmem:s12], $0x1400  }
0x4b: {  	_ =	swait.ge [sflag:s13], $0x1400  }
0x4c: {  	[sflag:s13] =	ssyncset.done $0x0  }
0x4d: {  	[sflag:s13] =	ssyncadd.s32 $0xFFFFEC00  }
0x4e: {  	_ =	sfence.sel $0x180000  }
0x4f: {  	[bflag:$0x0] =	sbarrier.arrive $0xFFFF  }
0x50: {  	p0 =	sne.s32 s1, $0x0;
	_ =	strace $0x9000004A  }
0x51: {  	s0 =	sadd.s32 @!p0 $0x100000, s0;
	[bflag:$0x2] =	sbarrier.arrive $0xFFFF  }
0x52: {  	[sflag:s0] =	ssyncadd.tile.s32 @!p0 $0x1;
	_ =	shalt  }
.Lfunc_end2:
_tile_overlayer_lowered:
.L_overlay_start_2:
0x53: {  	(tag) =	ssettag $0x2  }
0x54: {  	s0 =	rddreg [dreg:$0x0];
	s2 =	stileid.u32  }
0x55: {  	s1 =	rddreg [dreg:$0x1];
	p0 =	sne.s32 s2, $0x0  }
0x56: {  	s3 =	rddreg [dreg:$0x2];
	[bflag:$0x3] =	sbarrier.arrive $0xFFFF;
	s2 =	simm.s32 @!p0 $0x1C01  }
0x57: {  	[timem:s3], [sflag:s2] =	dma.local @!p0 [hbm:s0], s1  }
0x58: {  	s0 =	simm.s32 @!p0 $0x1  }
0x59: {  	_ =	swait.ge @!p0 [sflag:s0], s1  }
0x5a: {  	s1 =	ssub.s32 @!p0 $0x0, s1;
	[sflag:s0] =	ssyncset.done @!p0 $0x0  }
0x5b: {  	[sflag:s0] =	ssyncadd.s32 @!p0 s1  }
0x5c: {  	[bflag:$0x3] =	sbarrier.arrive $0xFFFF  }
0x5d: {  	_ =	shalt  }

// kernel: kernel.21.cloned.1.call-start
scs
__scs_entry_jumppad:
0x0: {  	(pc) =	sbr.rel $0x88, $3  }
0x1: {  	(tag) =	ssettag $0x0;
	lr =	simm.s32 $0x1  }
0x2: {  	[smem:$0x3F93] =	sst lr;
	_ =	strace $0xD0000000  }
0x3: {  	_ = 	snop  }
0x4: {  	_ = 	snop  }
0x5: {  	_ = 	snop  }
0x6: {  	_ = 	snop  }
0x7: {  	_ = 	snop  }
__scs_overlays_trampoline_lowered:
0x8: {  	[smem:$0x3FA2] =	sst s0  }
0x9: {  	[smem:$0x3FA3] =	sst s1  }
0xa: {  	[smem:$0x3FA4] =	sst s2  }
0xb: {  	[smem:$0x3FA5] =	sst s3  }
0xc: {  	[smem:$0x3FA6] =	sst s4  }
0xd: {  	[smem:$0x3FA7] =	sst s5  }
0xe: {  	[smem:$0x3FA8] =	sst s6  }
0xf: {  	[smem:$0x3FA9] =	sst s7  }
0x10: {  	[smem:$0x3FAA] =	sst s8  }
0x11: {  	[smem:$0x3FAB] =	sst s9;
	s0 =	simm.s32 @!p0 $0x0  }
0x12: {  	s1 =	sld [smem:$0x3F91];
	s0 =	simm.s32 @p0 $0x1  }
0x13: {  	[smem:$0x3FAC] =	sst s0;
	s0 =	simm.s32 @!p1 $0x0  }
0x14: {  	s2 =	sld [smem:$0x3F90];
	s0 =	simm.s32 @p1 $0x1  }
0x15: {  	[smem:$0x3FAD] =	sst s0;
	s0 =	simm.s32 @!p2 $0x0  }
0x16: {  	s3 =	sld [smem:$0x3FDB];
	s0 =	simm.s32 @p2 $0x1  }
0x17: {  	s4 =	simm.s32 $0x1BF5;
	[smem:$0x3FAF] =	sst s0  }
0x18: {  	s0 =	sld [smem:$0x3F92];
	_ =	swait.ge [sflag:s4], $0x0  }
0x19: {  	s7 =	sld [smem:$0x3F93]  }
0x1a: {  	s8 =	sadd.s32 $0xFFFFE003, lr  }
0x1b: {  	s9 =	sadd.s32 $0xFFFFFEF7, lr;
	s5 =	simm.s32 $0xFFFFFFFF;
	p2 =	slt.u32 s8, $0xFFFFF086  }
0x1c: {  	p1 =	slt.u32 s9, $0xF7A;
	s5 =	simm.s32 @!p2 $0x0  }
0x1d: {  	s5 =	simm.s32 @p1 $0x1;
	p0 =	seq.s32 s7, s2  }
0x1e: {  	s7 =	smul.u32 @!p0 $0xF7A, s2;
	p2 =	seq.s32 @!p0 s5, $0x0  }
0x1f: {  	s9 =	smul.u32 $0xF7A, s1;
	s8 =	simm.s32 @!p0 $0x1BF5;
	p2 =	por !p2, p0  }
0x20: {  	[sflag:s8] =	ssyncset.s32 @!p0 $0xFFFFF086;
	s6 =	sadd.s32 @!p0 s3, s7;
	s7 =	simm.s32 @!p0 $0x108  }
0x21: {  	s3 =	sadd.s32 s3, s9;
	s6 =	sadd.s32 @!p0 $0x88, s6;
	s7 =	simm.s32 @p2 $0x1082  }
0x22: {  	[simem:s7], [sflag:s8] =	dma.local @!p0 [hbm:s6], $0xF7A  }
0x23: {  	s9 =	sor.u32 $0xD0000000, s2;
	s6 =	simm.s32 $0x108;
	_ =	swait.ge @!p0 [sflag:s8], $0x0  }
0x24: {  	s3 =	sadd.s32 $0x88, s3;
	s6 =	simm.s32 @!p1 $0x1082;
	[sflag:s4] =	ssyncset.s32 $0xFFFFF086  }
0x25: {  	[simem:s6], [sflag:s4] =	dma.local [hbm:s3], $0xF7A  }
0x26: {  	[smem:$0x3F93] =	sst s1;
	(tag) =	ssettag s2;
	_ =	strace s9  }
0x27: {  	s1 =	sld [smem:$0x3FA3]  }
0x28: {  	s2 =	sld [smem:$0x3FA4]  }
0x29: {  	s4 =	sld [smem:$0x3FA6]  }
0x2a: {  	p0 =	seq.s32 s5, $0x0;
	s5 =	sld [smem:$0x3FA7]  }
0x2b: {  	s6 =	sld [smem:$0x3FA8]  }
0x2c: {  	s7 =	sld [smem:$0x3FA9]  }
0x2d: {  	s3 =	simm.s32 $0x108;
	s8 =	sld [smem:$0x3FAA]  }
0x2e: {  	s3 =	simm.s32 @!p0 $0x1082;
	s9 =	sld [smem:$0x3FAB]  }
0x2f: {  	lr =	sadd.s32 s0, s3;
	s0 =	sld [smem:$0x3FA2]  }
0x30: {  	s3 =	sld [smem:$0x3FA5]  }
0x31: {  	[smem:$0x3FAE] =	sst s10  }
0x32: {  	s10 =	sld [smem:$0x3FAC];
	_ =	sdelay $0x3  }
0x33: {  	p0 =	seq.s32 s10, $0x1;
	s10 =	sld [smem:$0x3FAE];
	_ =	sdelay $0x3  }
0x34: {  	[smem:$0x3FAE] =	sst s10  }
0x35: {  	s10 =	sld [smem:$0x3FAD];
	_ =	sdelay $0x3  }
0x36: {  	p1 =	seq.s32 s10, $0x1;
	s10 =	sld [smem:$0x3FAE];
	_ =	sdelay $0x3  }
0x37: {  	[smem:$0x3FAE] =	sst s10  }
0x38: {  	s10 =	sld [smem:$0x3FAF]  }
0x39: {  	_ = 	snop;
	(pc) =	sbr.ind lr, $3  }
0x3a: {  	_ = 	snop  }
0x3b: {  	_ = 	snop  }
0x3c: {  	p2 =	seq.s32 s10, $0x1;
	s10 =	sld [smem:$0x3FAE]  }
0x3d: {  	_ =	shalt  }
0x3e: {  	_ =	shalt  }
0x3f: {  	_ =	shalt  }
0x40: {  	_ =	shalt  }
0x41: {  	_ =	shalt  }
0x42: {  	_ =	shalt  }
0x43: {  	_ =	shalt  }
0x44: {  	_ =	shalt  }
0x45: {  	_ =	shalt  }
0x46: {  	_ =	shalt  }
0x47: {  	_ =	shalt  }
0x48: {  	_ =	shalt  }
0x49: {  	_ =	shalt  }
0x4a: {  	_ =	shalt  }
0x4b: {  	_ =	shalt  }
0x4c: {  	_ =	shalt  }
0x4d: {  	_ =	shalt  }
0x4e: {  	_ =	shalt  }
0x4f: {  	_ =	shalt  }
0x50: {  	_ =	shalt  }
0x51: {  	_ =	shalt  }
0x52: {  	_ =	shalt  }
0x53: {  	_ =	shalt  }
0x54: {  	_ =	shalt  }
0x55: {  	_ =	shalt  }
0x56: {  	_ =	shalt  }
0x57: {  	_ =	shalt  }
0x58: {  	_ =	shalt  }
0x59: {  	_ =	shalt  }
0x5a: {  	_ =	shalt  }
0x5b: {  	_ =	shalt  }
0x5c: {  	_ =	shalt  }
0x5d: {  	_ =	shalt  }
0x5e: {  	_ =	shalt  }
0x5f: {  	_ =	shalt  }
0x60: {  	_ =	shalt  }
0x61: {  	_ =	shalt  }
0x62: {  	_ =	shalt  }
0x63: {  	_ =	shalt  }
0x64: {  	_ =	shalt  }
0x65: {  	_ =	shalt  }
0x66: {  	_ =	shalt  }
0x67: {  	_ =	shalt  }
0x68: {  	_ =	shalt  }
0x69: {  	_ =	shalt  }
0x6a: {  	_ =	shalt  }
0x6b: {  	_ =	shalt  }
0x6c: {  	_ =	shalt  }
0x6d: {  	_ =	shalt  }
0x6e: {  	_ =	shalt  }
0x6f: {  	_ =	shalt  }
0x70: {  	_ =	shalt  }
0x71: {  	_ =	shalt  }
0x72: {  	_ =	shalt  }
0x73: {  	_ =	shalt  }
0x74: {  	_ =	shalt  }
0x75: {  	_ =	shalt  }
0x76: {  	_ =	shalt  }
0x77: {  	_ =	shalt  }
0x78: {  	_ =	shalt  }
0x79: {  	_ =	shalt  }
0x7a: {  	_ =	shalt  }
0x7b: {  	_ =	shalt  }
0x7c: {  	_ =	shalt  }
0x7d: {  	_ =	shalt  }
0x7e: {  	_ =	shalt  }
0x7f: {  	_ =	shalt  }
0x80: {  	_ =	shalt  }
0x81: {  	_ =	shalt  }
0x82: {  	_ =	shalt  }
0x83: {  	_ =	shalt  }
0x84: {  	_ =	shalt  }
0x85: {  	_ =	shalt  }
0x86: {  	_ =	shalt  }
0x87: {  	_ =	shalt  }
.Lfunc_end0:
.L_simem_size_0:
called_computation.2_lowered:
.L_overlay_start_0:
0x88: {  	s2 =	sld [smem:$0x3FD9]  }
0x89: {  	s3 =	sld [smem:$0x3FFE];
	_ =	sdelay $0x1  }
0x8a: {  	s1 =	srdreg.scid  }
0x8b: {  	s0 =	sand.u32 $0x1, s1  }
0x8c: {  	s17 =	sshll.u32 s0, $0xA;
	s2 =	sadd.s32 s3, s2  }
0x8d: {  	s2 =	sadd.s32 s2, s17  }
0x8e: {  	[smem:$0x3FBA] =	sst s2  }
0x8f: {  	_ = 	snop  }
0x90: {  	s2 =	sld [smem:$0x3FD0];
	(tm) =	ssettm $0x1  }
0x91: {  	s18 =	sld [smem:$0x3FFB];
	_ =	sdelay $0x3  }
0x92: {  	_ =	strace s18  }
0x93: {  	s3 =	sld [smem:$0x3FFC];
	_ =	sdelay $0x3  }
0x94: {  	_ =	strace s3  }
0x95: {  	s3 =	sld [smem:$0x3FFD];
	_ =	sdelay $0x3  }
0x96: {  	_ =	strace s3  }
0x97: {  	_ =	strace $0x8FFFFFFF  }
0x98: {  	s19 =	sld [smem:$0x3FDB];
	_ =	sdelay $0x1  }
0x99: {  	s4 =	simm.s32 $_scs_section_size  }
0x9a: {  	s5 =	simm.s32 $_size__tile_overlayer_lowered;
	s6 =	simm.s32 $_tile_overlayer_lowered  }
0x9b: {  	s22 =	simm.s32 $0x1BFF;
	s21 =	sshll.u32 s6, $0x1;
	s3 =	sadd.s32 s4, s19  }
0x9c: {  	s7 =	simm.s32 $0x0;
	s20 =	sshll.u32 s5, $0x1;
	s5 =	sadd.s32 s21, s3  }
0x9d: {  	[timem:s7], [sflag:s22] =	dma.local [hbm:s5], s20  }
0x9e: {  	_ =	swait.ge [sflag:s22], s20  }
0x9f: {  	s4 =	ssub.s32 $0x0, s20;
	[sflag:s22] =	ssyncset.done $0x0  }
0xa0: {  	[sflag:s22] =	ssyncadd.s32 s4;
	_ =	sdelay $0x1  }
0xa1: {  	s23 =	simm.s32 $0x1B8B  }
0xa2: {  	_ =	swait.ge [sflag:s23], $0x1  }
0xa3: {  	[sflag:s23] =	ssyncset.done $0x0  }
0xa4: {  	s25 =	simm.s32 $0x1B8E;
	s24 =	sld [smem:$0x3FFE];
	[sflag:s23] =	ssyncadd.s32 $0xFFFFFFFF  }
0xa5: {  	s26 =	simm.s32 $execute0_lowered;
	[smem:$0x3FD2] =	sst s25  }
0xa6: {  	s5 =	sshll.u32 s26, $0x1;
	_ =	strace $0x8000004C;
	[dreg:$0x1] =	wrdreg $0xFFFFFFFF  }
0xa7: {  	s28 =	simm.s32 $_size_execute0_lowered;
	s3 =	sadd.s32 s3, s5;
	[dreg:$0x0] =	wrdreg $0x0  }
0xa8: {  	s5 =	sshll.u32 s28, $0x1;
	[dreg:$0x2] =	wrdreg s3  }
0xa9: {  	[dreg:$0x3] =	wrdreg s5  }
0xaa: {  	[dreg:$0x4] =	wrdreg $0xC0  }
0xab: {  	_ =	task [dreg:s7], $0x5FFFF  }
0xac: {  	[dreg:$0x1] =	wrdreg $0xFFFFFFFF  }
0xad: {  	[dreg:$0x0] =	wrdreg $0x60  }
0xae: {  	[dreg:$0x2] =	wrdreg s2  }
0xaf: {  	[dreg:$0x3] =	wrdreg s24  }
0xb0: {  	[dreg:$0x4] =	wrdreg $0x9  }
0xb1: {  	_ =	task.clear_ibuf [dreg:s7], $0x5FFFF;
	_ =	strace $0x9000004C  }
0xb2: {  	s29 =	simm.s32 $0x9;
	_ =	strace $0x8000004E  }
0xb3: {  	_ =	swait.ge [sflag:s29], $0x1  }
0xb4: {  	[sflag:s29] =	ssyncadd.s32 $0xFFFFFFFF  }
0xb5: {  	_ =	strace $0x9000004E  }
0xb6: {  	_ =	sfence  }
0xb7: {  	s30 =	sld [smem:$0x0];
	_ =	sdelay $0x2  }
0xb8: {  	s31 =	sshll.u32 s1, $0xD;
	s1 =	sshrl.u32 s1, $0x2  }
0xb9: {  	s3 =	sand.u32 $0x4000, s31;
	s1 =	sadd.s32 s1, s30  }
0xba: {  	s0 =	sor.u32 s3, s0;
	s1 =	sshll.u32 s1, $0x11  }
0xbb: {  	s0 =	sor.u32 s1, s0  }
0xbc: {  	s0 =	sadd.s32 $0x8F2B, s0  }
0xbd: {  	[sflag:s0] =	ssyncadd.remote.s32 $0x1  }
0xbe: {  	_ =	sfence.sel $0xFFFF  }
0xbf: {  	[dreg:$0x0] =	wrdreg $0xFFFFFFFF;
	(pc) =	sbr.abs _section_cstart, $3  }
0xc0: {  	[dreg:$0x1] =	wrdreg $0xFFFFFFFF  }
0xc1: {  	_ =	task.clear_ibuf [dreg:s7], $0x2FFFF;
	_ =	strace $0x9FFFFFFF  }
0xc2: {  	(tm) =	ssettm $0x7FFFFFFF  }
0xc3: {  	_ =	shalt  }
tec
execute0_lowered:
.L_overlay_start_1:
0x0: {  	(tag) =	ssettag $0x1  }
0x1: {  	s2 =	rddreg [dreg:$0x0]  }
0x2: {  	s4 =	rddreg [dreg:$0x1]  }
0x3: {  	s0 =	rddreg [dreg:$0x2]  }
0x4: {  	s5 =	srdreg.scid;
	s1 =	stileid.u32;
	s3 =	simm.s32 $0x0  }
0x5: {  	s14 =	simm.s32 $0x2088;
	s15 =	simm.s32 $0x0;
	s6 =	sand.u32 $0x1, s5  }
0x6: {  	s28 =	sshll.u32 s1, $0x1;
	[smem:$0x7FF] =	sst s3;
	s10 =	smul.u32 $0x2710, s1  }
0x7: {  	s8 =	sadd.s32 $0xDA00, s4;
	s7 =	sadd.s32 $0x17A00, s4;
	s12 =	smul.u32 $0x13880, s1  }
0x8: {  	s5 =	sor.u32 s6, s28;
	s29 =	ssub.s32 $0x2, s6;
	s11 =	smul.u32 $0x1388, s6  }
0x9: {  	_ =	strace $0x8000004D;
	s5 =	smul.u32 $0x1388, s5;
	s9 =	sshrl.u32 s29, $0x1  }
0xa: {  	s13 =	smul.u32 $0x9C40, s6;
	s9 =	ssub.s32 s29, s9;
	s10 =	sadd.s32 s11, s10  }
0xb: {  	s11 =	simm.s32 $0x1;
	s5 =	sadd.s32 $0x1380, s5;
	s6 =	smax.u32 s9, $0x1  }
0xc: {  	s31 =	sshrl.u32 s10, $0x3;
	s9 =	simm.s32 $0x2;
	s30 =	sshrl.u32 s5, $0x3  }
0xd: {  	s10 =	simm.s32 $0x80;
	s5 =	sshll.u32 s5, $0x3;
	s4 =	sadd.s32 s8, s30  }
0xe: {  	s5 =	sadd.s32 s7, s5;
	s7 =	sadd.s32 s12, s7;
	s8 =	sadd.s32 s31, s8  }
0xf: {  	s12 =	simm.s32 $0x2080;
	s7 =	sadd.s32 s13, s7;
	s13 =	simm.s32 $0x8  }
.LBB2_1:
0x10: {  	s16 =	sadd.s32 $0x0, s8  }
0x11: {  	[tilespmem:s3], [sflag:$0x2] =	stream.linear.gather [hbm4b:s16+s3], $0x80, $0x38;
	[tilespmem:$0x2288] =	vst v63  }
0x12: {  	_ =	swait.ge [sflag:s9], $0x80  }
0x13: {  	[sflag:s9] =	ssyncset.done $0x0  }
0x14: {  	[sflag:s9] =	ssyncadd.s32 $0xFFFFFF80  }
0x15: {  	[tilespmem:s10], [sflag:$0x1] =	stream.indirect.gather [hbm4b:s2+s10], $0x40, s3, s10, $0xb8;
	[tilespmem:$0x2288] =	vst v63  }
0x16: {  	_ =	swait.ge [sflag:s11], $0x2000  }
0x17: {  	[sflag:s11] =	ssyncset.done $0x0  }
0x18: {  	[sflag:s11] =	ssyncadd.s32 $0xFFFFE000  }
0x19: {  	[hbm4b:s7+s3] =	stream.linear.scatter [tilespmem:s10], [sflag:$0x2], $0x2000, $0x38;
	[tilespmem:$0x2288] =	vst v63  }
0x1a: {  	s17 =	simm.s32 $0x10;
	_ =	swait.ge [sflag:s9], $0x2000  }
0x1b: {  	s18 =	simm.s32 $0x20;
	s16 =	sadd.s32 $0x400, s7;
	[sflag:s9] =	ssyncset.done $0x0  }
.LBB2_2:
0x1c: {  	s19 =	sadd.s32 s17, s8  }
0x1d: {  	[sflag:s9] =	ssyncadd.s32 $0xFFFFE000;
	s17 =	smov.u32 s18;
	s20 =	sadd.s32 $0x10, s18  }
0x1e: {  	[tilespmem:s3], [sflag:$0x2] =	stream.linear.gather [hbm4b:s19+s3], $0x80, $0x38;
	[tilespmem:$0x2288] =	vst v63  }
0x1f: {  	p0 =	sne.s32 s18, $0x260;
	_ =	swait.ge [sflag:s9], $0x80  }
0x20: {  	[sflag:s9] =	ssyncset.done $0x0  }
0x21: {  	[sflag:s9] =	ssyncadd.s32 $0xFFFFFF80  }
0x22: {  	[tilespmem:s10], [sflag:$0x1] =	stream.indirect.gather [hbm4b:s2+s10], $0x40, s3, s10, $0xb8;
	[tilespmem:$0x2288] =	vst v63  }
0x23: {  	_ =	swait.ge [sflag:s11], $0x2000  }
.Ltmp0:
0x24: {  	[sflag:s11] =	ssyncset.done $0x0;
	(pc) =	sbr.rel @p0 .LBB2_2-.Ltmp0, $4  }
0x25: {  	[sflag:s11] =	ssyncadd.s32 $0xFFFFE000  }
0x26: {  	[hbm4b:s16+s3] =	stream.linear.scatter [tilespmem:s10], [sflag:$0x2], $0x2000, $0x38;
	[tilespmem:$0x2288] =	vst v63  }
0x27: {  	_ =	swait.ge [sflag:s9], $0x2000  }
0x28: {  	s18 =	smov.u32 s20;
	s16 =	sadd.s32 $0x400, s16;
	[sflag:s9] =	ssyncset.done $0x0  }
0x29: {  	s17 =	sadd.s32 s17, s8;
	[sflag:s9] =	ssyncadd.s32 $0xFFFFE000  }
0x2a: {  	[tilespmem:s3], [sflag:$0x2] =	stream.linear.gather [hbm4b:s17+s3], $0x80, $0x38;
	[tilespmem:$0x2288] =	vst v63  }
0x2b: {  	_ =	swait.ge [sflag:s9], $0x80  }
0x2c: {  	[sflag:s9] =	ssyncset.done $0x0  }
0x2d: {  	[sflag:s9] =	ssyncadd.s32 $0xFFFFFF80  }
0x2e: {  	[tilespmem:s10], [sflag:$0x1] =	stream.indirect.gather [hbm4b:s2+s10], $0x40, s3, s10, $0xb8;
	[tilespmem:$0x2288] =	vst v63  }
0x2f: {  	_ =	swait.ge [sflag:s11], $0x2000  }
0x30: {  	[sflag:s11] =	ssyncset.done $0x0  }
0x31: {  	[sflag:s11] =	ssyncadd.s32 $0xFFFFE000  }
0x32: {  	[hbm4b:s16+s3] =	stream.linear.scatter [tilespmem:s10], [sflag:$0x2], $0x2000, $0x38;
	[tilespmem:$0x2288] =	vst v63  }
0x33: {  	_ =	swait.ge [sflag:s9], $0x2000  }
0x34: {  	[sflag:s9] =	ssyncset.done $0x0  }
0x35: {  	[sflag:s9] =	ssyncadd.s32 $0xFFFFE000  }
0x36: {  	[tilespmem:s12], [sflag:$0x2] =	stream.linear.gather [hbm4b:s4+s3], $0x8, $0x38;
	[tilespmem:$0x2288] =	vst v63  }
0x37: {  	_ =	swait.ge [sflag:s9], $0x8  }
0x38: {  	[sflag:s9] =	ssyncset.done $0x0  }
0x39: {  	[sflag:s9] =	ssyncadd.s32 $0xFFFFFFF8  }
0x3a: {  	[tilespmem:s14], [sflag:$0x1] =	stream.indirect.gather [hbm4b:s2+s13], $0x40, s12, s13, $0xb8;
	[tilespmem:$0x2288] =	vst v63  }
0x3b: {  	s15 =	sadd.s32 $0x1, s15;
	_ =	swait.ge [sflag:s11], $0x200  }
0x3c: {  	p0 =	sne.s32 s15, s6;
	[sflag:s11] =	ssyncset.done $0x0  }
.Ltmp1:
0x3d: {  	[sflag:s11] =	ssyncadd.s32 $0xFFFFFE00;
	(pc) =	sbr.rel @p0 .LBB2_1-.Ltmp1, $4  }
0x3e: {  	[hbm4b:s5+s3] =	stream.linear.scatter [tilespmem:s14], [sflag:$0x2], $0x200, $0x38;
	[tilespmem:$0x2288] =	vst v63  }
0x3f: {  	_ =	swait.ge [sflag:s9], $0x200  }
0x40: {  	[sflag:s9] =	ssyncset.done $0x0  }
0x41: {  	[sflag:s9] =	ssyncadd.s32 $0xFFFFFE00  }
0x42: {  	_ =	sfence.sel $0x180000  }
0x43: {  	[bflag:$0x0] =	sbarrier.arrive $0xFFFF  }
0x44: {  	p0 =	sne.s32 s1, $0x0;
	_ =	strace $0x9000004D  }
0x45: {  	s0 =	sadd.s32 @!p0 $0x100000, s0;
	[bflag:$0x2] =	sbarrier.arrive $0xFFFF  }
0x46: {  	[sflag:s0] =	ssyncadd.tile.s32 @!p0 $0x1;
	_ =	shalt  }
.Lfunc_end2:
_tile_overlayer_lowered:
.L_overlay_start_2:
0x47: {  	(tag) =	ssettag $0x2  }
0x48: {  	s0 =	rddreg [dreg:$0x0];
	s2 =	stileid.u32  }
0x49: {  	s1 =	rddreg [dreg:$0x1];
	p0 =	sne.s32 s2, $0x0  }
0x4a: {  	s3 =	rddreg [dreg:$0x2];
	[bflag:$0x3] =	sbarrier.arrive $0xFFFF;
	s2 =	simm.s32 @!p0 $0x1C02  }
0x4b: {  	[timem:s3], [sflag:s2] =	dma.local @!p0 [hbm:s0], s1  }
0x4c: {  	s0 =	simm.s32 @!p0 $0x2  }
0x4d: {  	_ =	swait.ge @!p0 [sflag:s0], s1  }
0x4e: {  	s1 =	ssub.s32 @!p0 $0x0, s1;
	[sflag:s0] =	ssyncset.done @!p0 $0x0  }
0x4f: {  	[sflag:s0] =	ssyncadd.s32 @!p0 s1  }
0x50: {  	[bflag:$0x3] =	sbarrier.arrive $0xFFFF  }
0x51: {  	_ =	shalt  }

// kernel: kernel.24.cloned.1.call-start
scs
__scs_entry_jumppad:
0x0: {  	(pc) =	sbr.rel $0x88, $3  }
0x1: {  	(tag) =	ssettag $0x0;
	lr =	simm.s32 $0x1  }
0x2: {  	[smem:$0x3F93] =	sst lr;
	_ =	strace $0xD0000000  }
0x3: {  	_ = 	snop  }
0x4: {  	_ = 	snop  }
0x5: {  	_ = 	snop  }
0x6: {  	_ = 	snop  }
0x7: {  	_ = 	snop  }
__scs_overlays_trampoline_lowered:
0x8: {  	[smem:$0x3FA2] =	sst s0  }
0x9: {  	[smem:$0x3FA3] =	sst s1  }
0xa: {  	[smem:$0x3FA4] =	sst s2  }
0xb: {  	[smem:$0x3FA5] =	sst s3  }
0xc: {  	[smem:$0x3FA6] =	sst s4  }
0xd: {  	[smem:$0x3FA7] =	sst s5  }
0xe: {  	[smem:$0x3FA8] =	sst s6  }
0xf: {  	[smem:$0x3FA9] =	sst s7  }
0x10: {  	[smem:$0x3FAA] =	sst s8  }
0x11: {  	[smem:$0x3FAB] =	sst s9;
	s0 =	simm.s32 @!p0 $0x0  }
0x12: {  	s1 =	sld [smem:$0x3F91];
	s0 =	simm.s32 @p0 $0x1  }
0x13: {  	[smem:$0x3FAC] =	sst s0;
	s0 =	simm.s32 @!p1 $0x0  }
0x14: {  	s2 =	sld [smem:$0x3F90];
	s0 =	simm.s32 @p1 $0x1  }
0x15: {  	[smem:$0x3FAD] =	sst s0;
	s0 =	simm.s32 @!p2 $0x0  }
0x16: {  	s3 =	sld [smem:$0x3FDB];
	s0 =	simm.s32 @p2 $0x1  }
0x17: {  	s4 =	simm.s32 $0x1BF5;
	[smem:$0x3FAF] =	sst s0  }
0x18: {  	s0 =	sld [smem:$0x3F92];
	_ =	swait.ge [sflag:s4], $0x0  }
0x19: {  	s7 =	sld [smem:$0x3F93]  }
0x1a: {  	s8 =	sadd.s32 $0xFFFFE003, lr  }
0x1b: {  	s9 =	sadd.s32 $0xFFFFFEF7, lr;
	s5 =	simm.s32 $0xFFFFFFFF;
	p2 =	slt.u32 s8, $0xFFFFF086  }
0x1c: {  	p1 =	slt.u32 s9, $0xF7A;
	s5 =	simm.s32 @!p2 $0x0  }
0x1d: {  	s5 =	simm.s32 @p1 $0x1;
	p0 =	seq.s32 s7, s2  }
0x1e: {  	s7 =	smul.u32 @!p0 $0xF7A, s2;
	p2 =	seq.s32 @!p0 s5, $0x0  }
0x1f: {  	s9 =	smul.u32 $0xF7A, s1;
	s8 =	simm.s32 @!p0 $0x1BF5;
	p2 =	por !p2, p0  }
0x20: {  	[sflag:s8] =	ssyncset.s32 @!p0 $0xFFFFF086;
	s6 =	sadd.s32 @!p0 s3, s7;
	s7 =	simm.s32 @!p0 $0x108  }
0x21: {  	s3 =	sadd.s32 s3, s9;
	s6 =	sadd.s32 @!p0 $0x88, s6;
	s7 =	simm.s32 @p2 $0x1082  }
0x22: {  	[simem:s7], [sflag:s8] =	dma.local @!p0 [hbm:s6], $0xF7A  }
0x23: {  	s9 =	sor.u32 $0xD0000000, s2;
	s6 =	simm.s32 $0x108;
	_ =	swait.ge @!p0 [sflag:s8], $0x0  }
0x24: {  	s3 =	sadd.s32 $0x88, s3;
	s6 =	simm.s32 @!p1 $0x1082;
	[sflag:s4] =	ssyncset.s32 $0xFFFFF086  }
0x25: {  	[simem:s6], [sflag:s4] =	dma.local [hbm:s3], $0xF7A  }
0x26: {  	[smem:$0x3F93] =	sst s1;
	(tag) =	ssettag s2;
	_ =	strace s9  }
0x27: {  	s1 =	sld [smem:$0x3FA3]  }
0x28: {  	s2 =	sld [smem:$0x3FA4]  }
0x29: {  	s4 =	sld [smem:$0x3FA6]  }
0x2a: {  	p0 =	seq.s32 s5, $0x0;
	s5 =	sld [smem:$0x3FA7]  }
0x2b: {  	s6 =	sld [smem:$0x3FA8]  }
0x2c: {  	s7 =	sld [smem:$0x3FA9]  }
0x2d: {  	s3 =	simm.s32 $0x108;
	s8 =	sld [smem:$0x3FAA]  }
0x2e: {  	s3 =	simm.s32 @!p0 $0x1082;
	s9 =	sld [smem:$0x3FAB]  }
0x2f: {  	lr =	sadd.s32 s0, s3;
	s0 =	sld [smem:$0x3FA2]  }
0x30: {  	s3 =	sld [smem:$0x3FA5]  }
0x31: {  	[smem:$0x3FAE] =	sst s10  }
0x32: {  	s10 =	sld [smem:$0x3FAC];
	_ =	sdelay $0x3  }
0x33: {  	p0 =	seq.s32 s10, $0x1;
	s10 =	sld [smem:$0x3FAE];
	_ =	sdelay $0x3  }
0x34: {  	[smem:$0x3FAE] =	sst s10  }
0x35: {  	s10 =	sld [smem:$0x3FAD];
	_ =	sdelay $0x3  }
0x36: {  	p1 =	seq.s32 s10, $0x1;
	s10 =	sld [smem:$0x3FAE];
	_ =	sdelay $0x3  }
0x37: {  	[smem:$0x3FAE] =	sst s10  }
0x38: {  	s10 =	sld [smem:$0x3FAF]  }
0x39: {  	_ = 	snop;
	(pc) =	sbr.ind lr, $3  }
0x3a: {  	_ = 	snop  }
0x3b: {  	_ = 	snop  }
0x3c: {  	p2 =	seq.s32 s10, $0x1;
	s10 =	sld [smem:$0x3FAE]  }
0x3d: {  	_ =	shalt  }
0x3e: {  	_ =	shalt  }
0x3f: {  	_ =	shalt  }
0x40: {  	_ =	shalt  }
0x41: {  	_ =	shalt  }
0x42: {  	_ =	shalt  }
0x43: {  	_ =	shalt  }
0x44: {  	_ =	shalt  }
0x45: {  	_ =	shalt  }
0x46: {  	_ =	shalt  }
0x47: {  	_ =	shalt  }
0x48: {  	_ =	shalt  }
0x49: {  	_ =	shalt  }
0x4a: {  	_ =	shalt  }
0x4b: {  	_ =	shalt  }
0x4c: {  	_ =	shalt  }
0x4d: {  	_ =	shalt  }
0x4e: {  	_ =	shalt  }
0x4f: {  	_ =	shalt  }
0x50: {  	_ =	shalt  }
0x51: {  	_ =	shalt  }
0x52: {  	_ =	shalt  }
0x53: {  	_ =	shalt  }
0x54: {  	_ =	shalt  }
0x55: {  	_ =	shalt  }
0x56: {  	_ =	shalt  }
0x57: {  	_ =	shalt  }
0x58: {  	_ =	shalt  }
0x59: {  	_ =	shalt  }
0x5a: {  	_ =	shalt  }
0x5b: {  	_ =	shalt  }
0x5c: {  	_ =	shalt  }
0x5d: {  	_ =	shalt  }
0x5e: {  	_ =	shalt  }
0x5f: {  	_ =	shalt  }
0x60: {  	_ =	shalt  }
0x61: {  	_ =	shalt  }
0x62: {  	_ =	shalt  }
0x63: {  	_ =	shalt  }
0x64: {  	_ =	shalt  }
0x65: {  	_ =	shalt  }
0x66: {  	_ =	shalt  }
0x67: {  	_ =	shalt  }
0x68: {  	_ =	shalt  }
0x69: {  	_ =	shalt  }
0x6a: {  	_ =	shalt  }
0x6b: {  	_ =	shalt  }
0x6c: {  	_ =	shalt  }
0x6d: {  	_ =	shalt  }
0x6e: {  	_ =	shalt  }
0x6f: {  	_ =	shalt  }
0x70: {  	_ =	shalt  }
0x71: {  	_ =	shalt  }
0x72: {  	_ =	shalt  }
0x73: {  	_ =	shalt  }
0x74: {  	_ =	shalt  }
0x75: {  	_ =	shalt  }
0x76: {  	_ =	shalt  }
0x77: {  	_ =	shalt  }
0x78: {  	_ =	shalt  }
0x79: {  	_ =	shalt  }
0x7a: {  	_ =	shalt  }
0x7b: {  	_ =	shalt  }
0x7c: {  	_ =	shalt  }
0x7d: {  	_ =	shalt  }
0x7e: {  	_ =	shalt  }
0x7f: {  	_ =	shalt  }
0x80: {  	_ =	shalt  }
0x81: {  	_ =	shalt  }
0x82: {  	_ =	shalt  }
0x83: {  	_ =	shalt  }
0x84: {  	_ =	shalt  }
0x85: {  	_ =	shalt  }
0x86: {  	_ =	shalt  }
0x87: {  	_ =	shalt  }
.Lfunc_end0:
.L_simem_size_0:
called_computation.3_lowered:
.L_overlay_start_0:
0x88: {  	s2 =	sld [smem:$0x3FD9]  }
0x89: {  	s3 =	sld [smem:$0x3FFE];
	_ =	sdelay $0x1  }
0x8a: {  	s1 =	srdreg.scid  }
0x8b: {  	s0 =	sand.u32 $0x1, s1  }
0x8c: {  	s16 =	sshll.u32 s0, $0xA;
	s2 =	sadd.s32 s3, s2  }
0x8d: {  	s2 =	sadd.s32 s2, s16  }
0x8e: {  	[smem:$0x3FBA] =	sst s2  }
0x8f: {  	_ = 	snop  }
0x90: {  	(tm) =	ssettm $0x1  }
0x91: {  	s17 =	sld [smem:$0x3FFB];
	_ =	sdelay $0x3  }
0x92: {  	_ =	strace s17  }
0x93: {  	s2 =	sld [smem:$0x3FFC];
	_ =	sdelay $0x3  }
0x94: {  	_ =	strace s2  }
0x95: {  	s2 =	sld [smem:$0x3FFD];
	_ =	sdelay $0x3  }
0x96: {  	_ =	strace s2  }
0x97: {  	_ =	strace $0x8FFFFFFF  }
0x98: {  	s18 =	sld [smem:$0x3FDB];
	_ =	sdelay $0x1  }
0x99: {  	s19 =	simm.s32 $_scs_section_size  }
0x9a: {  	s4 =	simm.s32 $_size__tile_overlayer_lowered;
	s5 =	simm.s32 $_tile_overlayer_lowered  }
0x9b: {  	s22 =	simm.s32 $0x1BFF;
	s21 =	sshll.u32 s5, $0x1;
	s2 =	sadd.s32 s19, s18  }
0x9c: {  	s6 =	simm.s32 $0x0;
	s20 =	sshll.u32 s4, $0x1;
	s4 =	sadd.s32 s21, s2  }
0x9d: {  	[timem:s6], [sflag:s22] =	dma.local [hbm:s4], s20  }
0x9e: {  	_ =	swait.ge [sflag:s22], s20  }
0x9f: {  	s3 =	ssub.s32 $0x0, s20;
	[sflag:s22] =	ssyncset.done $0x0  }
0xa0: {  	[sflag:s22] =	ssyncadd.s32 s3;
	_ =	sdelay $0x1  }
0xa1: {  	s23 =	simm.s32 $0x1B8B  }
0xa2: {  	_ =	swait.ge [sflag:s23], $0x1  }
0xa3: {  	[sflag:s23] =	ssyncset.done $0x0  }
0xa4: {  	s25 =	simm.s32 $0x1B8E;
	s24 =	sld [smem:$0x3FFE];
	[sflag:s23] =	ssyncadd.s32 $0xFFFFFFFF  }
0xa5: {  	s26 =	simm.s32 $execute0_lowered;
	[smem:$0x3FD2] =	sst s25  }
0xa6: {  	s4 =	sshll.u32 s26, $0x1;
	_ =	strace $0x8000004F;
	[dreg:$0x1] =	wrdreg $0xFFFFFFFF  }
0xa7: {  	s28 =	simm.s32 $_size_execute0_lowered;
	s2 =	sadd.s32 s2, s4;
	[dreg:$0x0] =	wrdreg $0x0  }
0xa8: {  	s4 =	sshll.u32 s28, $0x1;
	[dreg:$0x2] =	wrdreg s2  }
0xa9: {  	[dreg:$0x3] =	wrdreg s4  }
0xaa: {  	[dreg:$0x4] =	wrdreg $0xC0  }
0xab: {  	_ =	task [dreg:s6], $0x5FFFF  }
0xac: {  	[dreg:$0x1] =	wrdreg $0xFFFFFFFF  }
0xad: {  	[dreg:$0x0] =	wrdreg $0x60  }
0xae: {  	[dreg:$0x2] =	wrdreg s24  }
0xaf: {  	[dreg:$0x3] =	wrdreg $0x22880  }
0xb0: {  	[dreg:$0x4] =	wrdreg $0x9  }
0xb1: {  	_ =	task.clear_ibuf [dreg:s6], $0x5FFFF;
	_ =	strace $0x9000004F  }
0xb2: {  	s29 =	simm.s32 $0x9;
	_ =	strace $0x80000051  }
0xb3: {  	_ =	swait.ge [sflag:s29], $0x1  }
0xb4: {  	[sflag:s29] =	ssyncadd.s32 $0xFFFFFFFF  }
0xb5: {  	_ =	strace $0x90000051  }
0xb6: {  	_ =	sfence  }
0xb7: {  	s30 =	sld [smem:$0x0];
	_ =	sdelay $0x2  }
0xb8: {  	s31 =	sshll.u32 s1, $0xD;
	s1 =	sshrl.u32 s1, $0x2  }
0xb9: {  	s3 =	sand.u32 $0x4000, s31;
	s1 =	sadd.s32 s1, s30  }
0xba: {  	s0 =	sor.u32 s3, s0;
	s1 =	sshll.u32 s1, $0x11  }
0xbb: {  	s0 =	sor.u32 s1, s0  }
0xbc: {  	s0 =	sadd.s32 $0x8F2B, s0  }
0xbd: {  	[sflag:s0] =	ssyncadd.remote.s32 $0x1  }
0xbe: {  	_ =	sfence.sel $0xFFFF  }
0xbf: {  	[dreg:$0x0] =	wrdreg $0xFFFFFFFF;
	(pc) =	sbr.abs _section_cstart, $3  }
0xc0: {  	[dreg:$0x1] =	wrdreg $0xFFFFFFFF  }
0xc1: {  	_ =	task.clear_ibuf [dreg:s6], $0x2FFFF;
	_ =	strace $0x9FFFFFFF  }
0xc2: {  	(tm) =	ssettm $0x7FFFFFFF  }
0xc3: {  	_ =	shalt  }
tec
execute0_lowered:
.L_overlay_start_1:
0x0: {  	(tag) =	ssettag $0x1  }
0x1: {  	s4 =	rddreg [dreg:$0x0]  }
0x2: {  	s2 =	rddreg [dreg:$0x1];
	s1 =	stileid.u32  }
0x3: {  	s0 =	rddreg [dreg:$0x2];
	s3 =	simm.s32 $0x0;
	s5 =	smul.u32 $0xA000, s1  }
0x4: {  	s6 =	srdreg.scid;
	s18 =	simm.s32 $0x0;
	s22 =	smul.u32 $0x1400, s1  }
0x5: {  	[smem:$0x7FF] =	sst s3;
	s10 =	sadd.s32 $0x17A00, s4;
	s15 =	smul.u32 $0x2710, s1  }
0x6: {  	s9 =	sand.u32 $0x1, s6;
	s11 =	sadd.s32 $0x12A00, s4;
	s17 =	smul.u32 $0x13880, s1  }
0x7: {  	s13 =	sshll.u32 s1, $0x1;
	s26 =	sshll.u32 s1, $0x6;
	s8 =	smul.u32 $0x14000, s9  }
0x8: {  	_ =	strace $0x80000050;
	s12 =	ssub.s32 $0x2, s9;
	s16 =	smul.u32 $0x1388, s9  }
0x9: {  	s13 =	sor.u32 s9, s13;
	s30 =	smul.u32 $0x9C40, s9;
	s7 =	sshrl.u32 s5, $0x3  }
0xa: {  	s23 =	sshrl.u32 s12, $0x1;
	s24 =	smul.u32 $0x1388, s13;
	s25 =	sadd.s32 s5, s2  }
0xb: {  	s5 =	sor.u32 $0x1C01, s26;
	s13 =	simm.s32 $0x1;
	s7 =	sadd.s32 s7, s4  }
0xc: {  	s6 =	sadd.s32 s22, s8;
	s12 =	ssub.s32 s12, s23;
	s15 =	sadd.s32 s16, s15  }
0xd: {  	s16 =	simm.s32 $0x2088;
	s14 =	sadd.s32 s6, s4;
	s4 =	sadd.s32 $0x1FD400, s7  }
0xe: {  	s6 =	sadd.s32 $0x1380, s24;
	s9 =	smax.u32 s12, $0x1;
	s31 =	sshrl.u32 s15, $0x3  }
0xf: {  	s12 =	sshrl.u32 s25, $0x3;
	s15 =	simm.s32 $0x2080;
	s28 =	sshrl.u32 s6, $0x3  }
0x10: {  	s29 =	sshll.u32 s6, $0x3;
	s8 =	sadd.s32 $0x23B800, s14;
	s14 =	simm.s32 $0x80  }
0x11: {  	s6 =	sadd.s32 s11, s28;
	s7 =	sadd.s32 s10, s29;
	s10 =	sadd.s32 s17, s10  }
0x12: {  	s11 =	sadd.s32 s31, s11;
	s17 =	simm.s32 $0x8;
	s10 =	sadd.s32 s30, s10  }
.LBB2_1:
0x13: {  	[spmem:s12], [sflag:s5] =	dma.local [hbm:s4], $0x1400  }
0x14: {  	_ =	swait.ge [sflag:s13], $0x1400  }
0x15: {  	[sflag:s13] =	ssyncset.done $0x0  }
0x16: {  	[sflag:s13] =	ssyncadd.s32 $0xFFFFEC00  }
0x17: {  	s19 =	sadd.s32 $0x0, s11;
	[bflag:$0x0] =	sbarrier.arrive $0xFFFF  }
0x18: {  	[tilespmem:s3], [sflag:$0x1] =	stream.linear.gather [hbm4b:s19+s3], $0x80, $0x38;
	[tilespmem:$0xC288] =	vst v63  }
0x19: {  	_ =	swait.ge [sflag:s13], $0x80  }
0x1a: {  	[sflag:s13] =	ssyncset.done $0x0  }
0x1b: {  	[sflag:s13] =	ssyncadd.s32 $0xFFFFFF80  }
0x1c: {  	[tilespmem:s14], [sflag:$0x1] =	stream.linear.gather [hbm4b:s10+s3], $0x2000, $0x38;
	[tilespmem:$0xC288] =	vst v63  }
0x1d: {  	_ =	swait.ge [sflag:s13], $0x2000  }
0x1e: {  	[sflag:s13] =	ssyncset.done $0x0  }
0x1f: {  	[sflag:s13] =	ssyncadd.s32 $0xFFFFE000  }
0x20: {  	[spmem:s2] =	stream.indirect.scatter.add.f32 [tilespmem:s14], [sflag:$0x1], $0x40, s3, s14, $0xb8;
	[tilespmem:$0xC288] =	vst v63  }
0x21: {  	s20 =	simm.s32 $0x10;
	_ =	swait.ge [sflag:s13], $0x2000  }
0x22: {  	s21 =	simm.s32 $0x20;
	s19 =	sadd.s32 $0x400, s10;
	[sflag:s13] =	ssyncset.done $0x0  }
.LBB2_2:
0x23: {  	s22 =	sadd.s32 s20, s11  }
0x24: {  	[sflag:s13] =	ssyncadd.s32 $0xFFFFE000;
	s20 =	smov.u32 s21;
	s23 =	sadd.s32 $0x10, s21  }
0x25: {  	[tilespmem:s3], [sflag:$0x1] =	stream.linear.gather [hbm4b:s22+s3], $0x80, $0x38;
	[tilespmem:$0xC288] =	vst v63  }
0x26: {  	p0 =	sne.s32 s21, $0x260;
	_ =	swait.ge [sflag:s13], $0x80  }
0x27: {  	[sflag:s13] =	ssyncset.done $0x0  }
0x28: {  	[sflag:s13] =	ssyncadd.s32 $0xFFFFFF80  }
0x29: {  	[tilespmem:s14], [sflag:$0x1] =	stream.linear.gather [hbm4b:s19+s3], $0x2000, $0x38;
	[tilespmem:$0xC288] =	vst v63  }
0x2a: {  	_ =	swait.ge [sflag:s13], $0x2000  }
.Ltmp0:
0x2b: {  	[sflag:s13] =	ssyncset.done $0x0;
	(pc) =	sbr.rel @p0 .LBB2_2-.Ltmp0, $4  }
0x2c: {  	[sflag:s13] =	ssyncadd.s32 $0xFFFFE000  }
0x2d: {  	[spmem:s2] =	stream.indirect.scatter.add.f32 [tilespmem:s14], [sflag:$0x1], $0x40, s3, s14, $0xb8;
	[tilespmem:$0xC288] =	vst v63  }
0x2e: {  	_ =	swait.ge [sflag:s13], $0x2000  }
0x2f: {  	s21 =	smov.u32 s23;
	s19 =	sadd.s32 $0x400, s19;
	[sflag:s13] =	ssyncset.done $0x0  }
0x30: {  	s20 =	sadd.s32 s20, s11;
	[sflag:s13] =	ssyncadd.s32 $0xFFFFE000  }
0x31: {  	[tilespmem:s3], [sflag:$0x1] =	stream.linear.gather [hbm4b:s20+s3], $0x80, $0x38;
	[tilespmem:$0xC288] =	vst v63  }
0x32: {  	_ =	swait.ge [sflag:s13], $0x80  }
0x33: {  	[sflag:s13] =	ssyncset.done $0x0  }
0x34: {  	[sflag:s13] =	ssyncadd.s32 $0xFFFFFF80  }
0x35: {  	[tilespmem:s14], [sflag:$0x1] =	stream.linear.gather [hbm4b:s19+s3], $0x2000, $0x38;
	[tilespmem:$0xC288] =	vst v63  }
0x36: {  	_ =	swait.ge [sflag:s13], $0x2000  }
0x37: {  	[sflag:s13] =	ssyncset.done $0x0  }
0x38: {  	[sflag:s13] =	ssyncadd.s32 $0xFFFFE000  }
0x39: {  	[spmem:s2] =	stream.indirect.scatter.add.f32 [tilespmem:s14], [sflag:$0x1], $0x40, s3, s14, $0xb8;
	[tilespmem:$0xC288] =	vst v63  }
0x3a: {  	_ =	swait.ge [sflag:s13], $0x2000  }
0x3b: {  	[sflag:s13] =	ssyncset.done $0x0  }
0x3c: {  	[sflag:s13] =	ssyncadd.s32 $0xFFFFE000  }
0x3d: {  	[tilespmem:s15], [sflag:$0x1] =	stream.linear.gather [hbm4b:s6+s3], $0x8, $0x38;
	[tilespmem:$0xC288] =	vst v63  }
0x3e: {  	_ =	swait.ge [sflag:s13], $0x8  }
0x3f: {  	[sflag:s13] =	ssyncset.done $0x0  }
0x40: {  	[sflag:s13] =	ssyncadd.s32 $0xFFFFFFF8  }
0x41: {  	[tilespmem:s16], [sflag:$0x1] =	stream.linear.gather [hbm4b:s7+s3], $0x200, $0x38;
	[tilespmem:$0xC288] =	vst v63  }
0x42: {  	_ =	swait.ge [sflag:s13], $0x200  }
0x43: {  	[sflag:s13] =	ssyncset.done $0x0  }
0x44: {  	[sflag:s13] =	ssyncadd.s32 $0xFFFFFE00  }
0x45: {  	[spmem:s2] =	stream.indirect.scatter.add.f32 [tilespmem:s16], [sflag:$0x1], $0x40, s15, s17, $0xb8;
	[tilespmem:$0xC288] =	vst v63  }
0x46: {  	_ =	swait.ge [sflag:s13], $0x200  }
0x47: {  	s18 =	sadd.s32 $0x1, s18;
	[sflag:s13] =	ssyncset.done $0x0  }
0x48: {  	p0 =	sne.s32 s18, s9;
	[sflag:s13] =	ssyncadd.s32 $0xFFFFFE00  }
.Ltmp1:
0x49: {  	[bflag:$0x0] =	sbarrier.arrive $0xFFFF;
	(pc) =	sbr.rel @p0 .LBB2_1-.Ltmp1, $4  }
0x4a: {  	[hbm:s8], [sflag:s5] =	dma.local [spmem:s12], $0x1400  }
0x4b: {  	_ =	swait.ge [sflag:s13], $0x1400  }
0x4c: {  	[sflag:s13] =	ssyncset.done $0x0  }
0x4d: {  	[sflag:s13] =	ssyncadd.s32 $0xFFFFEC00  }
0x4e: {  	_ =	sfence.sel $0x180000  }
0x4f: {  	[bflag:$0x0] =	sbarrier.arrive $0xFFFF  }
0x50: {  	p0 =	sne.s32 s1, $0x0;
	_ =	strace $0x90000050  }
0x51: {  	s0 =	sadd.s32 @!p0 $0x100000, s0;
	[bflag:$0x2] =	sbarrier.arrive $0xFFFF  }
0x52: {  	[sflag:s0] =	ssyncadd.tile.s32 @!p0 $0x1;
	_ =	shalt  }
.Lfunc_end2:
_tile_overlayer_lowered:
.L_overlay_start_2:
0x53: {  	(tag) =	ssettag $0x2  }
0x54: {  	s0 =	rddreg [dreg:$0x0];
	s2 =	stileid.u32  }
0x55: {  	s1 =	rddreg [dreg:$0x1];
	p0 =	sne.s32 s2, $0x0  }
0x56: {  	s3 =	rddreg [dreg:$0x2];
	[bflag:$0x3] =	sbarrier.arrive $0xFFFF;
	s2 =	simm.s32 @!p0 $0x1C01  }
0x57: {  	[timem:s3], [sflag:s2] =	dma.local @!p0 [hbm:s0], s1  }
0x58: {  	s0 =	simm.s32 @!p0 $0x1  }
0x59: {  	_ =	swait.ge @!p0 [sflag:s0], s1  }
0x5a: {  	s1 =	ssub.s32 @!p0 $0x0, s1;
	[sflag:s0] =	ssyncset.done @!p0 $0x0  }
0x5b: {  	[sflag:s0] =	ssyncadd.s32 @!p0 s1  }
0x5c: {  	[bflag:$0x3] =	sbarrier.arrive $0xFFFF  }
0x5d: {  	_ =	shalt  }

// kernel: kernel.27.cloned.1.call-start
scs
__scs_entry_jumppad:
0x0: {  	(pc) =	sbr.rel $0x88, $3  }
0x1: {  	(tag) =	ssettag $0x0;
	lr =	simm.s32 $0x1  }
0x2: {  	[smem:$0x3F93] =	sst lr;
	_ =	strace $0xD0000000  }
0x3: {  	_ = 	snop  }
0x4: {  	_ = 	snop  }
0x5: {  	_ = 	snop  }
0x6: {  	_ = 	snop  }
0x7: {  	_ = 	snop  }
__scs_overlays_trampoline_lowered:
0x8: {  	[smem:$0x3FA2] =	sst s0  }
0x9: {  	[smem:$0x3FA3] =	sst s1  }
0xa: {  	[smem:$0x3FA4] =	sst s2  }
0xb: {  	[smem:$0x3FA5] =	sst s3  }
0xc: {  	[smem:$0x3FA6] =	sst s4  }
0xd: {  	[smem:$0x3FA7] =	sst s5  }
0xe: {  	[smem:$0x3FA8] =	sst s6  }
0xf: {  	[smem:$0x3FA9] =	sst s7  }
0x10: {  	[smem:$0x3FAA] =	sst s8  }
0x11: {  	[smem:$0x3FAB] =	sst s9;
	s0 =	simm.s32 @!p0 $0x0  }
0x12: {  	s1 =	sld [smem:$0x3F91];
	s0 =	simm.s32 @p0 $0x1  }
0x13: {  	[smem:$0x3FAC] =	sst s0;
	s0 =	simm.s32 @!p1 $0x0  }
0x14: {  	s2 =	sld [smem:$0x3F90];
	s0 =	simm.s32 @p1 $0x1  }
0x15: {  	[smem:$0x3FAD] =	sst s0;
	s0 =	simm.s32 @!p2 $0x0  }
0x16: {  	s3 =	sld [smem:$0x3FDB];
	s0 =	simm.s32 @p2 $0x1  }
0x17: {  	s4 =	simm.s32 $0x1BF5;
	[smem:$0x3FAF] =	sst s0  }
0x18: {  	s0 =	sld [smem:$0x3F92];
	_ =	swait.ge [sflag:s4], $0x0  }
0x19: {  	s7 =	sld [smem:$0x3F93]  }
0x1a: {  	s8 =	sadd.s32 $0xFFFFE003, lr  }
0x1b: {  	s9 =	sadd.s32 $0xFFFFFEF7, lr;
	s5 =	simm.s32 $0xFFFFFFFF;
	p2 =	slt.u32 s8, $0xFFFFF086  }
0x1c: {  	p1 =	slt.u32 s9, $0xF7A;
	s5 =	simm.s32 @!p2 $0x0  }
0x1d: {  	s5 =	simm.s32 @p1 $0x1;
	p0 =	seq.s32 s7, s2  }
0x1e: {  	s7 =	smul.u32 @!p0 $0xF7A, s2;
	p2 =	seq.s32 @!p0 s5, $0x0  }
0x1f: {  	s9 =	smul.u32 $0xF7A, s1;
	s8 =	simm.s32 @!p0 $0x1BF5;
	p2 =	por !p2, p0  }
0x20: {  	[sflag:s8] =	ssyncset.s32 @!p0 $0xFFFFF086;
	s6 =	sadd.s32 @!p0 s3, s7;
	s7 =	simm.s32 @!p0 $0x108  }
0x21: {  	s3 =	sadd.s32 s3, s9;
	s6 =	sadd.s32 @!p0 $0x88, s6;
	s7 =	simm.s32 @p2 $0x1082  }
0x22: {  	[simem:s7], [sflag:s8] =	dma.local @!p0 [hbm:s6], $0xF7A  }
0x23: {  	s9 =	sor.u32 $0xD0000000, s2;
	s6 =	simm.s32 $0x108;
	_ =	swait.ge @!p0 [sflag:s8], $0x0  }
0x24: {  	s3 =	sadd.s32 $0x88, s3;
	s6 =	simm.s32 @!p1 $0x1082;
	[sflag:s4] =	ssyncset.s32 $0xFFFFF086  }
0x25: {  	[simem:s6], [sflag:s4] =	dma.local [hbm:s3], $0xF7A  }
0x26: {  	[smem:$0x3F93] =	sst s1;
	(tag) =	ssettag s2;
	_ =	strace s9  }
0x27: {  	s1 =	sld [smem:$0x3FA3]  }
0x28: {  	s2 =	sld [smem:$0x3FA4]  }
0x29: {  	s4 =	sld [smem:$0x3FA6]  }
0x2a: {  	p0 =	seq.s32 s5, $0x0;
	s5 =	sld [smem:$0x3FA7]  }
0x2b: {  	s6 =	sld [smem:$0x3FA8]  }
0x2c: {  	s7 =	sld [smem:$0x3FA9]  }
0x2d: {  	s3 =	simm.s32 $0x108;
	s8 =	sld [smem:$0x3FAA]  }
0x2e: {  	s3 =	simm.s32 @!p0 $0x1082;
	s9 =	sld [smem:$0x3FAB]  }
0x2f: {  	lr =	sadd.s32 s0, s3;
	s0 =	sld [smem:$0x3FA2]  }
0x30: {  	s3 =	sld [smem:$0x3FA5]  }
0x31: {  	[smem:$0x3FAE] =	sst s10  }
0x32: {  	s10 =	sld [smem:$0x3FAC];
	_ =	sdelay $0x3  }
0x33: {  	p0 =	seq.s32 s10, $0x1;
	s10 =	sld [smem:$0x3FAE];
	_ =	sdelay $0x3  }
0x34: {  	[smem:$0x3FAE] =	sst s10  }
0x35: {  	s10 =	sld [smem:$0x3FAD];
	_ =	sdelay $0x3  }
0x36: {  	p1 =	seq.s32 s10, $0x1;
	s10 =	sld [smem:$0x3FAE];
	_ =	sdelay $0x3  }
0x37: {  	[smem:$0x3FAE] =	sst s10  }
0x38: {  	s10 =	sld [smem:$0x3FAF]  }
0x39: {  	_ = 	snop;
	(pc) =	sbr.ind lr, $3  }
0x3a: {  	_ = 	snop  }
0x3b: {  	_ = 	snop  }
0x3c: {  	p2 =	seq.s32 s10, $0x1;
	s10 =	sld [smem:$0x3FAE]  }
0x3d: {  	_ =	shalt  }
0x3e: {  	_ =	shalt  }
0x3f: {  	_ =	shalt  }
0x40: {  	_ =	shalt  }
0x41: {  	_ =	shalt  }
0x42: {  	_ =	shalt  }
0x43: {  	_ =	shalt  }
0x44: {  	_ =	shalt  }
0x45: {  	_ =	shalt  }
0x46: {  	_ =	shalt  }
0x47: {  	_ =	shalt  }
0x48: {  	_ =	shalt  }
0x49: {  	_ =	shalt  }
0x4a: {  	_ =	shalt  }
0x4b: {  	_ =	shalt  }
0x4c: {  	_ =	shalt  }
0x4d: {  	_ =	shalt  }
0x4e: {  	_ =	shalt  }
0x4f: {  	_ =	shalt  }
0x50: {  	_ =	shalt  }
0x51: {  	_ =	shalt  }
0x52: {  	_ =	shalt  }
0x53: {  	_ =	shalt  }
0x54: {  	_ =	shalt  }
0x55: {  	_ =	shalt  }
0x56: {  	_ =	shalt  }
0x57: {  	_ =	shalt  }
0x58: {  	_ =	shalt  }
0x59: {  	_ =	shalt  }
0x5a: {  	_ =	shalt  }
0x5b: {  	_ =	shalt  }
0x5c: {  	_ =	shalt  }
0x5d: {  	_ =	shalt  }
0x5e: {  	_ =	shalt  }
0x5f: {  	_ =	shalt  }
0x60: {  	_ =	shalt  }
0x61: {  	_ =	shalt  }
0x62: {  	_ =	shalt  }
0x63: {  	_ =	shalt  }
0x64: {  	_ =	shalt  }
0x65: {  	_ =	shalt  }
0x66: {  	_ =	shalt  }
0x67: {  	_ =	shalt  }
0x68: {  	_ =	shalt  }
0x69: {  	_ =	shalt  }
0x6a: {  	_ =	shalt  }
0x6b: {  	_ =	shalt  }
0x6c: {  	_ =	shalt  }
0x6d: {  	_ =	shalt  }
0x6e: {  	_ =	shalt  }
0x6f: {  	_ =	shalt  }
0x70: {  	_ =	shalt  }
0x71: {  	_ =	shalt  }
0x72: {  	_ =	shalt  }
0x73: {  	_ =	shalt  }
0x74: {  	_ =	shalt  }
0x75: {  	_ =	shalt  }
0x76: {  	_ =	shalt  }
0x77: {  	_ =	shalt  }
0x78: {  	_ =	shalt  }
0x79: {  	_ =	shalt  }
0x7a: {  	_ =	shalt  }
0x7b: {  	_ =	shalt  }
0x7c: {  	_ =	shalt  }
0x7d: {  	_ =	shalt  }
0x7e: {  	_ =	shalt  }
0x7f: {  	_ =	shalt  }
0x80: {  	_ =	shalt  }
0x81: {  	_ =	shalt  }
0x82: {  	_ =	shalt  }
0x83: {  	_ =	shalt  }
0x84: {  	_ =	shalt  }
0x85: {  	_ =	shalt  }
0x86: {  	_ =	shalt  }
0x87: {  	_ =	shalt  }
.Lfunc_end0:
.L_simem_size_0:
called_computation.4_lowered:
.L_overlay_start_0:
0x88: {  	s2 =	sld [smem:$0x3FD9]  }
0x89: {  	s3 =	sld [smem:$0x3FFE];
	_ =	sdelay $0x1  }
0x8a: {  	s1 =	srdreg.scid  }
0x8b: {  	s0 =	sand.u32 $0x1, s1  }
0x8c: {  	s17 =	sshll.u32 s0, $0xA;
	s2 =	sadd.s32 s3, s2  }
0x8d: {  	s2 =	sadd.s32 s2, s17  }
0x8e: {  	[smem:$0x3FBA] =	sst s2  }
0x8f: {  	_ = 	snop  }
0x90: {  	s2 =	sld [smem:$0x3FD0];
	(tm) =	ssettm $0x1  }
0x91: {  	s18 =	sld [smem:$0x3FFB];
	_ =	sdelay $0x3  }
0x92: {  	_ =	strace s18  }
0x93: {  	s3 =	sld [smem:$0x3FFC];
	_ =	sdelay $0x3  }
0x94: {  	_ =	strace s3  }
0x95: {  	s3 =	sld [smem:$0x3FFD];
	_ =	sdelay $0x3  }
0x96: {  	_ =	strace s3  }
0x97: {  	_ =	strace $0x8FFFFFFF  }
0x98: {  	s19 =	sld [smem:$0x3FDB];
	_ =	sdelay $0x1  }
0x99: {  	s4 =	simm.s32 $_scs_section_size  }
0x9a: {  	s5 =	simm.s32 $_size__tile_overlayer_lowered;
	s6 =	simm.s32 $_tile_overlayer_lowered  }
0x9b: {  	s22 =	simm.s32 $0x1BFF;
	s21 =	sshll.u32 s6, $0x1;
	s3 =	sadd.s32 s4, s19  }
0x9c: {  	s7 =	simm.s32 $0x0;
	s20 =	sshll.u32 s5, $0x1;
	s5 =	sadd.s32 s21, s3  }
0x9d: {  	[timem:s7], [sflag:s22] =	dma.local [hbm:s5], s20  }
0x9e: {  	_ =	swait.ge [sflag:s22], s20  }
0x9f: {  	s4 =	ssub.s32 $0x0, s20;
	[sflag:s22] =	ssyncset.done $0x0  }
0xa0: {  	[sflag:s22] =	ssyncadd.s32 s4;
	_ =	sdelay $0x1  }
0xa1: {  	s23 =	simm.s32 $0x1B8B  }
0xa2: {  	_ =	swait.ge [sflag:s23], $0x1  }
0xa3: {  	[sflag:s23] =	ssyncset.done $0x0  }
0xa4: {  	s25 =	simm.s32 $0x1B8E;
	s24 =	sld [smem:$0x3FFE];
	[sflag:s23] =	ssyncadd.s32 $0xFFFFFFFF  }
0xa5: {  	s26 =	simm.s32 $execute0_lowered;
	[smem:$0x3FD2] =	sst s25  }
0xa6: {  	s5 =	sshll.u32 s26, $0x1;
	_ =	strace $0x80000052;
	[dreg:$0x1] =	wrdreg $0xFFFFFFFF  }
0xa7: {  	s28 =	simm.s32 $_size_execute0_lowered;
	s3 =	sadd.s32 s3, s5;
	[dreg:$0x0] =	wrdreg $0x0  }
0xa8: {  	s5 =	sshll.u32 s28, $0x1;
	[dreg:$0x2] =	wrdreg s3  }
0xa9: {  	[dreg:$0x3] =	wrdreg s5  }
0xaa: {  	[dreg:$0x4] =	wrdreg $0xC0  }
0xab: {  	_ =	task [dreg:s7], $0x5FFFF  }
0xac: {  	[dreg:$0x1] =	wrdreg $0xFFFFFFFF  }
0xad: {  	[dreg:$0x0] =	wrdreg $0x60  }
0xae: {  	[dreg:$0x2] =	wrdreg s2  }
0xaf: {  	[dreg:$0x3] =	wrdreg s24  }
0xb0: {  	[dreg:$0x4] =	wrdreg $0x9  }
0xb1: {  	_ =	task.clear_ibuf [dreg:s7], $0x5FFFF;
	_ =	strace $0x90000052  }
0xb2: {  	s29 =	simm.s32 $0x9;
	_ =	strace $0x80000054  }
0xb3: {  	_ =	swait.ge [sflag:s29], $0x1  }
0xb4: {  	[sflag:s29] =	ssyncadd.s32 $0xFFFFFFFF  }
0xb5: {  	_ =	strace $0x90000054  }
0xb6: {  	_ =	sfence  }
0xb7: {  	s30 =	sld [smem:$0x0];
	_ =	sdelay $0x2  }
0xb8: {  	s31 =	sshll.u32 s1, $0xD;
	s1 =	sshrl.u32 s1, $0x2  }
0xb9: {  	s3 =	sand.u32 $0x4000, s31;
	s1 =	sadd.s32 s1, s30  }
0xba: {  	s0 =	sor.u32 s3, s0;
	s1 =	sshll.u32 s1, $0x11  }
0xbb: {  	s0 =	sor.u32 s1, s0  }
0xbc: {  	s0 =	sadd.s32 $0x8F2B, s0  }
0xbd: {  	[sflag:s0] =	ssyncadd.remote.s32 $0x1  }
0xbe: {  	_ =	sfence.sel $0xFFFF  }
0xbf: {  	[dreg:$0x0] =	wrdreg $0xFFFFFFFF;
	(pc) =	sbr.abs _section_cstart, $3  }
0xc0: {  	[dreg:$0x1] =	wrdreg $0xFFFFFFFF  }
0xc1: {  	_ =	task.clear_ibuf [dreg:s7], $0x2FFFF;
	_ =	strace $0x9FFFFFFF  }
0xc2: {  	(tm) =	ssettm $0x7FFFFFFF  }
0xc3: {  	_ =	shalt  }
tec
execute0_lowered:
.L_overlay_start_1:
0x0: {  	(tag) =	ssettag $0x1  }
0x1: {  	s2 =	rddreg [dreg:$0x0]  }
0x2: {  	s4 =	rddreg [dreg:$0x1]  }
0x3: {  	s0 =	rddreg [dreg:$0x2]  }
0x4: {  	s5 =	srdreg.scid;
	s1 =	stileid.u32;
	s3 =	simm.s32 $0x0  }
0x5: {  	s14 =	simm.s32 $0x2088;
	s15 =	simm.s32 $0x0;
	s6 =	sand.u32 $0x1, s5  }
0x6: {  	s28 =	sshll.u32 s1, $0x1;
	[smem:$0x7FF] =	sst s3;
	s10 =	smul.u32 $0x2710, s1  }
0x7: {  	s8 =	sadd.s32 $0xDA00, s4;
	s7 =	sadd.s32 $0x17A00, s4;
	s12 =	smul.u32 $0x13880, s1  }
0x8: {  	s5 =	sor.u32 s6, s28;
	s29 =	ssub.s32 $0x2, s6;
	s11 =	smul.u32 $0x1388, s6  }
0x9: {  	_ =	strace $0x80000053;
	s5 =	smul.u32 $0x1388, s5;
	s9 =	sshrl.u32 s29, $0x1  }
0xa: {  	s13 =	smul.u32 $0x9C40, s6;
	s9 =	ssub.s32 s29, s9;
	s10 =	sadd.s32 s11, s10  }
0xb: {  	s11 =	simm.s32 $0x1;
	s5 =	sadd.s32 $0x1380, s5;
	s6 =	smax.u32 s9, $0x1  }
0xc: {  	s31 =	sshrl.u32 s10, $0x3;
	s9 =	simm.s32 $0x2;
	s30 =	sshrl.u32 s5, $0x3  }
0xd: {  	s10 =	simm.s32 $0x80;
	s5 =	sshll.u32 s5, $0x3;
	s4 =	sadd.s32 s8, s30  }
0xe: {  	s5 =	sadd.s32 s7, s5;
	s7 =	sadd.s32 s12, s7;
	s8 =	sadd.s32 s31, s8  }
0xf: {  	s12 =	simm.s32 $0x2080;
	s7 =	sadd.s32 s13, s7;
	s13 =	simm.s32 $0x8  }
.LBB2_1:
0x10: {  	s16 =	sadd.s32 $0x0, s8  }
0x11: {  	[tilespmem:s3], [sflag:$0x2] =	stream.linear.gather [hbm4b:s16+s3], $0x80, $0x38;
	[tilespmem:$0x2288] =	vst v63  }
0x12: {  	_ =	swait.ge [sflag:s9], $0x80  }
0x13: {  	[sflag:s9] =	ssyncset.done $0x0  }
0x14: {  	[sflag:s9] =	ssyncadd.s32 $0xFFFFFF80  }
0x15: {  	[tilespmem:s10], [sflag:$0x1] =	stream.indirect.gather [hbm4b:s2+s10], $0x40, s3, s10, $0xb8;
	[tilespmem:$0x2288] =	vst v63  }
0x16: {  	_ =	swait.ge [sflag:s11], $0x2000  }
0x17: {  	[sflag:s11] =	ssyncset.done $0x0  }
0x18: {  	[sflag:s11] =	ssyncadd.s32 $0xFFFFE000  }
0x19: {  	[hbm4b:s7+s3] =	stream.linear.scatter [tilespmem:s10], [sflag:$0x2], $0x2000, $0x38;
	[tilespmem:$0x2288] =	vst v63  }
0x1a: {  	s17 =	simm.s32 $0x10;
	_ =	swait.ge [sflag:s9], $0x2000  }
0x1b: {  	s18 =	simm.s32 $0x20;
	s16 =	sadd.s32 $0x400, s7;
	[sflag:s9] =	ssyncset.done $0x0  }
.LBB2_2:
0x1c: {  	s19 =	sadd.s32 s17, s8  }
0x1d: {  	[sflag:s9] =	ssyncadd.s32 $0xFFFFE000;
	s17 =	smov.u32 s18;
	s20 =	sadd.s32 $0x10, s18  }
0x1e: {  	[tilespmem:s3], [sflag:$0x2] =	stream.linear.gather [hbm4b:s19+s3], $0x80, $0x38;
	[tilespmem:$0x2288] =	vst v63  }
0x1f: {  	p0 =	sne.s32 s18, $0x260;
	_ =	swait.ge [sflag:s9], $0x80  }
0x20: {  	[sflag:s9] =	ssyncset.done $0x0  }
0x21: {  	[sflag:s9] =	ssyncadd.s32 $0xFFFFFF80  }
0x22: {  	[tilespmem:s10], [sflag:$0x1] =	stream.indirect.gather [hbm4b:s2+s10], $0x40, s3, s10, $0xb8;
	[tilespmem:$0x2288] =	vst v63  }
0x23: {  	_ =	swait.ge [sflag:s11], $0x2000  }
.Ltmp0:
0x24: {  	[sflag:s11] =	ssyncset.done $0x0;
	(pc) =	sbr.rel @p0 .LBB2_2-.Ltmp0, $4  }
0x25: {  	[sflag:s11] =	ssyncadd.s32 $0xFFFFE000  }
0x26: {  	[hbm4b:s16+s3] =	stream.linear.scatter [tilespmem:s10], [sflag:$0x2], $0x2000, $0x38;
	[tilespmem:$0x2288] =	vst v63  }
0x27: {  	_ =	swait.ge [sflag:s9], $0x2000  }
0x28: {  	s18 =	smov.u32 s20;
	s16 =	sadd.s32 $0x400, s16;
	[sflag:s9] =	ssyncset.done $0x0  }
0x29: {  	s17 =	sadd.s32 s17, s8;
	[sflag:s9] =	ssyncadd.s32 $0xFFFFE000  }
0x2a: {  	[tilespmem:s3], [sflag:$0x2] =	stream.linear.gather [hbm4b:s17+s3], $0x80, $0x38;
	[tilespmem:$0x2288] =	vst v63  }
0x2b: {  	_ =	swait.ge [sflag:s9], $0x80  }
0x2c: {  	[sflag:s9] =	ssyncset.done $0x0  }
0x2d: {  	[sflag:s9] =	ssyncadd.s32 $0xFFFFFF80  }
0x2e: {  	[tilespmem:s10], [sflag:$0x1] =	stream.indirect.gather [hbm4b:s2+s10], $0x40, s3, s10, $0xb8;
	[tilespmem:$0x2288] =	vst v63  }
0x2f: {  	_ =	swait.ge [sflag:s11], $0x2000  }
0x30: {  	[sflag:s11] =	ssyncset.done $0x0  }
0x31: {  	[sflag:s11] =	ssyncadd.s32 $0xFFFFE000  }
0x32: {  	[hbm4b:s16+s3] =	stream.linear.scatter [tilespmem:s10], [sflag:$0x2], $0x2000, $0x38;
	[tilespmem:$0x2288] =	vst v63  }
0x33: {  	_ =	swait.ge [sflag:s9], $0x2000  }
0x34: {  	[sflag:s9] =	ssyncset.done $0x0  }
0x35: {  	[sflag:s9] =	ssyncadd.s32 $0xFFFFE000  }
0x36: {  	[tilespmem:s12], [sflag:$0x2] =	stream.linear.gather [hbm4b:s4+s3], $0x8, $0x38;
	[tilespmem:$0x2288] =	vst v63  }
0x37: {  	_ =	swait.ge [sflag:s9], $0x8  }
0x38: {  	[sflag:s9] =	ssyncset.done $0x0  }
0x39: {  	[sflag:s9] =	ssyncadd.s32 $0xFFFFFFF8  }
0x3a: {  	[tilespmem:s14], [sflag:$0x1] =	stream.indirect.gather [hbm4b:s2+s13], $0x40, s12, s13, $0xb8;
	[tilespmem:$0x2288] =	vst v63  }
0x3b: {  	s15 =	sadd.s32 $0x1, s15;
	_ =	swait.ge [sflag:s11], $0x200  }
0x3c: {  	p0 =	sne.s32 s15, s6;
	[sflag:s11] =	ssyncset.done $0x0  }
.Ltmp1:
0x3d: {  	[sflag:s11] =	ssyncadd.s32 $0xFFFFFE00;
	(pc) =	sbr.rel @p0 .LBB2_1-.Ltmp1, $4  }
0x3e: {  	[hbm4b:s5+s3] =	stream.linear.scatter [tilespmem:s14], [sflag:$0x2], $0x200, $0x38;
	[tilespmem:$0x2288] =	vst v63  }
0x3f: {  	_ =	swait.ge [sflag:s9], $0x200  }
0x40: {  	[sflag:s9] =	ssyncset.done $0x0  }
0x41: {  	[sflag:s9] =	ssyncadd.s32 $0xFFFFFE00  }
0x42: {  	_ =	sfence.sel $0x180000  }
0x43: {  	[bflag:$0x0] =	sbarrier.arrive $0xFFFF  }
0x44: {  	p0 =	sne.s32 s1, $0x0;
	_ =	strace $0x90000053  }
0x45: {  	s0 =	sadd.s32 @!p0 $0x100000, s0;
	[bflag:$0x2] =	sbarrier.arrive $0xFFFF  }
0x46: {  	[sflag:s0] =	ssyncadd.tile.s32 @!p0 $0x1;
	_ =	shalt  }
.Lfunc_end2:
_tile_overlayer_lowered:
.L_overlay_start_2:
0x47: {  	(tag) =	ssettag $0x2  }
0x48: {  	s0 =	rddreg [dreg:$0x0];
	s2 =	stileid.u32  }
0x49: {  	s1 =	rddreg [dreg:$0x1];
	p0 =	sne.s32 s2, $0x0  }
0x4a: {  	s3 =	rddreg [dreg:$0x2];
	[bflag:$0x3] =	sbarrier.arrive $0xFFFF;
	s2 =	simm.s32 @!p0 $0x1C02  }
0x4b: {  	[timem:s3], [sflag:s2] =	dma.local @!p0 [hbm:s0], s1  }
0x4c: {  	s0 =	simm.s32 @!p0 $0x2  }
0x4d: {  	_ =	swait.ge @!p0 [sflag:s0], s1  }
0x4e: {  	s1 =	ssub.s32 @!p0 $0x0, s1;
	[sflag:s0] =	ssyncset.done @!p0 $0x0  }
0x4f: {  	[sflag:s0] =	ssyncadd.s32 @!p0 s1  }
0x50: {  	[bflag:$0x3] =	sbarrier.arrive $0xFFFF  }
0x51: {  	_ =	shalt  }

// kernel: kernel.30.cloned.1.call-start
scs
__scs_entry_jumppad:
0x0: {  	(pc) =	sbr.rel $0x88, $3  }
0x1: {  	(tag) =	ssettag $0x0;
	lr =	simm.s32 $0x1  }
0x2: {  	[smem:$0x3F93] =	sst lr;
	_ =	strace $0xD0000000  }
0x3: {  	_ = 	snop  }
0x4: {  	_ = 	snop  }
0x5: {  	_ = 	snop  }
0x6: {  	_ = 	snop  }
0x7: {  	_ = 	snop  }
__scs_overlays_trampoline_lowered:
0x8: {  	[smem:$0x3FA2] =	sst s0  }
0x9: {  	[smem:$0x3FA3] =	sst s1  }
0xa: {  	[smem:$0x3FA4] =	sst s2  }
0xb: {  	[smem:$0x3FA5] =	sst s3  }
0xc: {  	[smem:$0x3FA6] =	sst s4  }
0xd: {  	[smem:$0x3FA7] =	sst s5  }
0xe: {  	[smem:$0x3FA8] =	sst s6  }
0xf: {  	[smem:$0x3FA9] =	sst s7  }
0x10: {  	[smem:$0x3FAA] =	sst s8  }
0x11: {  	[smem:$0x3FAB] =	sst s9;
	s0 =	simm.s32 @!p0 $0x0  }
0x12: {  	s1 =	sld [smem:$0x3F91];
	s0 =	simm.s32 @p0 $0x1  }
0x13: {  	[smem:$0x3FAC] =	sst s0;
	s0 =	simm.s32 @!p1 $0x0  }
0x14: {  	s2 =	sld [smem:$0x3F90];
	s0 =	simm.s32 @p1 $0x1  }
0x15: {  	[smem:$0x3FAD] =	sst s0;
	s0 =	simm.s32 @!p2 $0x0  }
0x16: {  	s3 =	sld [smem:$0x3FDB];
	s0 =	simm.s32 @p2 $0x1  }
0x17: {  	s4 =	simm.s32 $0x1BF5;
	[smem:$0x3FAF] =	sst s0  }
0x18: {  	s0 =	sld [smem:$0x3F92];
	_ =	swait.ge [sflag:s4], $0x0  }
0x19: {  	s7 =	sld [smem:$0x3F93]  }
0x1a: {  	s8 =	sadd.s32 $0xFFFFE003, lr  }
0x1b: {  	s9 =	sadd.s32 $0xFFFFFEF7, lr;
	s5 =	simm.s32 $0xFFFFFFFF;
	p2 =	slt.u32 s8, $0xFFFFF086  }
0x1c: {  	p1 =	slt.u32 s9, $0xF7A;
	s5 =	simm.s32 @!p2 $0x0  }
0x1d: {  	s5 =	simm.s32 @p1 $0x1;
	p0 =	seq.s32 s7, s2  }
0x1e: {  	s7 =	smul.u32 @!p0 $0xF7A, s2;
	p2 =	seq.s32 @!p0 s5, $0x0  }
0x1f: {  	s9 =	smul.u32 $0xF7A, s1;
	s8 =	simm.s32 @!p0 $0x1BF5;
	p2 =	por !p2, p0  }
0x20: {  	[sflag:s8] =	ssyncset.s32 @!p0 $0xFFFFF086;
	s6 =	sadd.s32 @!p0 s3, s7;
	s7 =	simm.s32 @!p0 $0x108  }
0x21: {  	s3 =	sadd.s32 s3, s9;
	s6 =	sadd.s32 @!p0 $0x88, s6;
	s7 =	simm.s32 @p2 $0x1082  }
0x22: {  	[simem:s7], [sflag:s8] =	dma.local @!p0 [hbm:s6], $0xF7A  }
0x23: {  	s9 =	sor.u32 $0xD0000000, s2;
	s6 =	simm.s32 $0x108;
	_ =	swait.ge @!p0 [sflag:s8], $0x0  }
0x24: {  	s3 =	sadd.s32 $0x88, s3;
	s6 =	simm.s32 @!p1 $0x1082;
	[sflag:s4] =	ssyncset.s32 $0xFFFFF086  }
0x25: {  	[simem:s6], [sflag:s4] =	dma.local [hbm:s3], $0xF7A  }
0x26: {  	[smem:$0x3F93] =	sst s1;
	(tag) =	ssettag s2;
	_ =	strace s9  }
0x27: {  	s1 =	sld [smem:$0x3FA3]  }
0x28: {  	s2 =	sld [smem:$0x3FA4]  }
0x29: {  	s4 =	sld [smem:$0x3FA6]  }
0x2a: {  	p0 =	seq.s32 s5, $0x0;
	s5 =	sld [smem:$0x3FA7]  }
0x2b: {  	s6 =	sld [smem:$0x3FA8]  }
0x2c: {  	s7 =	sld [smem:$0x3FA9]  }
0x2d: {  	s3 =	simm.s32 $0x108;
	s8 =	sld [smem:$0x3FAA]  }
0x2e: {  	s3 =	simm.s32 @!p0 $0x1082;
	s9 =	sld [smem:$0x3FAB]  }
0x2f: {  	lr =	sadd.s32 s0, s3;
	s0 =	sld [smem:$0x3FA2]  }
0x30: {  	s3 =	sld [smem:$0x3FA5]  }
0x31: {  	[smem:$0x3FAE] =	sst s10  }
0x32: {  	s10 =	sld [smem:$0x3FAC];
	_ =	sdelay $0x3  }
0x33: {  	p0 =	seq.s32 s10, $0x1;
	s10 =	sld [smem:$0x3FAE];
	_ =	sdelay $0x3  }
0x34: {  	[smem:$0x3FAE] =	sst s10  }
0x35: {  	s10 =	sld [smem:$0x3FAD];
	_ =	sdelay $0x3  }
0x36: {  	p1 =	seq.s32 s10, $0x1;
	s10 =	sld [smem:$0x3FAE];
	_ =	sdelay $0x3  }
0x37: {  	[smem:$0x3FAE] =	sst s10  }
0x38: {  	s10 =	sld [smem:$0x3FAF]  }
0x39: {  	_ = 	snop;
	(pc) =	sbr.ind lr, $3  }
0x3a: {  	_ = 	snop  }
0x3b: {  	_ = 	snop  }
0x3c: {  	p2 =	seq.s32 s10, $0x1;
	s10 =	sld [smem:$0x3FAE]  }
0x3d: {  	_ =	shalt  }
0x3e: {  	_ =	shalt  }
0x3f: {  	_ =	shalt  }
0x40: {  	_ =	shalt  }
0x41: {  	_ =	shalt  }
0x42: {  	_ =	shalt  }
0x43: {  	_ =	shalt  }
0x44: {  	_ =	shalt  }
0x45: {  	_ =	shalt  }
0x46: {  	_ =	shalt  }
0x47: {  	_ =	shalt  }
0x48: {  	_ =	shalt  }
0x49: {  	_ =	shalt  }
0x4a: {  	_ =	shalt  }
0x4b: {  	_ =	shalt  }
0x4c: {  	_ =	shalt  }
0x4d: {  	_ =	shalt  }
0x4e: {  	_ =	shalt  }
0x4f: {  	_ =	shalt  }
0x50: {  	_ =	shalt  }
0x51: {  	_ =	shalt  }
0x52: {  	_ =	shalt  }
0x53: {  	_ =	shalt  }
0x54: {  	_ =	shalt  }
0x55: {  	_ =	shalt  }
0x56: {  	_ =	shalt  }
0x57: {  	_ =	shalt  }
0x58: {  	_ =	shalt  }
0x59: {  	_ =	shalt  }
0x5a: {  	_ =	shalt  }
0x5b: {  	_ =	shalt  }
0x5c: {  	_ =	shalt  }
0x5d: {  	_ =	shalt  }
0x5e: {  	_ =	shalt  }
0x5f: {  	_ =	shalt  }
0x60: {  	_ =	shalt  }
0x61: {  	_ =	shalt  }
0x62: {  	_ =	shalt  }
0x63: {  	_ =	shalt  }
0x64: {  	_ =	shalt  }
0x65: {  	_ =	shalt  }
0x66: {  	_ =	shalt  }
0x67: {  	_ =	shalt  }
0x68: {  	_ =	shalt  }
0x69: {  	_ =	shalt  }
0x6a: {  	_ =	shalt  }
0x6b: {  	_ =	shalt  }
0x6c: {  	_ =	shalt  }
0x6d: {  	_ =	shalt  }
0x6e: {  	_ =	shalt  }
0x6f: {  	_ =	shalt  }
0x70: {  	_ =	shalt  }
0x71: {  	_ =	shalt  }
0x72: {  	_ =	shalt  }
0x73: {  	_ =	shalt  }
0x74: {  	_ =	shalt  }
0x75: {  	_ =	shalt  }
0x76: {  	_ =	shalt  }
0x77: {  	_ =	shalt  }
0x78: {  	_ =	shalt  }
0x79: {  	_ =	shalt  }
0x7a: {  	_ =	shalt  }
0x7b: {  	_ =	shalt  }
0x7c: {  	_ =	shalt  }
0x7d: {  	_ =	shalt  }
0x7e: {  	_ =	shalt  }
0x7f: {  	_ =	shalt  }
0x80: {  	_ =	shalt  }
0x81: {  	_ =	shalt  }
0x82: {  	_ =	shalt  }
0x83: {  	_ =	shalt  }
0x84: {  	_ =	shalt  }
0x85: {  	_ =	shalt  }
0x86: {  	_ =	shalt  }
0x87: {  	_ =	shalt  }
.Lfunc_end0:
.L_simem_size_0:
called_computation.5_lowered:
.L_overlay_start_0:
0x88: {  	s2 =	sld [smem:$0x3FD9]  }
0x89: {  	s3 =	sld [smem:$0x3FFE];
	_ =	sdelay $0x1  }
0x8a: {  	s1 =	srdreg.scid  }
0x8b: {  	s0 =	sand.u32 $0x1, s1  }
0x8c: {  	s16 =	sshll.u32 s0, $0xA;
	s2 =	sadd.s32 s3, s2  }
0x8d: {  	s2 =	sadd.s32 s2, s16  }
0x8e: {  	[smem:$0x3FBA] =	sst s2  }
0x8f: {  	_ = 	snop  }
0x90: {  	(tm) =	ssettm $0x1  }
0x91: {  	s17 =	sld [smem:$0x3FFB];
	_ =	sdelay $0x3  }
0x92: {  	_ =	strace s17  }
0x93: {  	s2 =	sld [smem:$0x3FFC];
	_ =	sdelay $0x3  }
0x94: {  	_ =	strace s2  }
0x95: {  	s2 =	sld [smem:$0x3FFD];
	_ =	sdelay $0x3  }
0x96: {  	_ =	strace s2  }
0x97: {  	_ =	strace $0x8FFFFFFF  }
0x98: {  	s18 =	sld [smem:$0x3FDB];
	_ =	sdelay $0x1  }
0x99: {  	s19 =	simm.s32 $_scs_section_size  }
0x9a: {  	s4 =	simm.s32 $_size__tile_overlayer_lowered;
	s5 =	simm.s32 $_tile_overlayer_lowered  }
0x9b: {  	s22 =	simm.s32 $0x1BFF;
	s21 =	sshll.u32 s5, $0x1;
	s2 =	sadd.s32 s19, s18  }
0x9c: {  	s6 =	simm.s32 $0x0;
	s20 =	sshll.u32 s4, $0x1;
	s4 =	sadd.s32 s21, s2  }
0x9d: {  	[timem:s6], [sflag:s22] =	dma.local [hbm:s4], s20  }
0x9e: {  	_ =	swait.ge [sflag:s22], s20  }
0x9f: {  	s3 =	ssub.s32 $0x0, s20;
	[sflag:s22] =	ssyncset.done $0x0  }
0xa0: {  	[sflag:s22] =	ssyncadd.s32 s3;
	_ =	sdelay $0x1  }
0xa1: {  	s23 =	simm.s32 $0x1B8B  }
0xa2: {  	_ =	swait.ge [sflag:s23], $0x1  }
0xa3: {  	[sflag:s23] =	ssyncset.done $0x0  }
0xa4: {  	s25 =	simm.s32 $0x1B8E;
	s24 =	sld [smem:$0x3FFE];
	[sflag:s23] =	ssyncadd.s32 $0xFFFFFFFF  }
0xa5: {  	s26 =	simm.s32 $execute0_lowered;
	[smem:$0x3FD2] =	sst s25  }
0xa6: {  	s4 =	sshll.u32 s26, $0x1;
	_ =	strace $0x80000055;
	[dreg:$0x1] =	wrdreg $0xFFFFFFFF  }
0xa7: {  	s28 =	simm.s32 $_size_execute0_lowered;
	s2 =	sadd.s32 s2, s4;
	[dreg:$0x0] =	wrdreg $0x0  }
0xa8: {  	s4 =	sshll.u32 s28, $0x1;
	[dreg:$0x2] =	wrdreg s2  }
0xa9: {  	[dreg:$0x3] =	wrdreg s4  }
0xaa: {  	[dreg:$0x4] =	wrdreg $0xC0  }
0xab: {  	_ =	task [dreg:s6], $0x5FFFF  }
0xac: {  	[dreg:$0x1] =	wrdreg $0xFFFFFFFF  }
0xad: {  	[dreg:$0x0] =	wrdreg $0x60  }
0xae: {  	[dreg:$0x2] =	wrdreg s24  }
0xaf: {  	[dreg:$0x3] =	wrdreg $0x22880  }
0xb0: {  	[dreg:$0x4] =	wrdreg $0x9  }
0xb1: {  	_ =	task.clear_ibuf [dreg:s6], $0x5FFFF;
	_ =	strace $0x90000055  }
0xb2: {  	s29 =	simm.s32 $0x9;
	_ =	strace $0x80000057  }
0xb3: {  	_ =	swait.ge [sflag:s29], $0x1  }
0xb4: {  	[sflag:s29] =	ssyncadd.s32 $0xFFFFFFFF  }
0xb5: {  	_ =	strace $0x90000057  }
0xb6: {  	_ =	sfence  }
0xb7: {  	s30 =	sld [smem:$0x0];
	_ =	sdelay $0x2  }
0xb8: {  	s31 =	sshll.u32 s1, $0xD;
	s1 =	sshrl.u32 s1, $0x2  }
0xb9: {  	s3 =	sand.u32 $0x4000, s31;
	s1 =	sadd.s32 s1, s30  }
0xba: {  	s0 =	sor.u32 s3, s0;
	s1 =	sshll.u32 s1, $0x11  }
0xbb: {  	s0 =	sor.u32 s1, s0  }
0xbc: {  	s0 =	sadd.s32 $0x8F2B, s0  }
0xbd: {  	[sflag:s0] =	ssyncadd.remote.s32 $0x1  }
0xbe: {  	_ =	sfence.sel $0xFFFF  }
0xbf: {  	[dreg:$0x0] =	wrdreg $0xFFFFFFFF;
	(pc) =	sbr.abs _section_cstart, $3  }
0xc0: {  	[dreg:$0x1] =	wrdreg $0xFFFFFFFF  }
0xc1: {  	_ =	task.clear_ibuf [dreg:s6], $0x2FFFF;
	_ =	strace $0x9FFFFFFF  }
0xc2: {  	(tm) =	ssettm $0x7FFFFFFF  }
0xc3: {  	_ =	shalt  }
tec
execute0_lowered:
.L_overlay_start_1:
0x0: {  	(tag) =	ssettag $0x1  }
0x1: {  	s4 =	rddreg [dreg:$0x0]  }
0x2: {  	s2 =	rddreg [dreg:$0x1];
	s1 =	stileid.u32  }
0x3: {  	s0 =	rddreg [dreg:$0x2];
	s3 =	simm.s32 $0x0;
	s5 =	smul.u32 $0xA000, s1  }
0x4: {  	s6 =	srdreg.scid;
	s18 =	simm.s32 $0x0;
	s22 =	smul.u32 $0x1400, s1  }
0x5: {  	[smem:$0x7FF] =	sst s3;
	s10 =	sadd.s32 $0x17A00, s4;
	s15 =	smul.u32 $0x2710, s1  }
0x6: {  	s9 =	sand.u32 $0x1, s6;
	s11 =	sadd.s32 $0x12A00, s4;
	s17 =	smul.u32 $0x13880, s1  }
0x7: {  	s13 =	sshll.u32 s1, $0x1;
	s26 =	sshll.u32 s1, $0x6;
	s8 =	smul.u32 $0x14000, s9  }
0x8: {  	_ =	strace $0x80000056;
	s12 =	ssub.s32 $0x2, s9;
	s16 =	smul.u32 $0x1388, s9  }
0x9: {  	s13 =	sor.u32 s9, s13;
	s30 =	smul.u32 $0x9C40, s9;
	s7 =	sshrl.u32 s5, $0x3  }
0xa: {  	s23 =	sshrl.u32 s12, $0x1;
	s24 =	smul.u32 $0x1388, s13;
	s25 =	sadd.s32 s5, s2  }
0xb: {  	s5 =	sor.u32 $0x1C01, s26;
	s13 =	simm.s32 $0x1;
	s7 =	sadd.s32 s7, s4  }
0xc: {  	s6 =	sadd.s32 s22, s8;
	s12 =	ssub.s32 s12, s23;
	s15 =	sadd.s32 s16, s15  }
0xd: {  	s16 =	simm.s32 $0x2088;
	s14 =	sadd.s32 s6, s4;
	s4 =	sadd.s32 $0x1FD400, s7  }
0xe: {  	s6 =	sadd.s32 $0x1380, s24;
	s9 =	smax.u32 s12, $0x1;
	s31 =	sshrl.u32 s15, $0x3  }
0xf: {  	s12 =	sshrl.u32 s25, $0x3;
	s15 =	simm.s32 $0x2080;
	s28 =	sshrl.u32 s6, $0x3  }
0x10: {  	s29 =	sshll.u32 s6, $0x3;
	s8 =	sadd.s32 $0x150200, s14;
	s14 =	simm.s32 $0x80  }
0x11: {  	s6 =	sadd.s32 s11, s28;
	s7 =	sadd.s32 s10, s29;
	s10 =	sadd.s32 s17, s10  }
0x12: {  	s11 =	sadd.s32 s31, s11;
	s17 =	simm.s32 $0x8;
	s10 =	sadd.s32 s30, s10  }
.LBB2_1:
0x13: {  	[spmem:s12], [sflag:s5] =	dma.local [hbm:s4], $0x1400  }
0x14: {  	_ =	swait.ge [sflag:s13], $0x1400  }
0x15: {  	[sflag:s13] =	ssyncset.done $0x0  }
0x16: {  	[sflag:s13] =	ssyncadd.s32 $0xFFFFEC00  }
0x17: {  	s19 =	sadd.s32 $0x0, s11;
	[bflag:$0x0] =	sbarrier.arrive $0xFFFF  }
0x18: {  	[tilespmem:s3], [sflag:$0x1] =	stream.linear.gather [hbm4b:s19+s3], $0x80, $0x38;
	[tilespmem:$0xC288] =	vst v63  }
0x19: {  	_ =	swait.ge [sflag:s13], $0x80  }
0x1a: {  	[sflag:s13] =	ssyncset.done $0x0  }
0x1b: {  	[sflag:s13] =	ssyncadd.s32 $0xFFFFFF80  }
0x1c: {  	[tilespmem:s14], [sflag:$0x1] =	stream.linear.gather [hbm4b:s10+s3], $0x2000, $0x38;
	[tilespmem:$0xC288] =	vst v63  }
0x1d: {  	_ =	swait.ge [sflag:s13], $0x2000  }
0x1e: {  	[sflag:s13] =	ssyncset.done $0x0  }
0x1f: {  	[sflag:s13] =	ssyncadd.s32 $0xFFFFE000  }
0x20: {  	[spmem:s2] =	stream.indirect.scatter.add.f32 [tilespmem:s14], [sflag:$0x1], $0x40, s3, s14, $0xb8;
	[tilespmem:$0xC288] =	vst v63  }
0x21: {  	s20 =	simm.s32 $0x10;
	_ =	swait.ge [sflag:s13], $0x2000  }
0x22: {  	s21 =	simm.s32 $0x20;
	s19 =	sadd.s32 $0x400, s10;
	[sflag:s13] =	ssyncset.done $0x0  }
.LBB2_2:
0x23: {  	s22 =	sadd.s32 s20, s11  }
0x24: {  	[sflag:s13] =	ssyncadd.s32 $0xFFFFE000;
	s20 =	smov.u32 s21;
	s23 =	sadd.s32 $0x10, s21  }
0x25: {  	[tilespmem:s3], [sflag:$0x1] =	stream.linear.gather [hbm4b:s22+s3], $0x80, $0x38;
	[tilespmem:$0xC288] =	vst v63  }
0x26: {  	p0 =	sne.s32 s21, $0x260;
	_ =	swait.ge [sflag:s13], $0x80  }
0x27: {  	[sflag:s13] =	ssyncset.done $0x0  }
0x28: {  	[sflag:s13] =	ssyncadd.s32 $0xFFFFFF80  }
0x29: {  	[tilespmem:s14], [sflag:$0x1] =	stream.linear.gather [hbm4b:s19+s3], $0x2000, $0x38;
	[tilespmem:$0xC288] =	vst v63  }
0x2a: {  	_ =	swait.ge [sflag:s13], $0x2000  }
.Ltmp0:
0x2b: {  	[sflag:s13] =	ssyncset.done $0x0;
	(pc) =	sbr.rel @p0 .LBB2_2-.Ltmp0, $4  }
0x2c: {  	[sflag:s13] =	ssyncadd.s32 $0xFFFFE000  }
0x2d: {  	[spmem:s2] =	stream.indirect.scatter.add.f32 [tilespmem:s14], [sflag:$0x1], $0x40, s3, s14, $0xb8;
	[tilespmem:$0xC288] =	vst v63  }
0x2e: {  	_ =	swait.ge [sflag:s13], $0x2000  }
0x2f: {  	s21 =	smov.u32 s23;
	s19 =	sadd.s32 $0x400, s19;
	[sflag:s13] =	ssyncset.done $0x0  }
0x30: {  	s20 =	sadd.s32 s20, s11;
	[sflag:s13] =	ssyncadd.s32 $0xFFFFE000  }
0x31: {  	[tilespmem:s3], [sflag:$0x1] =	stream.linear.gather [hbm4b:s20+s3], $0x80, $0x38;
	[tilespmem:$0xC288] =	vst v63  }
0x32: {  	_ =	swait.ge [sflag:s13], $0x80  }
0x33: {  	[sflag:s13] =	ssyncset.done $0x0  }
0x34: {  	[sflag:s13] =	ssyncadd.s32 $0xFFFFFF80  }
0x35: {  	[tilespmem:s14], [sflag:$0x1] =	stream.linear.gather [hbm4b:s19+s3], $0x2000, $0x38;
	[tilespmem:$0xC288] =	vst v63  }
0x36: {  	_ =	swait.ge [sflag:s13], $0x2000  }
0x37: {  	[sflag:s13] =	ssyncset.done $0x0  }
0x38: {  	[sflag:s13] =	ssyncadd.s32 $0xFFFFE000  }
0x39: {  	[spmem:s2] =	stream.indirect.scatter.add.f32 [tilespmem:s14], [sflag:$0x1], $0x40, s3, s14, $0xb8;
	[tilespmem:$0xC288] =	vst v63  }
0x3a: {  	_ =	swait.ge [sflag:s13], $0x2000  }
0x3b: {  	[sflag:s13] =	ssyncset.done $0x0  }
0x3c: {  	[sflag:s13] =	ssyncadd.s32 $0xFFFFE000  }
0x3d: {  	[tilespmem:s15], [sflag:$0x1] =	stream.linear.gather [hbm4b:s6+s3], $0x8, $0x38;
	[tilespmem:$0xC288] =	vst v63  }
0x3e: {  	_ =	swait.ge [sflag:s13], $0x8  }
0x3f: {  	[sflag:s13] =	ssyncset.done $0x0  }
0x40: {  	[sflag:s13] =	ssyncadd.s32 $0xFFFFFFF8  }
0x41: {  	[tilespmem:s16], [sflag:$0x1] =	stream.linear.gather [hbm4b:s7+s3], $0x200, $0x38;
	[tilespmem:$0xC288] =	vst v63  }
0x42: {  	_ =	swait.ge [sflag:s13], $0x200  }
0x43: {  	[sflag:s13] =	ssyncset.done $0x0  }
0x44: {  	[sflag:s13] =	ssyncadd.s32 $0xFFFFFE00  }
0x45: {  	[spmem:s2] =	stream.indirect.scatter.add.f32 [tilespmem:s16], [sflag:$0x1], $0x40, s15, s17, $0xb8;
	[tilespmem:$0xC288] =	vst v63  }
0x46: {  	_ =	swait.ge [sflag:s13], $0x200  }
0x47: {  	s18 =	sadd.s32 $0x1, s18;
	[sflag:s13] =	ssyncset.done $0x0  }
0x48: {  	p0 =	sne.s32 s18, s9;
	[sflag:s13] =	ssyncadd.s32 $0xFFFFFE00  }
.Ltmp1:
0x49: {  	[bflag:$0x0] =	sbarrier.arrive $0xFFFF;
	(pc) =	sbr.rel @p0 .LBB2_1-.Ltmp1, $4  }
0x4a: {  	[hbm:s8], [sflag:s5] =	dma.local [spmem:s12], $0x1400  }
0x4b: {  	_ =	swait.ge [sflag:s13], $0x1400  }
0x4c: {  	[sflag:s13] =	ssyncset.done $0x0  }
0x4d: {  	[sflag:s13] =	ssyncadd.s32 $0xFFFFEC00  }
0x4e: {  	_ =	sfence.sel $0x180000  }
0x4f: {  	[bflag:$0x0] =	sbarrier.arrive $0xFFFF  }
0x50: {  	p0 =	sne.s32 s1, $0x0;
	_ =	strace $0x90000056  }
0x51: {  	s0 =	sadd.s32 @!p0 $0x100000, s0;
	[bflag:$0x2] =	sbarrier.arrive $0xFFFF  }
0x52: {  	[sflag:s0] =	ssyncadd.tile.s32 @!p0 $0x1;
	_ =	shalt  }
.Lfunc_end2:
_tile_overlayer_lowered:
.L_overlay_start_2:
0x53: {  	(tag) =	ssettag $0x2  }
0x54: {  	s0 =	rddreg [dreg:$0x0];
	s2 =	stileid.u32  }
0x55: {  	s1 =	rddreg [dreg:$0x1];
	p0 =	sne.s32 s2, $0x0  }
0x56: {  	s3 =	rddreg [dreg:$0x2];
	[bflag:$0x3] =	sbarrier.arrive $0xFFFF;
	s2 =	simm.s32 @!p0 $0x1C01  }
0x57: {  	[timem:s3], [sflag:s2] =	dma.local @!p0 [hbm:s0], s1  }
0x58: {  	s0 =	simm.s32 @!p0 $0x1  }
0x59: {  	_ =	swait.ge @!p0 [sflag:s0], s1  }
0x5a: {  	s1 =	ssub.s32 @!p0 $0x0, s1;
	[sflag:s0] =	ssyncset.done @!p0 $0x0  }
0x5b: {  	[sflag:s0] =	ssyncadd.s32 @!p0 s1  }
0x5c: {  	[bflag:$0x3] =	sbarrier.arrive $0xFFFF  }
0x5d: {  	_ =	shalt  }

</sc_bundles>
